<compile_context>
chip_gen: v7x
topology: tpu7x:2x2x1
jax: 0.10.2.dev20260603
libtpu: 0.0.44.dev20260713+nightly
codegen_flags: <defaults>
</compile_context>

<pallas_src>
import functools

import jax
import jax.numpy as jnp
from jax import lax
from jax.experimental import pallas as pl
from jax.experimental.pallas import tpu as pltpu
from jax.experimental.pallas import tpu_sc as plsc

B = 4096
HIST = 50
NG = 8
GENRE_VOCAB = 21
D = 64
VOCAB = 100001

NC = 2
NS = 16
NW = NC * NS
BPW = B // NW
NPAIR = BPW // 2
H2 = 2 * HIST

TBLK = 8192
M = 13 * TBLK


def _tc_transpose(tin_ref, o_ref):
    o_ref[:, 0:D] = tin_ref[...].T


def _transpose_table(table_t):
    return pl.pallas_call(
        _tc_transpose,
        grid=(M // TBLK,),
        in_specs=[pl.BlockSpec((D, TBLK), lambda i: (0, i))],
        out_specs=pl.BlockSpec((TBLK, 128), lambda i: (i, 0)),
        out_shape=jax.ShapeDtypeStruct((M, 128), jnp.float32),
    )(table_t)


@functools.partial(
    pl.kernel,
    out_type=jax.ShapeDtypeStruct((B, 128), jnp.float32),
    mesh=plsc.VectorSubcoreMesh(
        core_axis_name="c", subcore_axis_name="s",
        num_cores=NC, num_subcores=NS),
    scratch_types=[
        pltpu.VMEM((NPAIR, H2), jnp.int32),
        pltpu.VMEM((BPW, 16), jnp.int32),
        pltpu.VMEM((GENRE_VOCAB, D), jnp.float32),
        pltpu.VMEM((H2, D), jnp.float32),
        pltpu.VMEM((H2, D), jnp.float32),
        pltpu.VMEM((BPW, 128), jnp.float32),
        pltpu.SemaphoreType.DMA,
        pltpu.SemaphoreType.DMA,
    ],
    compiler_params=pltpu.CompilerParams(
        use_tc_tiling_on_sc=False, needs_layout_passes=False),
)
def _sc_hist_pool(hist_hbm, tg_hbm, gtab_hbm, itab_hbm, hsum_out,
                  idx_v, tg_v, gtab_v, rows_a, rows_b, sum_v, sem_a, sem_b):
    w = lax.axis_index("s") * NC + lax.axis_index("c")
    base = w * BPW

    pltpu.sync_copy(hist_hbm.at[w], idx_v)
    pltpu.sync_copy(tg_hbm.at[w], tg_v)
    pltpu.sync_copy(gtab_hbm, gtab_v)

    def _accum(rows, off, r, p):
        def acc_body(j, acc):
            return tuple(acc[c] + rows[off + j, pl.ds(16 * c, 16)]
                         for c in range(4))

        z = jnp.zeros((16,), jnp.float32)
        acc = lax.fori_loop(0, HIST, acc_body, (z, z, z, z), unroll=5)
        ones = jnp.ones((16,), jnp.float32)
        zs = jnp.zeros((16,), jnp.float32)
        lane = lax.iota(jnp.int32, 16)
        i0 = idx_v[p, pl.ds(off, 16)]
        i1 = idx_v[p, pl.ds(off + 16, 16)]
        i2 = idx_v[p, pl.ds(off + 32, 16)]
        i3 = idx_v[p, pl.ds(off + 34, 16)]
        cs = (jnp.where(i0 > 0, ones, zs) + jnp.where(i1 > 0, ones, zs)
              + jnp.where(i2 > 0, ones, zs)
              + jnp.where((i3 > 0) & (lane >= 14), ones, zs))
        hden = jnp.sum(cs) + 1e-8
        for c in range(4):
            sum_v[r, pl.ds(16 * c, 16)] = acc[c] / hden
        gacc = [jnp.zeros((16,), jnp.float32) for _ in range(4)]
        gv = tg_v[r, pl.ds(0, 16)]
        for j in range(NG):
            gid = gv[j]
            for c in range(4):
                gacc[c] = gacc[c] + gtab_v[gid, pl.ds(16 * c, 16)]
        gden = jnp.sum(jnp.where(gv > 0, ones, zs)) + 1e-8
        for c in range(4):
            sum_v[r, pl.ds(D + 16 * c, 16)] = gacc[c] / gden

    pltpu.async_copy(itab_hbm.at[idx_v.at[0]], rows_a, sem_a)

    def quad_body(g, carry):
        p0 = 2 * g
        pltpu.async_copy(itab_hbm.at[idx_v.at[p0 + 1]], rows_b, sem_b)
        pltpu.make_async_copy(itab_hbm.at[idx_v.at[p0]], rows_a, sem_a).wait()
        _accum(rows_a, 0, 2 * p0, p0)
        _accum(rows_a, HIST, 2 * p0 + 1, p0)

        @pl.when(p0 + 2 < NPAIR)
        def _():
            pltpu.async_copy(itab_hbm.at[idx_v.at[p0 + 2]], rows_a, sem_a)

        pltpu.make_async_copy(
            itab_hbm.at[idx_v.at[p0 + 1]], rows_b, sem_b).wait()
        _accum(rows_b, 0, 2 * p0 + 2, p0 + 1)
        _accum(rows_b, HIST, 2 * p0 + 3, p0 + 1)
        return carry

    lax.fori_loop(0, NPAIR // 2, quad_body, 0)
    pltpu.sync_copy(sum_v, hsum_out.at[pl.ds(base, BPW), :])


@functools.partial(
    pl.kernel,
    out_type=jax.ShapeDtypeStruct((B, 128), jnp.float32),
    mesh=plsc.VectorSubcoreMesh(
        core_axis_name="c", subcore_axis_name="s",
        num_cores=NC, num_subcores=NS),
    scratch_types=[
        pltpu.VMEM((BPW,), jnp.int32),
        pltpu.VMEM((BPW, 128), jnp.float32),
        pltpu.SemaphoreType.DMA,
    ],
    compiler_params=pltpu.CompilerParams(use_tc_tiling_on_sc=False),
)
def _sc_user_gather(uid_hbm, utab_hbm, u_out, uid_v, urows_v, sem):
    w = lax.axis_index("s") * NC + lax.axis_index("c")
    base = w * BPW
    pltpu.sync_copy(uid_hbm.at[pl.ds(base, BPW)], uid_v)
    pltpu.async_copy(utab_hbm.at[uid_v], urows_v, sem).wait()
    pltpu.sync_copy(urows_v, u_out.at[pl.ds(base, BPW), :])


def _tc_mlp(u_ref, hs_ref, cont_ref,
            wc_ref, bc_ref, w1_ref, b1_ref, w2_ref, b2_ref, o_ref):
    hist_pool = hs_ref[:, 0:D]
    g_pool = hs_ref[:, D:2 * D]

    cont = cont_ref[...]
    wc = wc_ref[...]
    cont_emb = jnp.maximum(
        cont[:, 0:1] * wc[0:1, :] + cont[:, 1:2] * wc[1:2, :] + bc_ref[...],
        0.0)

    w1 = w1_ref[...]
    f32 = jnp.float32
    h = (jnp.dot(u_ref[:, 0:D], w1[0:64], preferred_element_type=f32)
         + jnp.dot(hist_pool, w1[64:128], preferred_element_type=f32)
         + jnp.dot(g_pool, w1[128:192], preferred_element_type=f32)
         + jnp.dot(cont_emb, w1[192:256], preferred_element_type=f32)
         + b1_ref[...])
    h = jnp.maximum(h, 0.0)
    out = jnp.dot(h, w2_ref[...], preferred_element_type=f32) + b2_ref[...]
    nrm = jnp.sqrt(jnp.sum(out * out, axis=1, keepdims=True))
    o_ref[...] = (out / jnp.maximum(nrm, 1e-12)).T


def kernel(user_id, history, top_genres, avg_rating, activity,
           user_table, item_table, genre_table,
           W_cont, b_cont, W1, b1, W2, b2):
    uid = user_id.astype(jnp.int32)
    hist = history.astype(jnp.int32)
    tg = top_genres.astype(jnp.int32)
    hist3 = (hist * 2).reshape(NW, NPAIR, H2)
    tg3 = jnp.pad(tg, ((0, 0), (0, 16 - NG))).reshape(NW, BPW, 16)

    utabM = _transpose_table(user_table.T)
    u_emb = _sc_user_gather(uid, utabM)
    itabM = _transpose_table(item_table.T)
    itab2 = itabM.reshape(2 * M, D)
    hsum = _sc_hist_pool(hist3, tg3, genre_table, itab2)

    cont = jnp.stack([avg_rating, activity], axis=1)

    bb = 2048
    grid = (B // bb,)
    full = lambda shape: pl.BlockSpec(shape, lambda i: (0, 0))
    blk = lambda shape: pl.BlockSpec(shape, lambda i: (i, 0))

    out = pl.pallas_call(
        _tc_mlp,
        grid=grid,
        in_specs=[
            blk((bb, 128)),
            blk((bb, 128)),
            blk((bb, 2)),
            full((2, D)),
            full((1, D)),
            full((4 * D, 128)),
            full((1, 128)),
            full((128, D)),
            full((1, D)),
        ],
        out_specs=pl.BlockSpec((D, bb), lambda i: (0, i)),
        out_shape=jax.ShapeDtypeStruct((D, B), jnp.float32),
    )(u_emb, hsum, cont,
      W_cont, b_cont.reshape(1, D), W1, b1.reshape(1, 128), W2,
      b2.reshape(1, D))
    return out.T

# --- scband reference (transcript-rebuilt; emitter-appended) ---
"""Pipeline reference for scband-user-tower-68942815035675 (READ-ONLY COPY).

The authoritative reference and input builder live on the scoring server;
editing this copy changes nothing except your own understanding.
"""

import jax, jax.numpy as jnp
import numpy as np

B = 4096
HIST = 50
NG = 8
USER_VOCAB = 100001
ITEM_VOCAB = 100001
GENRE_VOCAB = 21
D = 64

def setup_inputs(seed: int = 0) -> dict:
    key = jax.random.key(seed)
    ks = jax.random.split(key, 16)
    user_id = jax.random.randint(ks[0], (B,), 0, USER_VOCAB, dtype=jnp.int64) if jax.config.jax_enable_x64 else jax.random.randint(ks[0], (B,), 0, USER_VOCAB).astype(jnp.int32)
    history = jax.random.randint(ks[1], (B, HIST), 0, ITEM_VOCAB).astype(jnp.int32)
    top_genres = jax.random.randint(ks[2], (B, NG), 0, GENRE_VOCAB).astype(jnp.int32)
    avg_rating = jax.random.uniform(ks[3], (B,), dtype=jnp.float32)
    activity = jax.random.uniform(ks[4], (B,), dtype=jnp.float32)
    user_table = (jax.random.normal(ks[5], (USER_VOCAB, D), dtype=jnp.float32) * 0.02).at[0].set(0.0)
    item_table = (jax.random.normal(ks[6], (ITEM_VOCAB, D), dtype=jnp.float32) * 0.02).at[0].set(0.0)
    genre_table = (jax.random.normal(ks[7], (GENRE_VOCAB, D), dtype=jnp.float32) * 0.02).at[0].set(0.0)
    W_cont = jax.random.normal(ks[8], (2, D), dtype=jnp.float32) * 0.1
    b_cont = jnp.zeros((D,), dtype=jnp.float32)
    W1 = jax.random.normal(ks[9], (4 * D, 128), dtype=jnp.float32) * 0.05
    b1 = jnp.zeros((128,), dtype=jnp.float32)
    W2 = jax.random.normal(ks[10], (128, D), dtype=jnp.float32) * 0.05
    b2 = jnp.zeros((D,), dtype=jnp.float32)
    return {"user_id": user_id, "history": history, "top_genres": top_genres,
            "avg_rating": avg_rating, "activity": activity,
            "user_table": user_table, "item_table": item_table, "genre_table": genre_table,
            "W_cont": W_cont, "b_cont": b_cont, "W1": W1, "b1": b1, "W2": W2, "b2": b2}

def reference(user_id, history, top_genres, avg_rating, activity,
              user_table, item_table, genre_table,
              W_cont, b_cont, W1, b1, W2, b2):
    u_emb = jnp.take(user_table, user_id, axis=0)
    hist_emb = jnp.take(item_table, history, axis=0)
    hist_mask = (history > 0).astype(jnp.float32)[..., None]
    hist_pool = (hist_emb * hist_mask).sum(axis=1) / (hist_mask.sum(axis=1) + 1e-08)
    g_emb = jnp.take(genre_table, top_genres, axis=0)
    g_mask = (top_genres > 0).astype(jnp.float32)[..., None]
    g_pool = (g_emb * g_mask).sum(axis=1) / (g_mask.sum(axis=1) + 1e-08)
    cont_feats = jnp.stack([avg_rating, activity], axis=1)
    cont_emb = jax.nn.relu(cont_feats @ W_cont + b_cont)
    concat = jnp.concatenate([u_emb, hist_pool, g_pool, cont_emb], axis=1)
    h = jax.nn.relu(concat @ W1 + b1)
    out = h @ W2 + b2
    norm = jnp.sqrt(jnp.sum(out * out, axis=1, keepdims=True))
    norm = jnp.maximum(norm, 1e-12)
    return out / norm

if __name__ == "__main__":
    import jax
    _d = setup_inputs()
    print(jax.jit(kernel)(*tuple(_d.values())))

</pallas_src>

<mosaic_0001>
#map = affine_map<(d0, d1) -> (0)>
#map1 = affine_map<(d0, d1) -> (0, 0)>
module attributes {stable_mosaic.version = 14 : i64} {
  func.func @_sc_user_gather(%arg0: i32, %arg1: i32, %arg2: memref<4096xi32, #tpu.memory_space<hbm>>, %arg3: memref<106496x128xf32, #tpu.memory_space<hbm>>, %arg4: memref<4096x128xf32, #tpu.memory_space<hbm>>, %arg5: memref<128xi32, #tpu.memory_space<vmem>>, %arg6: memref<128x128xf32, #tpu.memory_space<vmem>>, %arg7: memref<!tpu.dma_semaphore, #tpu.memory_space<semaphore_mem>>) attributes {dimension_semantics = [#tpu.dimension_semantics<core_parallel>, #tpu.dimension_semantics<subcore_parallel>], iteration_bounds = array<i64: 2, 16>, scalar_prefetch = 0 : i64, scratch_operands = 3 : i64, tpu.core_type = #tpu.core_type<sc_vector_subcore>, window_params = [{transform_indices = #map}, {transform_indices = #map1}, {transform_indices = #map1}]} {
    %mul3A = arith.constant 2 : i32
    %mul3A_0 = arith.muli %arg1, %mul3A : i32
    %add3A = arith.addi %mul3A_0, %arg0 : i32
    %mul3A_1 = arith.constant 128 : i32
    %mul3A_2 = arith.muli %add3A, %mul3A_1 : i32
    "tpu.region"() ({
      %run_scoped3A = tpu.sem_alloc : memref<!tpu.dma_semaphore, #tpu.memory_space<semaphore_mem>>
      %dma_start3A_7 = tpu.memref_slice %arg2[%mul3A_2] : memref<4096xi32, #tpu.memory_space<hbm>> -> memref<128xi32, #tpu.memory_space<hbm>>
      %dma_start3A_8 = tpu.memref_slice %arg2[%mul3A_2] : memref<4096xi32, #tpu.memory_space<hbm>> -> memref<128xi32, #tpu.memory_space<hbm>>
      tpu.enqueue_dma source(%dma_start3A_8 : memref<128xi32, #tpu.memory_space<hbm>>) target(%arg5 : memref<128xi32, #tpu.memory_space<vmem>>) target_semaphore(%run_scoped3A : memref<!tpu.dma_semaphore, #tpu.memory_space<semaphore_mem>>)
      %dma_wait3A_9 = tpu.memref_slice %arg2[%mul3A_2] : memref<4096xi32, #tpu.memory_space<hbm>> -> memref<128xi32, #tpu.memory_space<hbm>>
      %dma_wait3A_10 = tpu.memref_slice %arg2[%mul3A_2] : memref<4096xi32, #tpu.memory_space<hbm>> -> memref<128xi32, #tpu.memory_space<hbm>>
      tpu.wait_dma2 semaphore(%run_scoped3A : memref<!tpu.dma_semaphore, #tpu.memory_space<semaphore_mem>>) src(%dma_wait3A_10 : memref<128xi32, #tpu.memory_space<hbm>>) dst(%arg5 : memref<128xi32, #tpu.memory_space<vmem>>)
      tpu.yield
    }) : () -> ()
    %dma_start3A = arith.constant 0 : i32
    %dma_start3A_3 = arith.constant 0 : i32
    %dma_start3A_4 = tpu.memref_slice %arg3[%dma_start3A, %dma_start3A_3] : memref<106496x128xf32, #tpu.memory_space<hbm>> -> memref<106496x128xf32, #tpu.memory_space<hbm>>
    tpu.enqueue_indirect_dma source(%dma_start3A_4 : memref<106496x128xf32, #tpu.memory_space<hbm>>) target(%arg6 : memref<128x128xf32, #tpu.memory_space<vmem>>) offsets(%arg5 : memref<128xi32, #tpu.memory_space<vmem>>) semaphore(%arg7 : memref<!tpu.dma_semaphore, #tpu.memory_space<semaphore_mem>>)
    %dma_wait3A = arith.constant 0 : i32
    %dma_wait3A_5 = arith.constant 0 : i32
    %dma_wait3A_6 = tpu.memref_slice %arg3[%dma_wait3A, %dma_wait3A_5] : memref<106496x128xf32, #tpu.memory_space<hbm>> -> memref<106496x128xf32, #tpu.memory_space<hbm>>
    tpu.wait_indirect_dma semaphore(%arg7 : memref<!tpu.dma_semaphore, #tpu.memory_space<semaphore_mem>>) src(%dma_wait3A_6 : memref<106496x128xf32, #tpu.memory_space<hbm>>) dst(%arg6 : memref<128x128xf32, #tpu.memory_space<vmem>>)
    "tpu.region"() ({
      %run_scoped3A = tpu.sem_alloc : memref<!tpu.dma_semaphore, #tpu.memory_space<semaphore_mem>>
      %dma_start3A_7 = arith.constant 0 : i32
      %dma_start3A_8 = tpu.memref_slice %arg4[%mul3A_2, %dma_start3A_7] : memref<4096x128xf32, #tpu.memory_space<hbm>> -> memref<128x128xf32, #tpu.memory_space<hbm>>
      %dma_start3A_9 = arith.constant 0 : i32
      %dma_start3A_10 = tpu.memref_slice %arg4[%mul3A_2, %dma_start3A_9] : memref<4096x128xf32, #tpu.memory_space<hbm>> -> memref<128x128xf32, #tpu.memory_space<hbm>>
      tpu.enqueue_dma source(%arg6 : memref<128x128xf32, #tpu.memory_space<vmem>>) target(%dma_start3A_10 : memref<128x128xf32, #tpu.memory_space<hbm>>) target_semaphore(%run_scoped3A : memref<!tpu.dma_semaphore, #tpu.memory_space<semaphore_mem>>)
      %dma_wait3A_11 = arith.constant 0 : i32
      %dma_wait3A_12 = tpu.memref_slice %arg4[%mul3A_2, %dma_wait3A_11] : memref<4096x128xf32, #tpu.memory_space<hbm>> -> memref<128x128xf32, #tpu.memory_space<hbm>>
      %dma_wait3A_13 = arith.constant 0 : i32
      %dma_wait3A_14 = tpu.memref_slice %arg4[%mul3A_2, %dma_wait3A_13] : memref<4096x128xf32, #tpu.memory_space<hbm>> -> memref<128x128xf32, #tpu.memory_space<hbm>>
      tpu.wait_dma2 semaphore(%run_scoped3A : memref<!tpu.dma_semaphore, #tpu.memory_space<semaphore_mem>>) src(%arg6 : memref<128x128xf32, #tpu.memory_space<vmem>>) dst(%dma_wait3A_14 : memref<128x128xf32, #tpu.memory_space<hbm>>)
      tpu.yield
    }) : () -> ()
    return
  }
}

#map = affine_map<(d0, d1) -> (0, 0, 0)>
#map1 = affine_map<(d0, d1) -> (0, 0)>
module attributes {stable_mosaic.version = 14 : i64} {
  func.func @_sc_hist_pool(%arg0: i32, %arg1: i32, %arg2: memref<32x64x100xi32, #tpu.memory_space<hbm>>, %arg3: memref<32x128x16xi32, #tpu.memory_space<hbm>>, %arg4: memref<21x64xf32, #tpu.memory_space<hbm>>, %arg5: memref<212992x64xf32, #tpu.memory_space<hbm>>, %arg6: memref<4096x128xf32, #tpu.memory_space<hbm>>, %arg7: memref<64x100xi32, #tpu.memory_space<vmem>>, %arg8: memref<128x16xi32, #tpu.memory_space<vmem>>, %arg9: memref<21x64xf32, #tpu.memory_space<vmem>>, %arg10: memref<100x64xf32, #tpu.memory_space<vmem>>, %arg11: memref<100x64xf32, #tpu.memory_space<vmem>>, %arg12: memref<128x128xf32, #tpu.memory_space<vmem>>, %arg13: memref<!tpu.dma_semaphore, #tpu.memory_space<semaphore_mem>>, %arg14: memref<!tpu.dma_semaphore, #tpu.memory_space<semaphore_mem>>) attributes {dimension_semantics = [#tpu.dimension_semantics<core_parallel>, #tpu.dimension_semantics<subcore_parallel>], iteration_bounds = array<i64: 2, 16>, scalar_prefetch = 0 : i64, scratch_operands = 8 : i64, tpu.core_type = #tpu.core_type<sc_vector_subcore>, window_params = [{transform_indices = #map}, {transform_indices = #map}, {transform_indices = #map1}, {transform_indices = #map1}, {transform_indices = #map1}]} {
    %mul3A = arith.constant 2 : i32
    %mul3A_0 = arith.muli %arg1, %mul3A : i32
    %add3A = arith.addi %mul3A_0, %arg0 : i32
    %mul3A_1 = arith.constant 128 : i32
    %mul3A_2 = arith.muli %add3A, %mul3A_1 : i32
    "tpu.region"() ({
      %run_scoped3A = tpu.sem_alloc : memref<!tpu.dma_semaphore, #tpu.memory_space<semaphore_mem>>
      %dma_start3A_14 = arith.constant 0 : i32
      %dma_start3A_15 = arith.constant 0 : i32
      %dma_start3A_16 = tpu.memref_slice %arg2[%add3A, %dma_start3A_14, %dma_start3A_15] : memref<32x64x100xi32, #tpu.memory_space<hbm>> -> memref<1x64x100xi32, #tpu.memory_space<hbm>>
      %dma_start3A_17 = tpu.memref_squeeze %dma_start3A_16 : memref<1x64x100xi32, #tpu.memory_space<hbm>> -> memref<64x100xi32, #tpu.memory_space<hbm>>
      %dma_start3A_18 = arith.constant 0 : i32
      %dma_start3A_19 = arith.constant 0 : i32
      %dma_start3A_20 = tpu.memref_slice %arg2[%add3A, %dma_start3A_18, %dma_start3A_19] : memref<32x64x100xi32, #tpu.memory_space<hbm>> -> memref<1x64x100xi32, #tpu.memory_space<hbm>>
      %dma_start3A_21 = tpu.memref_squeeze %dma_start3A_20 : memref<1x64x100xi32, #tpu.memory_space<hbm>> -> memref<64x100xi32, #tpu.memory_space<hbm>>
      tpu.enqueue_dma source(%dma_start3A_21 : memref<64x100xi32, #tpu.memory_space<hbm>>) target(%arg7 : memref<64x100xi32, #tpu.memory_space<vmem>>) target_semaphore(%run_scoped3A : memref<!tpu.dma_semaphore, #tpu.memory_space<semaphore_mem>>)
      %dma_wait3A = arith.constant 0 : i32
      %dma_wait3A_22 = arith.constant 0 : i32
      %dma_wait3A_23 = tpu.memref_slice %arg2[%add3A, %dma_wait3A, %dma_wait3A_22] : memref<32x64x100xi32, #tpu.memory_space<hbm>> -> memref<1x64x100xi32, #tpu.memory_space<hbm>>
      %dma_wait3A_24 = tpu.memref_squeeze %dma_wait3A_23 : memref<1x64x100xi32, #tpu.memory_space<hbm>> -> memref<64x100xi32, #tpu.memory_space<hbm>>
      %dma_wait3A_25 = arith.constant 0 : i32
      %dma_wait3A_26 = arith.constant 0 : i32
      %dma_wait3A_27 = tpu.memref_slice %arg2[%add3A, %dma_wait3A_25, %dma_wait3A_26] : memref<32x64x100xi32, #tpu.memory_space<hbm>> -> memref<1x64x100xi32, #tpu.memory_space<hbm>>
      %dma_wait3A_28 = tpu.memref_squeeze %dma_wait3A_27 : memref<1x64x100xi32, #tpu.memory_space<hbm>> -> memref<64x100xi32, #tpu.memory_space<hbm>>
      tpu.wait_dma2 semaphore(%run_scoped3A : memref<!tpu.dma_semaphore, #tpu.memory_space<semaphore_mem>>) src(%dma_wait3A_28 : memref<64x100xi32, #tpu.memory_space<hbm>>) dst(%arg7 : memref<64x100xi32, #tpu.memory_space<vmem>>)
      tpu.yield
    }) : () -> ()
    "tpu.region"() ({
      %run_scoped3A = tpu.sem_alloc : memref<!tpu.dma_semaphore, #tpu.memory_space<semaphore_mem>>
      %dma_start3A_14 = arith.constant 0 : i32
      %dma_start3A_15 = arith.constant 0 : i32
      %dma_start3A_16 = tpu.memref_slice %arg3[%add3A, %dma_start3A_14, %dma_start3A_15] : memref<32x128x16xi32, #tpu.memory_space<hbm>> -> memref<1x128x16xi32, #tpu.memory_space<hbm>>
      %dma_start3A_17 = tpu.memref_squeeze %dma_start3A_16 : memref<1x128x16xi32, #tpu.memory_space<hbm>> -> memref<128x16xi32, #tpu.memory_space<hbm>>
      %dma_start3A_18 = arith.constant 0 : i32
      %dma_start3A_19 = arith.constant 0 : i32
      %dma_start3A_20 = tpu.memref_slice %arg3[%add3A, %dma_start3A_18, %dma_start3A_19] : memref<32x128x16xi32, #tpu.memory_space<hbm>> -> memref<1x128x16xi32, #tpu.memory_space<hbm>>
      %dma_start3A_21 = tpu.memref_squeeze %dma_start3A_20 : memref<1x128x16xi32, #tpu.memory_space<hbm>> -> memref<128x16xi32, #tpu.memory_space<hbm>>
      tpu.enqueue_dma source(%dma_start3A_21 : memref<128x16xi32, #tpu.memory_space<hbm>>) target(%arg8 : memref<128x16xi32, #tpu.memory_space<vmem>>) target_semaphore(%run_scoped3A : memref<!tpu.dma_semaphore, #tpu.memory_space<semaphore_mem>>)
      %dma_wait3A = arith.constant 0 : i32
      %dma_wait3A_22 = arith.constant 0 : i32
      %dma_wait3A_23 = tpu.memref_slice %arg3[%add3A, %dma_wait3A, %dma_wait3A_22] : memref<32x128x16xi32, #tpu.memory_space<hbm>> -> memref<1x128x16xi32, #tpu.memory_space<hbm>>
      %dma_wait3A_24 = tpu.memref_squeeze %dma_wait3A_23 : memref<1x128x16xi32, #tpu.memory_space<hbm>> -> memref<128x16xi32, #tpu.memory_space<hbm>>
      %dma_wait3A_25 = arith.constant 0 : i32
      %dma_wait3A_26 = arith.constant 0 : i32
      %dma_wait3A_27 = tpu.memref_slice %arg3[%add3A, %dma_wait3A_25, %dma_wait3A_26] : memref<32x128x16xi32, #tpu.memory_space<hbm>> -> memref<1x128x16xi32, #tpu.memory_space<hbm>>
      %dma_wait3A_28 = tpu.memref_squeeze %dma_wait3A_27 : memref<1x128x16xi32, #tpu.memory_space<hbm>> -> memref<128x16xi32, #tpu.memory_space<hbm>>
      tpu.wait_dma2 semaphore(%run_scoped3A : memref<!tpu.dma_semaphore, #tpu.memory_space<semaphore_mem>>) src(%dma_wait3A_28 : memref<128x16xi32, #tpu.memory_space<hbm>>) dst(%arg8 : memref<128x16xi32, #tpu.memory_space<vmem>>)
      tpu.yield
    }) : () -> ()
    "tpu.region"() ({
      %run_scoped3A = tpu.sem_alloc : memref<!tpu.dma_semaphore, #tpu.memory_space<semaphore_mem>>
      tpu.enqueue_dma source(%arg4 : memref<21x64xf32, #tpu.memory_space<hbm>>) target(%arg9 : memref<21x64xf32, #tpu.memory_space<vmem>>) target_semaphore(%run_scoped3A : memref<!tpu.dma_semaphore, #tpu.memory_space<semaphore_mem>>)
      tpu.wait_dma2 semaphore(%run_scoped3A : memref<!tpu.dma_semaphore, #tpu.memory_space<semaphore_mem>>) src(%arg4 : memref<21x64xf32, #tpu.memory_space<hbm>>) dst(%arg9 : memref<21x64xf32, #tpu.memory_space<vmem>>)
      tpu.yield
    }) : () -> ()
    %dma_start3A = arith.constant 0 : i32
    %dma_start3A_3 = arith.constant 0 : i32
    %dma_start3A_4 = tpu.memref_slice %arg7[%dma_start3A, %dma_start3A_3] : memref<64x100xi32, #tpu.memory_space<vmem>> -> memref<1x100xi32, #tpu.memory_space<vmem>>
    %dma_start3A_5 = tpu.memref_squeeze %dma_start3A_4 : memref<1x100xi32, #tpu.memory_space<vmem>> -> memref<100xi32, #tpu.memory_space<vmem>>
    %dma_start3A_6 = arith.constant 0 : i32
    %dma_start3A_7 = arith.constant 0 : i32
    %dma_start3A_8 = tpu.memref_slice %arg5[%dma_start3A_6, %dma_start3A_7] : memref<212992x64xf32, #tpu.memory_space<hbm>> -> memref<212992x64xf32, #tpu.memory_space<hbm>>
    tpu.enqueue_indirect_dma source(%dma_start3A_8 : memref<212992x64xf32, #tpu.memory_space<hbm>>) target(%arg10 : memref<100x64xf32, #tpu.memory_space<vmem>>) offsets(%dma_start3A_5 : memref<100xi32, #tpu.memory_space<vmem>>) semaphore(%arg13 : memref<!tpu.dma_semaphore, #tpu.memory_space<semaphore_mem>>)
    %scan3A = arith.constant 0 : i32
    %scan3A_9 = arith.constant 0 : i32
    %scan3A_10 = arith.constant 32 : i32
    %scan3A_11 = arith.addi %scan3A_9, %scan3A_10 : i32
    %scan3A_12 = arith.constant 1 : i32
    scf.for %scan3A_14 = %scan3A_9 to %scan3A_11 step %scan3A_12  : i32 {
      %mul3A_15 = arith.constant 2 : i32
      %mul3A_16 = arith.muli %mul3A_15, %scan3A_14 : i32
      %add3A_17 = arith.constant 1 : i32
      %add3A_18 = arith.addi %mul3A_16, %add3A_17 : i32
      %dma_start3A_19 = arith.constant 0 : i32
      %dma_start3A_20 = tpu.memref_slice %arg7[%add3A_18, %dma_start3A_19] : memref<64x100xi32, #tpu.memory_space<vmem>> -> memref<1x100xi32, #tpu.memory_space<vmem>>
      %dma_start3A_21 = tpu.memref_squeeze %dma_start3A_20 : memref<1x100xi32, #tpu.memory_space<vmem>> -> memref<100xi32, #tpu.memory_space<vmem>>
      %dma_start3A_22 = arith.constant 0 : i32
      %dma_start3A_23 = arith.constant 0 : i32
      %dma_start3A_24 = tpu.memref_slice %arg5[%dma_start3A_22, %dma_start3A_23] : memref<212992x64xf32, #tpu.memory_space<hbm>> -> memref<212992x64xf32, #tpu.memory_space<hbm>>
      tpu.enqueue_indirect_dma source(%dma_start3A_24 : memref<212992x64xf32, #tpu.memory_space<hbm>>) target(%arg11 : memref<100x64xf32, #tpu.memory_space<vmem>>) offsets(%dma_start3A_21 : memref<100xi32, #tpu.memory_space<vmem>>) semaphore(%arg14 : memref<!tpu.dma_semaphore, #tpu.memory_space<semaphore_mem>>)
      %dma_wait3A = arith.constant 0 : i32
      %dma_wait3A_25 = tpu.memref_slice %arg7[%mul3A_16, %dma_wait3A] : memref<64x100xi32, #tpu.memory_space<vmem>> -> memref<1x100xi32, #tpu.memory_space<vmem>>
      %dma_wait3A_26 = tpu.memref_squeeze %dma_wait3A_25 : memref<1x100xi32, #tpu.memory_space<vmem>> -> memref<100xi32, #tpu.memory_space<vmem>>
      %dma_wait3A_27 = arith.constant 0 : i32
      %dma_wait3A_28 = arith.constant 0 : i32
      %dma_wait3A_29 = tpu.memref_slice %arg5[%dma_wait3A_27, %dma_wait3A_28] : memref<212992x64xf32, #tpu.memory_space<hbm>> -> memref<212992x64xf32, #tpu.memory_space<hbm>>
      tpu.wait_indirect_dma semaphore(%arg13 : memref<!tpu.dma_semaphore, #tpu.memory_space<semaphore_mem>>) src(%dma_wait3A_29 : memref<212992x64xf32, #tpu.memory_space<hbm>>) dst(%arg10 : memref<100x64xf32, #tpu.memory_space<vmem>>)
      %mul3A_30 = arith.constant 2 : i32
      %mul3A_31 = arith.muli %mul3A_30, %mul3A_16 : i32
      %broadcast_in_dim3A = arith.constant 0.000000e+00 : f32
      %broadcast_in_dim3A_32 = vector.broadcast %broadcast_in_dim3A : f32 to vector<16xf32>
      %scan3A_33 = arith.constant 0 : i32
      %scan3A_34 = arith.constant 50 : i32
      %scan3A_35 = arith.addi %scan3A_33, %scan3A_34 : i32
      %scan3A_36 = arith.constant 5 : i32
      %scan3A_37:4 = scf.for %scan3A_1084 = %scan3A_33 to %scan3A_35 step %scan3A_36 iter_args(%scan3A_1085 = %broadcast_in_dim3A_32, %scan3A_1086 = %broadcast_in_dim3A_32, %scan3A_1087 = %broadcast_in_dim3A_32, %scan3A_1088 = %broadcast_in_dim3A_32) -> (vector<16xf32>, vector<16xf32>, vector<16xf32>, vector<16xf32>)  : i32 {
        %add3A_1089 = arith.constant 0 : i32
        %add3A_1090 = arith.addi %add3A_1089, %scan3A_1084 : i32
        %get3A_1091 = arith.index_cast %add3A_1090 : i32 to index
        %get3A_1092 = arith.constant 0 : index
        %get3A_1093 = tpu.vector_load %arg10[%get3A_1091, %get3A_1092] {strides = array<i32>} : memref<100x64xf32, #tpu.memory_space<vmem>>, vector<16xf32>,
        %add3A_1094 = arith.addf %scan3A_1085, %get3A_1093 : vector<16xf32>
        %add3A_1095 = arith.constant 0 : i32
        %add3A_1096 = arith.addi %add3A_1095, %scan3A_1084 : i32
        %get3A_1097 = arith.index_cast %add3A_1096 : i32 to index
        %get3A_1098 = arith.constant 16 : index
        %get3A_1099 = tpu.vector_load %arg10[%get3A_1097, %get3A_1098] {strides = array<i32>} : memref<100x64xf32, #tpu.memory_space<vmem>>, vector<16xf32>,
        %add3A_1100 = arith.addf %scan3A_1086, %get3A_1099 : vector<16xf32>
        %add3A_1101 = arith.constant 0 : i32
        %add3A_1102 = arith.addi %add3A_1101, %scan3A_1084 : i32
        %get3A_1103 = arith.index_cast %add3A_1102 : i32 to index
        %get3A_1104 = arith.constant 32 : index
        %get3A_1105 = tpu.vector_load %arg10[%get3A_1103, %get3A_1104] {strides = array<i32>} : memref<100x64xf32, #tpu.memory_space<vmem>>, vector<16xf32>,
        %add3A_1106 = arith.addf %scan3A_1087, %get3A_1105 : vector<16xf32>
        %add3A_1107 = arith.constant 0 : i32
        %add3A_1108 = arith.addi %add3A_1107, %scan3A_1084 : i32
        %get3A_1109 = arith.index_cast %add3A_1108 : i32 to index
        %get3A_1110 = arith.constant 48 : index
        %get3A_1111 = tpu.vector_load %arg10[%get3A_1109, %get3A_1110] {strides = array<i32>} : memref<100x64xf32, #tpu.memory_space<vmem>>, vector<16xf32>,
        %add3A_1112 = arith.addf %scan3A_1088, %get3A_1111 : vector<16xf32>
        %scan3A_1113 = arith.constant 1 : i32
        %scan3A_1114 = arith.addi %scan3A_1084, %scan3A_1113 : i32
        %add3A_1115 = arith.constant 0 : i32
        %add3A_1116 = arith.addi %add3A_1115, %scan3A_1114 : i32
        %get3A_1117 = arith.index_cast %add3A_1116 : i32 to index
        %get3A_1118 = arith.constant 0 : index
        %get3A_1119 = tpu.vector_load %arg10[%get3A_1117, %get3A_1118] {strides = array<i32>} : memref<100x64xf32, #tpu.memory_space<vmem>>, vector<16xf32>,
        %add3A_1120 = arith.addf %add3A_1094, %get3A_1119 : vector<16xf32>
        %add3A_1121 = arith.constant 0 : i32
        %add3A_1122 = arith.addi %add3A_1121, %scan3A_1114 : i32
        %get3A_1123 = arith.index_cast %add3A_1122 : i32 to index
        %get3A_1124 = arith.constant 16 : index
        %get3A_1125 = tpu.vector_load %arg10[%get3A_1123, %get3A_1124] {strides = array<i32>} : memref<100x64xf32, #tpu.memory_space<vmem>>, vector<16xf32>,
        %add3A_1126 = arith.addf %add3A_1100, %get3A_1125 : vector<16xf32>
        %add3A_1127 = arith.constant 0 : i32
        %add3A_1128 = arith.addi %add3A_1127, %scan3A_1114 : i32
        %get3A_1129 = arith.index_cast %add3A_1128 : i32 to index
        %get3A_1130 = arith.constant 32 : index
        %get3A_1131 = tpu.vector_load %arg10[%get3A_1129, %get3A_1130] {strides = array<i32>} : memref<100x64xf32, #tpu.memory_space<vmem>>, vector<16xf32>,
        %add3A_1132 = arith.addf %add3A_1106, %get3A_1131 : vector<16xf32>
        %add3A_1133 = arith.constant 0 : i32
        %add3A_1134 = arith.addi %add3A_1133, %scan3A_1114 : i32
        %get3A_1135 = arith.index_cast %add3A_1134 : i32 to index
        %get3A_1136 = arith.constant 48 : index
        %get3A_1137 = tpu.vector_load %arg10[%get3A_1135, %get3A_1136] {strides = array<i32>} : memref<100x64xf32, #tpu.memory_space<vmem>>, vector<16xf32>,
        %add3A_1138 = arith.addf %add3A_1112, %get3A_1137 : vector<16xf32>
        %scan3A_1139 = arith.constant 2 : i32
        %scan3A_1140 = arith.addi %scan3A_1084, %scan3A_1139 : i32
        %add3A_1141 = arith.constant 0 : i32
        %add3A_1142 = arith.addi %add3A_1141, %scan3A_1140 : i32
        %get3A_1143 = arith.index_cast %add3A_1142 : i32 to index
        %get3A_1144 = arith.constant 0 : index
        %get3A_1145 = tpu.vector_load %arg10[%get3A_1143, %get3A_1144] {strides = array<i32>} : memref<100x64xf32, #tpu.memory_space<vmem>>, vector<16xf32>,
        %add3A_1146 = arith.addf %add3A_1120, %get3A_1145 : vector<16xf32>
        %add3A_1147 = arith.constant 0 : i32
        %add3A_1148 = arith.addi %add3A_1147, %scan3A_1140 : i32
        %get3A_1149 = arith.index_cast %add3A_1148 : i32 to index
        %get3A_1150 = arith.constant 16 : index
        %get3A_1151 = tpu.vector_load %arg10[%get3A_1149, %get3A_1150] {strides = array<i32>} : memref<100x64xf32, #tpu.memory_space<vmem>>, vector<16xf32>,
        %add3A_1152 = arith.addf %add3A_1126, %get3A_1151 : vector<16xf32>
        %add3A_1153 = arith.constant 0 : i32
        %add3A_1154 = arith.addi %add3A_1153, %scan3A_1140 : i32
        %get3A_1155 = arith.index_cast %add3A_1154 : i32 to index
        %get3A_1156 = arith.constant 32 : index
        %get3A_1157 = tpu.vector_load %arg10[%get3A_1155, %get3A_1156] {strides = array<i32>} : memref<100x64xf32, #tpu.memory_space<vmem>>, vector<16xf32>,
        %add3A_1158 = arith.addf %add3A_1132, %get3A_1157 : vector<16xf32>
        %add3A_1159 = arith.constant 0 : i32
        %add3A_1160 = arith.addi %add3A_1159, %scan3A_1140 : i32
        %get3A_1161 = arith.index_cast %add3A_1160 : i32 to index
        %get3A_1162 = arith.constant 48 : index
        %get3A_1163 = tpu.vector_load %arg10[%get3A_1161, %get3A_1162] {strides = array<i32>} : memref<100x64xf32, #tpu.memory_space<vmem>>, vector<16xf32>,
        %add3A_1164 = arith.addf %add3A_1138, %get3A_1163 : vector<16xf32>
        %scan3A_1165 = arith.constant 3 : i32
        %scan3A_1166 = arith.addi %scan3A_1084, %scan3A_1165 : i32
        %add3A_1167 = arith.constant 0 : i32
        %add3A_1168 = arith.addi %add3A_1167, %scan3A_1166 : i32
        %get3A_1169 = arith.index_cast %add3A_1168 : i32 to index
        %get3A_1170 = arith.constant 0 : index
        %get3A_1171 = tpu.vector_load %arg10[%get3A_1169, %get3A_1170] {strides = array<i32>} : memref<100x64xf32, #tpu.memory_space<vmem>>, vector<16xf32>,
        %add3A_1172 = arith.addf %add3A_1146, %get3A_1171 : vector<16xf32>
        %add3A_1173 = arith.constant 0 : i32
        %add3A_1174 = arith.addi %add3A_1173, %scan3A_1166 : i32
        %get3A_1175 = arith.index_cast %add3A_1174 : i32 to index
        %get3A_1176 = arith.constant 16 : index
        %get3A_1177 = tpu.vector_load %arg10[%get3A_1175, %get3A_1176] {strides = array<i32>} : memref<100x64xf32, #tpu.memory_space<vmem>>, vector<16xf32>,
        %add3A_1178 = arith.addf %add3A_1152, %get3A_1177 : vector<16xf32>
        %add3A_1179 = arith.constant 0 : i32
        %add3A_1180 = arith.addi %add3A_1179, %scan3A_1166 : i32
        %get3A_1181 = arith.index_cast %add3A_1180 : i32 to index
        %get3A_1182 = arith.constant 32 : index
        %get3A_1183 = tpu.vector_load %arg10[%get3A_1181, %get3A_1182] {strides = array<i32>} : memref<100x64xf32, #tpu.memory_space<vmem>>, vector<16xf32>,
        %add3A_1184 = arith.addf %add3A_1158, %get3A_1183 : vector<16xf32>
        %add3A_1185 = arith.constant 0 : i32
        %add3A_1186 = arith.addi %add3A_1185, %scan3A_1166 : i32
        %get3A_1187 = arith.index_cast %add3A_1186 : i32 to index
        %get3A_1188 = arith.constant 48 : index
        %get3A_1189 = tpu.vector_load %arg10[%get3A_1187, %get3A_1188] {strides = array<i32>} : memref<100x64xf32, #tpu.memory_space<vmem>>, vector<16xf32>,
        %add3A_1190 = arith.addf %add3A_1164, %get3A_1189 : vector<16xf32>
        %scan3A_1191 = arith.constant 4 : i32
        %scan3A_1192 = arith.addi %scan3A_1084, %scan3A_1191 : i32
        %add3A_1193 = arith.constant 0 : i32
        %add3A_1194 = arith.addi %add3A_1193, %scan3A_1192 : i32
        %get3A_1195 = arith.index_cast %add3A_1194 : i32 to index
        %get3A_1196 = arith.constant 0 : index
        %get3A_1197 = tpu.vector_load %arg10[%get3A_1195, %get3A_1196] {strides = array<i32>} : memref<100x64xf32, #tpu.memory_space<vmem>>, vector<16xf32>,
        %add3A_1198 = arith.addf %add3A_1172, %get3A_1197 : vector<16xf32>
        %add3A_1199 = arith.constant 0 : i32
        %add3A_1200 = arith.addi %add3A_1199, %scan3A_1192 : i32
        %get3A_1201 = arith.index_cast %add3A_1200 : i32 to index
        %get3A_1202 = arith.constant 16 : index
        %get3A_1203 = tpu.vector_load %arg10[%get3A_1201, %get3A_1202] {strides = array<i32>} : memref<100x64xf32, #tpu.memory_space<vmem>>, vector<16xf32>,
        %add3A_1204 = arith.addf %add3A_1178, %get3A_1203 : vector<16xf32>
        %add3A_1205 = arith.constant 0 : i32
        %add3A_1206 = arith.addi %add3A_1205, %scan3A_1192 : i32
        %get3A_1207 = arith.index_cast %add3A_1206 : i32 to index
        %get3A_1208 = arith.constant 32 : index
        %get3A_1209 = tpu.vector_load %arg10[%get3A_1207, %get3A_1208] {strides = array<i32>} : memref<100x64xf32, #tpu.memory_space<vmem>>, vector<16xf32>,
        %add3A_1210 = arith.addf %add3A_1184, %get3A_1209 : vector<16xf32>
        %add3A_1211 = arith.constant 0 : i32
        %add3A_1212 = arith.addi %add3A_1211, %scan3A_1192 : i32
        %get3A_1213 = arith.index_cast %add3A_1212 : i32 to index
        %get3A_1214 = arith.constant 48 : index
        %get3A_1215 = tpu.vector_load %arg10[%get3A_1213, %get3A_1214] {strides = array<i32>} : memref<100x64xf32, #tpu.memory_space<vmem>>, vector<16xf32>,
        %add3A_1216 = arith.addf %add3A_1190, %get3A_1215 : vector<16xf32>
        scf.yield %add3A_1198, %add3A_1204, %add3A_1210, %add3A_1216 : vector<16xf32>, vector<16xf32>, vector<16xf32>, vector<16xf32>
      }
      %scan3A_38 = arith.constant 50 : i32
      %broadcast_in_dim3A_39 = arith.constant 1.000000e+00 : f32
      %broadcast_in_dim3A_40 = vector.broadcast %broadcast_in_dim3A_39 : f32 to vector<16xf32>
      %broadcast_in_dim3A_41 = arith.constant 0.000000e+00 : f32
      %broadcast_in_dim3A_42 = vector.broadcast %broadcast_in_dim3A_41 : f32 to vector<16xf32>
      %iota3A = tpu.iota {dimensions = array<i32: 0>} : vector<16xi32>
      %get3A = arith.index_cast %mul3A_16 : i32 to index
      %get3A_43 = arith.constant 0 : index
      %get3A_44 = tpu.vector_load %arg7[%get3A, %get3A_43] {strides = array<i32>} : memref<64x100xi32, #tpu.memory_space<vmem>>, vector<16xi32>,
      %get3A_45 = arith.index_cast %mul3A_16 : i32 to index
      %get3A_46 = arith.constant 16 : index
      %get3A_47 = tpu.vector_load %arg7[%get3A_45, %get3A_46] {strides = array<i32>} : memref<64x100xi32, #tpu.memory_space<vmem>>, vector<16xi32>,
      %get3A_48 = arith.index_cast %mul3A_16 : i32 to index
      %get3A_49 = arith.constant 32 : index
      %get3A_50 = tpu.vector_load %arg7[%get3A_48, %get3A_49] {strides = array<i32>} : memref<64x100xi32, #tpu.memory_space<vmem>>, vector<16xi32>,
      %get3A_51 = arith.index_cast %mul3A_16 : i32 to index
      %get3A_52 = arith.constant 34 : index
      %get3A_53 = tpu.vector_load %arg7[%get3A_51, %get3A_52] {strides = array<i32>} : memref<64x100xi32, #tpu.memory_space<vmem>>, vector<16xi32>,
      %gt3A = arith.constant 0 : i32
      %gt3A_54 = vector.broadcast %gt3A : i32 to vector<16xi32>
      %gt3A_55 = arith.cmpi sgt, %get3A_44, %gt3A_54 : vector<16xi32>
      %select_n3A = arith.select %gt3A_55, %broadcast_in_dim3A_40, %broadcast_in_dim3A_42 : vector<16xi1>, vector<16xf32>
      %gt3A_56 = arith.constant 0 : i32
      %gt3A_57 = vector.broadcast %gt3A_56 : i32 to vector<16xi32>
      %gt3A_58 = arith.cmpi sgt, %get3A_47, %gt3A_57 : vector<16xi32>
      %select_n3A_59 = arith.select %gt3A_58, %broadcast_in_dim3A_40, %broadcast_in_dim3A_42 : vector<16xi1>, vector<16xf32>
      %add3A_60 = arith.addf %select_n3A, %select_n3A_59 : vector<16xf32>
      %gt3A_61 = arith.constant 0 : i32
      %gt3A_62 = vector.broadcast %gt3A_61 : i32 to vector<16xi32>
      %gt3A_63 = arith.cmpi sgt, %get3A_50, %gt3A_62 : vector<16xi32>
      %select_n3A_64 = arith.select %gt3A_63, %broadcast_in_dim3A_40, %broadcast_in_dim3A_42 : vector<16xi1>, vector<16xf32>
      %add3A_65 = arith.addf %add3A_60, %select_n3A_64 : vector<16xf32>
      %gt3A_66 = arith.constant 0 : i32
      %gt3A_67 = vector.broadcast %gt3A_66 : i32 to vector<16xi32>
      %gt3A_68 = arith.cmpi sgt, %get3A_53, %gt3A_67 : vector<16xi32>
      %ge3A = arith.constant 14 : i32
      %ge3A_69 = vector.broadcast %ge3A : i32 to vector<16xi32>
      %ge3A_70 = arith.cmpi sge, %iota3A, %ge3A_69 : vector<16xi32>
      %and3A = arith.andi %gt3A_68, %ge3A_70 : vector<16xi1>
      %select_n3A_71 = arith.select %and3A, %broadcast_in_dim3A_40, %broadcast_in_dim3A_42 : vector<16xi1>, vector<16xf32>
      %add3A_72 = arith.addf %add3A_65, %select_n3A_71 : vector<16xf32>
      %reduce_sum3A = arith.constant true
      %reduce_sum3A_73 = vector.broadcast %reduce_sum3A : i1 to vector<16xi1>
      %reduce_sum3A_74 = tpu.scan <sum>, %add3A_72 masked %reduce_sum3A_73 : vector<16xf32>, vector<16xi1> -> vector<16xf32>
      %reduce_sum3A_75 = vector.extract %reduce_sum3A_74[15] : f32 from vector<16xf32>
      %add3A_76 = arith.constant 9.99999993E-9 : f32
      %add3A_77 = arith.addf %reduce_sum3A_75, %add3A_76 : f32
      %div3A = vector.broadcast %add3A_77 : f32 to vector<16xf32>
      %div3A_78 = arith.divf %scan3A_37#0, %div3A : vector<16xf32>
      %swap3A = arith.index_cast %mul3A_31 : i32 to index
      %swap3A_79 = arith.constant 0 : index
      %swap3A_80 = tpu.vector_load %arg12[%swap3A, %swap3A_79] {strides = array<i32>} : memref<128x128xf32, #tpu.memory_space<vmem>>, vector<16xf32>,
      tpu.vector_store %arg12[%swap3A, %swap3A_79], %div3A_78 {strides = array<i32>} : memref<128x128xf32, #tpu.memory_space<vmem>>, vector<16xf32>,
      %div3A_81 = vector.broadcast %add3A_77 : f32 to vector<16xf32>
      %div3A_82 = arith.divf %scan3A_37#1, %div3A_81 : vector<16xf32>
      %swap3A_83 = arith.index_cast %mul3A_31 : i32 to index
      %swap3A_84 = arith.constant 16 : index
      %swap3A_85 = tpu.vector_load %arg12[%swap3A_83, %swap3A_84] {strides = array<i32>} : memref<128x128xf32, #tpu.memory_space<vmem>>, vector<16xf32>,
      tpu.vector_store %arg12[%swap3A_83, %swap3A_84], %div3A_82 {strides = array<i32>} : memref<128x128xf32, #tpu.memory_space<vmem>>, vector<16xf32>,
      %div3A_86 = vector.broadcast %add3A_77 : f32 to vector<16xf32>
      %div3A_87 = arith.divf %scan3A_37#2, %div3A_86 : vector<16xf32>
      %swap3A_88 = arith.index_cast %mul3A_31 : i32 to index
      %swap3A_89 = arith.constant 32 : index
      %swap3A_90 = tpu.vector_load %arg12[%swap3A_88, %swap3A_89] {strides = array<i32>} : memref<128x128xf32, #tpu.memory_space<vmem>>, vector<16xf32>,
      tpu.vector_store %arg12[%swap3A_88, %swap3A_89], %div3A_87 {strides = array<i32>} : memref<128x128xf32, #tpu.memory_space<vmem>>, vector<16xf32>,
      %div3A_91 = vector.broadcast %add3A_77 : f32 to vector<16xf32>
      %div3A_92 = arith.divf %scan3A_37#3, %div3A_91 : vector<16xf32>
      %swap3A_93 = arith.index_cast %mul3A_31 : i32 to index
      %swap3A_94 = arith.constant 48 : index
      %swap3A_95 = tpu.vector_load %arg12[%swap3A_93, %swap3A_94] {strides = array<i32>} : memref<128x128xf32, #tpu.memory_space<vmem>>, vector<16xf32>,
      tpu.vector_store %arg12[%swap3A_93, %swap3A_94], %div3A_92 {strides = array<i32>} : memref<128x128xf32, #tpu.memory_space<vmem>>, vector<16xf32>,
      %broadcast_in_dim3A_96 = arith.constant 0.000000e+00 : f32
      %broadcast_in_dim3A_97 = vector.broadcast %broadcast_in_dim3A_96 : f32 to vector<16xf32>
      %broadcast_in_dim3A_98 = arith.constant 0.000000e+00 : f32
      %broadcast_in_dim3A_99 = vector.broadcast %broadcast_in_dim3A_98 : f32 to vector<16xf32>
      %broadcast_in_dim3A_100 = arith.constant 0.000000e+00 : f32
      %broadcast_in_dim3A_101 = vector.broadcast %broadcast_in_dim3A_100 : f32 to vector<16xf32>
      %broadcast_in_dim3A_102 = arith.constant 0.000000e+00 : f32
      %broadcast_in_dim3A_103 = vector.broadcast %broadcast_in_dim3A_102 : f32 to vector<16xf32>
      %get3A_104 = arith.index_cast %mul3A_31 : i32 to index
      %get3A_105 = arith.constant 0 : index
      %get3A_106 = tpu.vector_load %arg8[%get3A_104, %get3A_105] {strides = array<i32>} : memref<128x16xi32, #tpu.memory_space<vmem>>, vector<16xi32>,
      %slice3A = vector.extract_strided_slice %get3A_106 {offsets = [0], sizes = [1], strides = [1]} : vector<16xi32> to vector<1xi32>
      %squeeze3A = vector.extract %slice3A[0] : i32 from vector<1xi32>
      %get3A_107 = arith.index_cast %squeeze3A : i32 to index
      %get3A_108 = arith.constant 0 : index
      %get3A_109 = tpu.vector_load %arg9[%get3A_107, %get3A_108] {strides = array<i32>} : memref<21x64xf32, #tpu.memory_space<vmem>>, vector<16xf32>,
      %add3A_110 = arith.addf %broadcast_in_dim3A_97, %get3A_109 : vector<16xf32>
      %get3A_111 = arith.index_cast %squeeze3A : i32 to index
      %get3A_112 = arith.constant 16 : index
      %get3A_113 = tpu.vector_load %arg9[%get3A_111, %get3A_112] {strides = array<i32>} : memref<21x64xf32, #tpu.memory_space<vmem>>, vector<16xf32>,
      %add3A_114 = arith.addf %broadcast_in_dim3A_99, %get3A_113 : vector<16xf32>
      %get3A_115 = arith.index_cast %squeeze3A : i32 to index
      %get3A_116 = arith.constant 32 : index
      %get3A_117 = tpu.vector_load %arg9[%get3A_115, %get3A_116] {strides = array<i32>} : memref<21x64xf32, #tpu.memory_space<vmem>>, vector<16xf32>,
      %add3A_118 = arith.addf %broadcast_in_dim3A_101, %get3A_117 : vector<16xf32>
      %get3A_119 = arith.index_cast %squeeze3A : i32 to index
      %get3A_120 = arith.constant 48 : index
      %get3A_121 = tpu.vector_load %arg9[%get3A_119, %get3A_120] {strides = array<i32>} : memref<21x64xf32, #tpu.memory_space<vmem>>, vector<16xf32>,
      %add3A_122 = arith.addf %broadcast_in_dim3A_103, %get3A_121 : vector<16xf32>
      %slice3A_123 = vector.extract_strided_slice %get3A_106 {offsets = [1], sizes = [1], strides = [1]} : vector<16xi32> to vector<1xi32>
      %squeeze3A_124 = vector.extract %slice3A_123[0] : i32 from vector<1xi32>
      %get3A_125 = arith.index_cast %squeeze3A_124 : i32 to index
      %get3A_126 = arith.constant 0 : index
      %get3A_127 = tpu.vector_load %arg9[%get3A_125, %get3A_126] {strides = array<i32>} : memref<21x64xf32, #tpu.memory_space<vmem>>, vector<16xf32>,
      %add3A_128 = arith.addf %add3A_110, %get3A_127 : vector<16xf32>
      %get3A_129 = arith.index_cast %squeeze3A_124 : i32 to index
      %get3A_130 = arith.constant 16 : index
      %get3A_131 = tpu.vector_load %arg9[%get3A_129, %get3A_130] {strides = array<i32>} : memref<21x64xf32, #tpu.memory_space<vmem>>, vector<16xf32>,
      %add3A_132 = arith.addf %add3A_114, %get3A_131 : vector<16xf32>
      %get3A_133 = arith.index_cast %squeeze3A_124 : i32 to index
      %get3A_134 = arith.constant 32 : index
      %get3A_135 = tpu.vector_load %arg9[%get3A_133, %get3A_134] {strides = array<i32>} : memref<21x64xf32, #tpu.memory_space<vmem>>, vector<16xf32>,
      %add3A_136 = arith.addf %add3A_118, %get3A_135 : vector<16xf32>
      %get3A_137 = arith.index_cast %squeeze3A_124 : i32 to index
      %get3A_138 = arith.constant 48 : index
      %get3A_139 = tpu.vector_load %arg9[%get3A_137, %get3A_138] {strides = array<i32>} : memref<21x64xf32, #tpu.memory_space<vmem>>, vector<16xf32>,
      %add3A_140 = arith.addf %add3A_122, %get3A_139 : vector<16xf32>
      %slice3A_141 = vector.extract_strided_slice %get3A_106 {offsets = [2], sizes = [1], strides = [1]} : vector<16xi32> to vector<1xi32>
      %squeeze3A_142 = vector.extract %slice3A_141[0] : i32 from vector<1xi32>
      %get3A_143 = arith.index_cast %squeeze3A_142 : i32 to index
      %get3A_144 = arith.constant 0 : index
      %get3A_145 = tpu.vector_load %arg9[%get3A_143, %get3A_144] {strides = array<i32>} : memref<21x64xf32, #tpu.memory_space<vmem>>, vector<16xf32>,
      %add3A_146 = arith.addf %add3A_128, %get3A_145 : vector<16xf32>
      %get3A_147 = arith.index_cast %squeeze3A_142 : i32 to index
      %get3A_148 = arith.constant 16 : index
      %get3A_149 = tpu.vector_load %arg9[%get3A_147, %get3A_148] {strides = array<i32>} : memref<21x64xf32, #tpu.memory_space<vmem>>, vector<16xf32>,
      %add3A_150 = arith.addf %add3A_132, %get3A_149 : vector<16xf32>
      %get3A_151 = arith.index_cast %squeeze3A_142 : i32 to index
      %get3A_152 = arith.constant 32 : index
      %get3A_153 = tpu.vector_load %arg9[%get3A_151, %get3A_152] {strides = array<i32>} : memref<21x64xf32, #tpu.memory_space<vmem>>, vector<16xf32>,
      %add3A_154 = arith.addf %add3A_136, %get3A_153 : vector<16xf32>
      %get3A_155 = arith.index_cast %squeeze3A_142 : i32 to index
      %get3A_156 = arith.constant 48 : index
      %get3A_157 = tpu.vector_load %arg9[%get3A_155, %get3A_156] {strides = array<i32>} : memref<21x64xf32, #tpu.memory_space<vmem>>, vector<16xf32>,
      %add3A_158 = arith.addf %add3A_140, %get3A_157 : vector<16xf32>
      %slice3A_159 = vector.extract_strided_slice %get3A_106 {offsets = [3], sizes = [1], strides = [1]} : vector<16xi32> to vector<1xi32>
      %squeeze3A_160 = vector.extract %slice3A_159[0] : i32 from vector<1xi32>
      %get3A_161 = arith.index_cast %squeeze3A_160 : i32 to index
      %get3A_162 = arith.constant 0 : index
      %get3A_163 = tpu.vector_load %arg9[%get3A_161, %get3A_162] {strides = array<i32>} : memref<21x64xf32, #tpu.memory_space<vmem>>, vector<16xf32>,
      %add3A_164 = arith.addf %add3A_146, %get3A_163 : vector<16xf32>
      %get3A_165 = arith.index_cast %squeeze3A_160 : i32 to index
      %get3A_166 = arith.constant 16 : index
      %get3A_167 = tpu.vector_load %arg9[%get3A_165, %get3A_166] {strides = array<i32>} : memref<21x64xf32, #tpu.memory_space<vmem>>, vector<16xf32>,
      %add3A_168 = arith.addf %add3A_150, %get3A_167 : vector<16xf32>
      %get3A_169 = arith.index_cast %squeeze3A_160 : i32 to index
      %get3A_170 = arith.constant 32 : index
      %get3A_171 = tpu.vector_load %arg9[%get3A_169, %get3A_170] {strides = array<i32>} : memref<21x64xf32, #tpu.memory_space<vmem>>, vector<16xf32>,
      %add3A_172 = arith.addf %add3A_154, %get3A_171 : vector<16xf32>
      %get3A_173 = arith.index_cast %squeeze3A_160 : i32 to index
      %get3A_174 = arith.constant 48 : index
      %get3A_175 = tpu.vector_load %arg9[%get3A_173, %get3A_174] {strides = array<i32>} : memref<21x64xf32, #tpu.memory_space<vmem>>, vector<16xf32>,
      %add3A_176 = arith.addf %add3A_158, %get3A_175 : vector<16xf32>
      %slice3A_177 = vector.extract_strided_slice %get3A_106 {offsets = [4], sizes = [1], strides = [1]} : vector<16xi32> to vector<1xi32>
      %squeeze3A_178 = vector.extract %slice3A_177[0] : i32 from vector<1xi32>
      %get3A_179 = arith.index_cast %squeeze3A_178 : i32 to index
      %get3A_180 = arith.constant 0 : index
      %get3A_181 = tpu.vector_load %arg9[%get3A_179, %get3A_180] {strides = array<i32>} : memref<21x64xf32, #tpu.memory_space<vmem>>, vector<16xf32>,
      %add3A_182 = arith.addf %add3A_164, %get3A_181 : vector<16xf32>
      %get3A_183 = arith.index_cast %squeeze3A_178 : i32 to index
      %get3A_184 = arith.constant 16 : index
      %get3A_185 = tpu.vector_load %arg9[%get3A_183, %get3A_184] {strides = array<i32>} : memref<21x64xf32, #tpu.memory_space<vmem>>, vector<16xf32>,
      %add3A_186 = arith.addf %add3A_168, %get3A_185 : vector<16xf32>
      %get3A_187 = arith.index_cast %squeeze3A_178 : i32 to index
      %get3A_188 = arith.constant 32 : index
      %get3A_189 = tpu.vector_load %arg9[%get3A_187, %get3A_188] {strides = array<i32>} : memref<21x64xf32, #tpu.memory_space<vmem>>, vector<16xf32>,
      %add3A_190 = arith.addf %add3A_172, %get3A_189 : vector<16xf32>
      %get3A_191 = arith.index_cast %squeeze3A_178 : i32 to index
      %get3A_192 = arith.constant 48 : index
      %get3A_193 = tpu.vector_load %arg9[%get3A_191, %get3A_192] {strides = array<i32>} : memref<21x64xf32, #tpu.memory_space<vmem>>, vector<16xf32>,
      %add3A_194 = arith.addf %add3A_176, %get3A_193 : vector<16xf32>
      %slice3A_195 = vector.extract_strided_slice %get3A_106 {offsets = [5], sizes = [1], strides = [1]} : vector<16xi32> to vector<1xi32>
      %squeeze3A_196 = vector.extract %slice3A_195[0] : i32 from vector<1xi32>
      %get3A_197 = arith.index_cast %squeeze3A_196 : i32 to index
      %get3A_198 = arith.constant 0 : index
      %get3A_199 = tpu.vector_load %arg9[%get3A_197, %get3A_198] {strides = array<i32>} : memref<21x64xf32, #tpu.memory_space<vmem>>, vector<16xf32>,
      %add3A_200 = arith.addf %add3A_182, %get3A_199 : vector<16xf32>
      %get3A_201 = arith.index_cast %squeeze3A_196 : i32 to index
      %get3A_202 = arith.constant 16 : index
      %get3A_203 = tpu.vector_load %arg9[%get3A_201, %get3A_202] {strides = array<i32>} : memref<21x64xf32, #tpu.memory_space<vmem>>, vector<16xf32>,
      %add3A_204 = arith.addf %add3A_186, %get3A_203 : vector<16xf32>
      %get3A_205 = arith.index_cast %squeeze3A_196 : i32 to index
      %get3A_206 = arith.constant 32 : index
      %get3A_207 = tpu.vector_load %arg9[%get3A_205, %get3A_206] {strides = array<i32>} : memref<21x64xf32, #tpu.memory_space<vmem>>, vector<16xf32>,
      %add3A_208 = arith.addf %add3A_190, %get3A_207 : vector<16xf32>
      %get3A_209 = arith.index_cast %squeeze3A_196 : i32 to index
      %get3A_210 = arith.constant 48 : index
      %get3A_211 = tpu.vector_load %arg9[%get3A_209, %get3A_210] {strides = array<i32>} : memref<21x64xf32, #tpu.memory_space<vmem>>, vector<16xf32>,
      %add3A_212 = arith.addf %add3A_194, %get3A_211 : vector<16xf32>
      %slice3A_213 = vector.extract_strided_slice %get3A_106 {offsets = [6], sizes = [1], strides = [1]} : vector<16xi32> to vector<1xi32>
      %squeeze3A_214 = vector.extract %slice3A_213[0] : i32 from vector<1xi32>
      %get3A_215 = arith.index_cast %squeeze3A_214 : i32 to index
      %get3A_216 = arith.constant 0 : index
      %get3A_217 = tpu.vector_load %arg9[%get3A_215, %get3A_216] {strides = array<i32>} : memref<21x64xf32, #tpu.memory_space<vmem>>, vector<16xf32>,
      %add3A_218 = arith.addf %add3A_200, %get3A_217 : vector<16xf32>
      %get3A_219 = arith.index_cast %squeeze3A_214 : i32 to index
      %get3A_220 = arith.constant 16 : index
      %get3A_221 = tpu.vector_load %arg9[%get3A_219, %get3A_220] {strides = array<i32>} : memref<21x64xf32, #tpu.memory_space<vmem>>, vector<16xf32>,
      %add3A_222 = arith.addf %add3A_204, %get3A_221 : vector<16xf32>
      %get3A_223 = arith.index_cast %squeeze3A_214 : i32 to index
      %get3A_224 = arith.constant 32 : index
      %get3A_225 = tpu.vector_load %arg9[%get3A_223, %get3A_224] {strides = array<i32>} : memref<21x64xf32, #tpu.memory_space<vmem>>, vector<16xf32>,
      %add3A_226 = arith.addf %add3A_208, %get3A_225 : vector<16xf32>
      %get3A_227 = arith.index_cast %squeeze3A_214 : i32 to index
      %get3A_228 = arith.constant 48 : index
      %get3A_229 = tpu.vector_load %arg9[%get3A_227, %get3A_228] {strides = array<i32>} : memref<21x64xf32, #tpu.memory_space<vmem>>, vector<16xf32>,
      %add3A_230 = arith.addf %add3A_212, %get3A_229 : vector<16xf32>
      %slice3A_231 = vector.extract_strided_slice %get3A_106 {offsets = [7], sizes = [1], strides = [1]} : vector<16xi32> to vector<1xi32>
      %squeeze3A_232 = vector.extract %slice3A_231[0] : i32 from vector<1xi32>
      %get3A_233 = arith.index_cast %squeeze3A_232 : i32 to index
      %get3A_234 = arith.constant 0 : index
      %get3A_235 = tpu.vector_load %arg9[%get3A_233, %get3A_234] {strides = array<i32>} : memref<21x64xf32, #tpu.memory_space<vmem>>, vector<16xf32>,
      %add3A_236 = arith.addf %add3A_218, %get3A_235 : vector<16xf32>
      %get3A_237 = arith.index_cast %squeeze3A_232 : i32 to index
      %get3A_238 = arith.constant 16 : index
      %get3A_239 = tpu.vector_load %arg9[%get3A_237, %get3A_238] {strides = array<i32>} : memref<21x64xf32, #tpu.memory_space<vmem>>, vector<16xf32>,
      %add3A_240 = arith.addf %add3A_222, %get3A_239 : vector<16xf32>
      %get3A_241 = arith.index_cast %squeeze3A_232 : i32 to index
      %get3A_242 = arith.constant 32 : index
      %get3A_243 = tpu.vector_load %arg9[%get3A_241, %get3A_242] {strides = array<i32>} : memref<21x64xf32, #tpu.memory_space<vmem>>, vector<16xf32>,
      %add3A_244 = arith.addf %add3A_226, %get3A_243 : vector<16xf32>
      %get3A_245 = arith.index_cast %squeeze3A_232 : i32 to index
      %get3A_246 = arith.constant 48 : index
      %get3A_247 = tpu.vector_load %arg9[%get3A_245, %get3A_246] {strides = array<i32>} : memref<21x64xf32, #tpu.memory_space<vmem>>, vector<16xf32>,
      %add3A_248 = arith.addf %add3A_230, %get3A_247 : vector<16xf32>
      %gt3A_249 = arith.constant 0 : i32
      %gt3A_250 = vector.broadcast %gt3A_249 : i32 to vector<16xi32>
      %gt3A_251 = arith.cmpi sgt, %get3A_106, %gt3A_250 : vector<16xi32>
      %select_n3A_252 = arith.select %gt3A_251, %broadcast_in_dim3A_40, %broadcast_in_dim3A_42 : vector<16xi1>, vector<16xf32>
      %reduce_sum3A_253 = arith.constant true
      %reduce_sum3A_254 = vector.broadcast %reduce_sum3A_253 : i1 to vector<16xi1>
      %reduce_sum3A_255 = tpu.scan <sum>, %select_n3A_252 masked %reduce_sum3A_254 : vector<16xf32>, vector<16xi1> -> vector<16xf32>
      %reduce_sum3A_256 = vector.extract %reduce_sum3A_255[15] : f32 from vector<16xf32>
      %add3A_257 = arith.constant 9.99999993E-9 : f32
      %add3A_258 = arith.addf %reduce_sum3A_256, %add3A_257 : f32
      %div3A_259 = vector.broadcast %add3A_258 : f32 to vector<16xf32>
      %div3A_260 = arith.divf %add3A_236, %div3A_259 : vector<16xf32>
      %swap3A_261 = arith.index_cast %mul3A_31 : i32 to index
      %swap3A_262 = arith.constant 64 : index
      %swap3A_263 = tpu.vector_load %arg12[%swap3A_261, %swap3A_262] {strides = array<i32>} : memref<128x128xf32, #tpu.memory_space<vmem>>, vector<16xf32>,
      tpu.vector_store %arg12[%swap3A_261, %swap3A_262], %div3A_260 {strides = array<i32>} : memref<128x128xf32, #tpu.memory_space<vmem>>, vector<16xf32>,
      %div3A_264 = vector.broadcast %add3A_258 : f32 to vector<16xf32>
      %div3A_265 = arith.divf %add3A_240, %div3A_264 : vector<16xf32>
      %swap3A_266 = arith.index_cast %mul3A_31 : i32 to index
      %swap3A_267 = arith.constant 80 : index
      %swap3A_268 = tpu.vector_load %arg12[%swap3A_266, %swap3A_267] {strides = array<i32>} : memref<128x128xf32, #tpu.memory_space<vmem>>, vector<16xf32>,
      tpu.vector_store %arg12[%swap3A_266, %swap3A_267], %div3A_265 {strides = array<i32>} : memref<128x128xf32, #tpu.memory_space<vmem>>, vector<16xf32>,
      %div3A_269 = vector.broadcast %add3A_258 : f32 to vector<16xf32>
      %div3A_270 = arith.divf %add3A_244, %div3A_269 : vector<16xf32>
      %swap3A_271 = arith.index_cast %mul3A_31 : i32 to index
      %swap3A_272 = arith.constant 96 : index
      %swap3A_273 = tpu.vector_load %arg12[%swap3A_271, %swap3A_272] {strides = array<i32>} : memref<128x128xf32, #tpu.memory_space<vmem>>, vector<16xf32>,
      tpu.vector_store %arg12[%swap3A_271, %swap3A_272], %div3A_270 {strides = array<i32>} : memref<128x128xf32, #tpu.memory_space<vmem>>, vector<16xf32>,
      %div3A_274 = vector.broadcast %add3A_258 : f32 to vector<16xf32>
      %div3A_275 = arith.divf %add3A_248, %div3A_274 : vector<16xf32>
      %swap3A_276 = arith.index_cast %mul3A_31 : i32 to index
      %swap3A_277 = arith.constant 112 : index
      %swap3A_278 = tpu.vector_load %arg12[%swap3A_276, %swap3A_277] {strides = array<i32>} : memref<128x128xf32, #tpu.memory_space<vmem>>, vector<16xf32>,
      tpu.vector_store %arg12[%swap3A_276, %swap3A_277], %div3A_275 {strides = array<i32>} : memref<128x128xf32, #tpu.memory_space<vmem>>, vector<16xf32>,
      %mul3A_279 = arith.constant 2 : i32
      %mul3A_280 = arith.muli %mul3A_279, %mul3A_16 : i32
      %add3A_281 = arith.constant 1 : i32
      %add3A_282 = arith.addi %mul3A_280, %add3A_281 : i32
      %broadcast_in_dim3A_283 = arith.constant 0.000000e+00 : f32
      %broadcast_in_dim3A_284 = vector.broadcast %broadcast_in_dim3A_283 : f32 to vector<16xf32>
      %scan3A_285 = arith.constant 0 : i32
      %scan3A_286 = arith.constant 50 : i32
      %scan3A_287 = arith.addi %scan3A_285, %scan3A_286 : i32
      %scan3A_288 = arith.constant 5 : i32
      %scan3A_289:4 = scf.for %scan3A_1084 = %scan3A_285 to %scan3A_287 step %scan3A_288 iter_args(%scan3A_1085 = %broadcast_in_dim3A_284, %scan3A_1086 = %broadcast_in_dim3A_284, %scan3A_1087 = %broadcast_in_dim3A_284, %scan3A_1088 = %broadcast_in_dim3A_284) -> (vector<16xf32>, vector<16xf32>, vector<16xf32>, vector<16xf32>)  : i32 {
        %add3A_1089 = arith.constant 50 : i32
        %add3A_1090 = arith.addi %add3A_1089, %scan3A_1084 : i32
        %get3A_1091 = arith.index_cast %add3A_1090 : i32 to index
        %get3A_1092 = arith.constant 0 : index
        %get3A_1093 = tpu.vector_load %arg10[%get3A_1091, %get3A_1092] {strides = array<i32>} : memref<100x64xf32, #tpu.memory_space<vmem>>, vector<16xf32>,
        %add3A_1094 = arith.addf %scan3A_1085, %get3A_1093 : vector<16xf32>
        %add3A_1095 = arith.constant 50 : i32
        %add3A_1096 = arith.addi %add3A_1095, %scan3A_1084 : i32
        %get3A_1097 = arith.index_cast %add3A_1096 : i32 to index
        %get3A_1098 = arith.constant 16 : index
        %get3A_1099 = tpu.vector_load %arg10[%get3A_1097, %get3A_1098] {strides = array<i32>} : memref<100x64xf32, #tpu.memory_space<vmem>>, vector<16xf32>,
        %add3A_1100 = arith.addf %scan3A_1086, %get3A_1099 : vector<16xf32>
        %add3A_1101 = arith.constant 50 : i32
        %add3A_1102 = arith.addi %add3A_1101, %scan3A_1084 : i32
        %get3A_1103 = arith.index_cast %add3A_1102 : i32 to index
        %get3A_1104 = arith.constant 32 : index
        %get3A_1105 = tpu.vector_load %arg10[%get3A_1103, %get3A_1104] {strides = array<i32>} : memref<100x64xf32, #tpu.memory_space<vmem>>, vector<16xf32>,
        %add3A_1106 = arith.addf %scan3A_1087, %get3A_1105 : vector<16xf32>
        %add3A_1107 = arith.constant 50 : i32
        %add3A_1108 = arith.addi %add3A_1107, %scan3A_1084 : i32
        %get3A_1109 = arith.index_cast %add3A_1108 : i32 to index
        %get3A_1110 = arith.constant 48 : index
        %get3A_1111 = tpu.vector_load %arg10[%get3A_1109, %get3A_1110] {strides = array<i32>} : memref<100x64xf32, #tpu.memory_space<vmem>>, vector<16xf32>,
        %add3A_1112 = arith.addf %scan3A_1088, %get3A_1111 : vector<16xf32>
        %scan3A_1113 = arith.constant 1 : i32
        %scan3A_1114 = arith.addi %scan3A_1084, %scan3A_1113 : i32
        %add3A_1115 = arith.constant 50 : i32
        %add3A_1116 = arith.addi %add3A_1115, %scan3A_1114 : i32
        %get3A_1117 = arith.index_cast %add3A_1116 : i32 to index
        %get3A_1118 = arith.constant 0 : index
        %get3A_1119 = tpu.vector_load %arg10[%get3A_1117, %get3A_1118] {strides = array<i32>} : memref<100x64xf32, #tpu.memory_space<vmem>>, vector<16xf32>,
        %add3A_1120 = arith.addf %add3A_1094, %get3A_1119 : vector<16xf32>
        %add3A_1121 = arith.constant 50 : i32
        %add3A_1122 = arith.addi %add3A_1121, %scan3A_1114 : i32
        %get3A_1123 = arith.index_cast %add3A_1122 : i32 to index
        %get3A_1124 = arith.constant 16 : index
        %get3A_1125 = tpu.vector_load %arg10[%get3A_1123, %get3A_1124] {strides = array<i32>} : memref<100x64xf32, #tpu.memory_space<vmem>>, vector<16xf32>,
        %add3A_1126 = arith.addf %add3A_1100, %get3A_1125 : vector<16xf32>
        %add3A_1127 = arith.constant 50 : i32
        %add3A_1128 = arith.addi %add3A_1127, %scan3A_1114 : i32
        %get3A_1129 = arith.index_cast %add3A_1128 : i32 to index
        %get3A_1130 = arith.constant 32 : index
        %get3A_1131 = tpu.vector_load %arg10[%get3A_1129, %get3A_1130] {strides = array<i32>} : memref<100x64xf32, #tpu.memory_space<vmem>>, vector<16xf32>,
        %add3A_1132 = arith.addf %add3A_1106, %get3A_1131 : vector<16xf32>
        %add3A_1133 = arith.constant 50 : i32
        %add3A_1134 = arith.addi %add3A_1133, %scan3A_1114 : i32
        %get3A_1135 = arith.index_cast %add3A_1134 : i32 to index
        %get3A_1136 = arith.constant 48 : index
        %get3A_1137 = tpu.vector_load %arg10[%get3A_1135, %get3A_1136] {strides = array<i32>} : memref<100x64xf32, #tpu.memory_space<vmem>>, vector<16xf32>,
        %add3A_1138 = arith.addf %add3A_1112, %get3A_1137 : vector<16xf32>
        %scan3A_1139 = arith.constant 2 : i32
        %scan3A_1140 = arith.addi %scan3A_1084, %scan3A_1139 : i32
        %add3A_1141 = arith.constant 50 : i32
        %add3A_1142 = arith.addi %add3A_1141, %scan3A_1140 : i32
        %get3A_1143 = arith.index_cast %add3A_1142 : i32 to index
        %get3A_1144 = arith.constant 0 : index
        %get3A_1145 = tpu.vector_load %arg10[%get3A_1143, %get3A_1144] {strides = array<i32>} : memref<100x64xf32, #tpu.memory_space<vmem>>, vector<16xf32>,
        %add3A_1146 = arith.addf %add3A_1120, %get3A_1145 : vector<16xf32>
        %add3A_1147 = arith.constant 50 : i32
        %add3A_1148 = arith.addi %add3A_1147, %scan3A_1140 : i32
        %get3A_1149 = arith.index_cast %add3A_1148 : i32 to index
        %get3A_1150 = arith.constant 16 : index
        %get3A_1151 = tpu.vector_load %arg10[%get3A_1149, %get3A_1150] {strides = array<i32>} : memref<100x64xf32, #tpu.memory_space<vmem>>, vector<16xf32>,
        %add3A_1152 = arith.addf %add3A_1126, %get3A_1151 : vector<16xf32>
        %add3A_1153 = arith.constant 50 : i32
        %add3A_1154 = arith.addi %add3A_1153, %scan3A_1140 : i32
        %get3A_1155 = arith.index_cast %add3A_1154 : i32 to index
        %get3A_1156 = arith.constant 32 : index
        %get3A_1157 = tpu.vector_load %arg10[%get3A_1155, %get3A_1156] {strides = array<i32>} : memref<100x64xf32, #tpu.memory_space<vmem>>, vector<16xf32>,
        %add3A_1158 = arith.addf %add3A_1132, %get3A_1157 : vector<16xf32>
        %add3A_1159 = arith.constant 50 : i32
        %add3A_1160 = arith.addi %add3A_1159, %scan3A_1140 : i32
        %get3A_1161 = arith.index_cast %add3A_1160 : i32 to index
        %get3A_1162 = arith.constant 48 : index
        %get3A_1163 = tpu.vector_load %arg10[%get3A_1161, %get3A_1162] {strides = array<i32>} : memref<100x64xf32, #tpu.memory_space<vmem>>, vector<16xf32>,
        %add3A_1164 = arith.addf %add3A_1138, %get3A_1163 : vector<16xf32>
        %scan3A_1165 = arith.constant 3 : i32
        %scan3A_1166 = arith.addi %scan3A_1084, %scan3A_1165 : i32
        %add3A_1167 = arith.constant 50 : i32
        %add3A_1168 = arith.addi %add3A_1167, %scan3A_1166 : i32
        %get3A_1169 = arith.index_cast %add3A_1168 : i32 to index
        %get3A_1170 = arith.constant 0 : index
        %get3A_1171 = tpu.vector_load %arg10[%get3A_1169, %get3A_1170] {strides = array<i32>} : memref<100x64xf32, #tpu.memory_space<vmem>>, vector<16xf32>,
        %add3A_1172 = arith.addf %add3A_1146, %get3A_1171 : vector<16xf32>
        %add3A_1173 = arith.constant 50 : i32
        %add3A_1174 = arith.addi %add3A_1173, %scan3A_1166 : i32
        %get3A_1175 = arith.index_cast %add3A_1174 : i32 to index
        %get3A_1176 = arith.constant 16 : index
        %get3A_1177 = tpu.vector_load %arg10[%get3A_1175, %get3A_1176] {strides = array<i32>} : memref<100x64xf32, #tpu.memory_space<vmem>>, vector<16xf32>,
        %add3A_1178 = arith.addf %add3A_1152, %get3A_1177 : vector<16xf32>
        %add3A_1179 = arith.constant 50 : i32
        %add3A_1180 = arith.addi %add3A_1179, %scan3A_1166 : i32
        %get3A_1181 = arith.index_cast %add3A_1180 : i32 to index
        %get3A_1182 = arith.constant 32 : index
        %get3A_1183 = tpu.vector_load %arg10[%get3A_1181, %get3A_1182] {strides = array<i32>} : memref<100x64xf32, #tpu.memory_space<vmem>>, vector<16xf32>,
        %add3A_1184 = arith.addf %add3A_1158, %get3A_1183 : vector<16xf32>
        %add3A_1185 = arith.constant 50 : i32
        %add3A_1186 = arith.addi %add3A_1185, %scan3A_1166 : i32
        %get3A_1187 = arith.index_cast %add3A_1186 : i32 to index
        %get3A_1188 = arith.constant 48 : index
        %get3A_1189 = tpu.vector_load %arg10[%get3A_1187, %get3A_1188] {strides = array<i32>} : memref<100x64xf32, #tpu.memory_space<vmem>>, vector<16xf32>,
        %add3A_1190 = arith.addf %add3A_1164, %get3A_1189 : vector<16xf32>
        %scan3A_1191 = arith.constant 4 : i32
        %scan3A_1192 = arith.addi %scan3A_1084, %scan3A_1191 : i32
        %add3A_1193 = arith.constant 50 : i32
        %add3A_1194 = arith.addi %add3A_1193, %scan3A_1192 : i32
        %get3A_1195 = arith.index_cast %add3A_1194 : i32 to index
        %get3A_1196 = arith.constant 0 : index
        %get3A_1197 = tpu.vector_load %arg10[%get3A_1195, %get3A_1196] {strides = array<i32>} : memref<100x64xf32, #tpu.memory_space<vmem>>, vector<16xf32>,
        %add3A_1198 = arith.addf %add3A_1172, %get3A_1197 : vector<16xf32>
        %add3A_1199 = arith.constant 50 : i32
        %add3A_1200 = arith.addi %add3A_1199, %scan3A_1192 : i32
        %get3A_1201 = arith.index_cast %add3A_1200 : i32 to index
        %get3A_1202 = arith.constant 16 : index
        %get3A_1203 = tpu.vector_load %arg10[%get3A_1201, %get3A_1202] {strides = array<i32>} : memref<100x64xf32, #tpu.memory_space<vmem>>, vector<16xf32>,
        %add3A_1204 = arith.addf %add3A_1178, %get3A_1203 : vector<16xf32>
        %add3A_1205 = arith.constant 50 : i32
        %add3A_1206 = arith.addi %add3A_1205, %scan3A_1192 : i32
        %get3A_1207 = arith.index_cast %add3A_1206 : i32 to index
        %get3A_1208 = arith.constant 32 : index
        %get3A_1209 = tpu.vector_load %arg10[%get3A_1207, %get3A_1208] {strides = array<i32>} : memref<100x64xf32, #tpu.memory_space<vmem>>, vector<16xf32>,
        %add3A_1210 = arith.addf %add3A_1184, %get3A_1209 : vector<16xf32>
        %add3A_1211 = arith.constant 50 : i32
        %add3A_1212 = arith.addi %add3A_1211, %scan3A_1192 : i32
        %get3A_1213 = arith.index_cast %add3A_1212 : i32 to index
        %get3A_1214 = arith.constant 48 : index
        %get3A_1215 = tpu.vector_load %arg10[%get3A_1213, %get3A_1214] {strides = array<i32>} : memref<100x64xf32, #tpu.memory_space<vmem>>, vector<16xf32>,
        %add3A_1216 = arith.addf %add3A_1190, %get3A_1215 : vector<16xf32>
        scf.yield %add3A_1198, %add3A_1204, %add3A_1210, %add3A_1216 : vector<16xf32>, vector<16xf32>, vector<16xf32>, vector<16xf32>
      }
      %scan3A_290 = arith.constant 50 : i32
      %broadcast_in_dim3A_291 = arith.constant 1.000000e+00 : f32
      %broadcast_in_dim3A_292 = vector.broadcast %broadcast_in_dim3A_291 : f32 to vector<16xf32>
      %broadcast_in_dim3A_293 = arith.constant 0.000000e+00 : f32
      %broadcast_in_dim3A_294 = vector.broadcast %broadcast_in_dim3A_293 : f32 to vector<16xf32>
      %iota3A_295 = tpu.iota {dimensions = array<i32: 0>} : vector<16xi32>
      %get3A_296 = arith.index_cast %mul3A_16 : i32 to index
      %get3A_297 = arith.constant 50 : index
      %get3A_298 = tpu.vector_load %arg7[%get3A_296, %get3A_297] {strides = array<i32>} : memref<64x100xi32, #tpu.memory_space<vmem>>, vector<16xi32>,
      %get3A_299 = arith.index_cast %mul3A_16 : i32 to index
      %get3A_300 = arith.constant 66 : index
      %get3A_301 = tpu.vector_load %arg7[%get3A_299, %get3A_300] {strides = array<i32>} : memref<64x100xi32, #tpu.memory_space<vmem>>, vector<16xi32>,
      %get3A_302 = arith.index_cast %mul3A_16 : i32 to index
      %get3A_303 = arith.constant 82 : index
      %get3A_304 = tpu.vector_load %arg7[%get3A_302, %get3A_303] {strides = array<i32>} : memref<64x100xi32, #tpu.memory_space<vmem>>, vector<16xi32>,
      %get3A_305 = arith.index_cast %mul3A_16 : i32 to index
      %get3A_306 = arith.constant 84 : index
      %get3A_307 = tpu.vector_load %arg7[%get3A_305, %get3A_306] {strides = array<i32>} : memref<64x100xi32, #tpu.memory_space<vmem>>, vector<16xi32>,
      %gt3A_308 = arith.constant 0 : i32
      %gt3A_309 = vector.broadcast %gt3A_308 : i32 to vector<16xi32>
      %gt3A_310 = arith.cmpi sgt, %get3A_298, %gt3A_309 : vector<16xi32>
      %select_n3A_311 = arith.select %gt3A_310, %broadcast_in_dim3A_292, %broadcast_in_dim3A_294 : vector<16xi1>, vector<16xf32>
      %gt3A_312 = arith.constant 0 : i32
      %gt3A_313 = vector.broadcast %gt3A_312 : i32 to vector<16xi32>
      %gt3A_314 = arith.cmpi sgt, %get3A_301, %gt3A_313 : vector<16xi32>
      %select_n3A_315 = arith.select %gt3A_314, %broadcast_in_dim3A_292, %broadcast_in_dim3A_294 : vector<16xi1>, vector<16xf32>
      %add3A_316 = arith.addf %select_n3A_311, %select_n3A_315 : vector<16xf32>
      %gt3A_317 = arith.constant 0 : i32
      %gt3A_318 = vector.broadcast %gt3A_317 : i32 to vector<16xi32>
      %gt3A_319 = arith.cmpi sgt, %get3A_304, %gt3A_318 : vector<16xi32>
      %select_n3A_320 = arith.select %gt3A_319, %broadcast_in_dim3A_292, %broadcast_in_dim3A_294 : vector<16xi1>, vector<16xf32>
      %add3A_321 = arith.addf %add3A_316, %select_n3A_320 : vector<16xf32>
      %gt3A_322 = arith.constant 0 : i32
      %gt3A_323 = vector.broadcast %gt3A_322 : i32 to vector<16xi32>
      %gt3A_324 = arith.cmpi sgt, %get3A_307, %gt3A_323 : vector<16xi32>
      %ge3A_325 = arith.constant 14 : i32
      %ge3A_326 = vector.broadcast %ge3A_325 : i32 to vector<16xi32>
      %ge3A_327 = arith.cmpi sge, %iota3A_295, %ge3A_326 : vector<16xi32>
      %and3A_328 = arith.andi %gt3A_324, %ge3A_327 : vector<16xi1>
      %select_n3A_329 = arith.select %and3A_328, %broadcast_in_dim3A_292, %broadcast_in_dim3A_294 : vector<16xi1>, vector<16xf32>
      %add3A_330 = arith.addf %add3A_321, %select_n3A_329 : vector<16xf32>
      %reduce_sum3A_331 = arith.constant true
      %reduce_sum3A_332 = vector.broadcast %reduce_sum3A_331 : i1 to vector<16xi1>
      %reduce_sum3A_333 = tpu.scan <sum>, %add3A_330 masked %reduce_sum3A_332 : vector<16xf32>, vector<16xi1> -> vector<16xf32>
      %reduce_sum3A_334 = vector.extract %reduce_sum3A_333[15] : f32 from vector<16xf32>
      %add3A_335 = arith.constant 9.99999993E-9 : f32
      %add3A_336 = arith.addf %reduce_sum3A_334, %add3A_335 : f32
      %div3A_337 = vector.broadcast %add3A_336 : f32 to vector<16xf32>
      %div3A_338 = arith.divf %scan3A_289#0, %div3A_337 : vector<16xf32>
      %swap3A_339 = arith.index_cast %add3A_282 : i32 to index
      %swap3A_340 = arith.constant 0 : index
      %swap3A_341 = tpu.vector_load %arg12[%swap3A_339, %swap3A_340] {strides = array<i32>} : memref<128x128xf32, #tpu.memory_space<vmem>>, vector<16xf32>,
      tpu.vector_store %arg12[%swap3A_339, %swap3A_340], %div3A_338 {strides = array<i32>} : memref<128x128xf32, #tpu.memory_space<vmem>>, vector<16xf32>,
      %div3A_342 = vector.broadcast %add3A_336 : f32 to vector<16xf32>
      %div3A_343 = arith.divf %scan3A_289#1, %div3A_342 : vector<16xf32>
      %swap3A_344 = arith.index_cast %add3A_282 : i32 to index
      %swap3A_345 = arith.constant 16 : index
      %swap3A_346 = tpu.vector_load %arg12[%swap3A_344, %swap3A_345] {strides = array<i32>} : memref<128x128xf32, #tpu.memory_space<vmem>>, vector<16xf32>,
      tpu.vector_store %arg12[%swap3A_344, %swap3A_345], %div3A_343 {strides = array<i32>} : memref<128x128xf32, #tpu.memory_space<vmem>>, vector<16xf32>,
      %div3A_347 = vector.broadcast %add3A_336 : f32 to vector<16xf32>
      %div3A_348 = arith.divf %scan3A_289#2, %div3A_347 : vector<16xf32>
      %swap3A_349 = arith.index_cast %add3A_282 : i32 to index
      %swap3A_350 = arith.constant 32 : index
      %swap3A_351 = tpu.vector_load %arg12[%swap3A_349, %swap3A_350] {strides = array<i32>} : memref<128x128xf32, #tpu.memory_space<vmem>>, vector<16xf32>,
      tpu.vector_store %arg12[%swap3A_349, %swap3A_350], %div3A_348 {strides = array<i32>} : memref<128x128xf32, #tpu.memory_space<vmem>>, vector<16xf32>,
      %div3A_352 = vector.broadcast %add3A_336 : f32 to vector<16xf32>
      %div3A_353 = arith.divf %scan3A_289#3, %div3A_352 : vector<16xf32>
      %swap3A_354 = arith.index_cast %add3A_282 : i32 to index
      %swap3A_355 = arith.constant 48 : index
      %swap3A_356 = tpu.vector_load %arg12[%swap3A_354, %swap3A_355] {strides = array<i32>} : memref<128x128xf32, #tpu.memory_space<vmem>>, vector<16xf32>,
      tpu.vector_store %arg12[%swap3A_354, %swap3A_355], %div3A_353 {strides = array<i32>} : memref<128x128xf32, #tpu.memory_space<vmem>>, vector<16xf32>,
      %broadcast_in_dim3A_357 = arith.constant 0.000000e+00 : f32
      %broadcast_in_dim3A_358 = vector.broadcast %broadcast_in_dim3A_357 : f32 to vector<16xf32>
      %broadcast_in_dim3A_359 = arith.constant 0.000000e+00 : f32
      %broadcast_in_dim3A_360 = vector.broadcast %broadcast_in_dim3A_359 : f32 to vector<16xf32>
      %broadcast_in_dim3A_361 = arith.constant 0.000000e+00 : f32
      %broadcast_in_dim3A_362 = vector.broadcast %broadcast_in_dim3A_361 : f32 to vector<16xf32>
      %broadcast_in_dim3A_363 = arith.constant 0.000000e+00 : f32
      %broadcast_in_dim3A_364 = vector.broadcast %broadcast_in_dim3A_363 : f32 to vector<16xf32>
      %get3A_365 = arith.index_cast %add3A_282 : i32 to index
      %get3A_366 = arith.constant 0 : index
      %get3A_367 = tpu.vector_load %arg8[%get3A_365, %get3A_366] {strides = array<i32>} : memref<128x16xi32, #tpu.memory_space<vmem>>, vector<16xi32>,
      %slice3A_368 = vector.extract_strided_slice %get3A_367 {offsets = [0], sizes = [1], strides = [1]} : vector<16xi32> to vector<1xi32>
      %squeeze3A_369 = vector.extract %slice3A_368[0] : i32 from vector<1xi32>
      %get3A_370 = arith.index_cast %squeeze3A_369 : i32 to index
      %get3A_371 = arith.constant 0 : index
      %get3A_372 = tpu.vector_load %arg9[%get3A_370, %get3A_371] {strides = array<i32>} : memref<21x64xf32, #tpu.memory_space<vmem>>, vector<16xf32>,
      %add3A_373 = arith.addf %broadcast_in_dim3A_358, %get3A_372 : vector<16xf32>
      %get3A_374 = arith.index_cast %squeeze3A_369 : i32 to index
      %get3A_375 = arith.constant 16 : index
      %get3A_376 = tpu.vector_load %arg9[%get3A_374, %get3A_375] {strides = array<i32>} : memref<21x64xf32, #tpu.memory_space<vmem>>, vector<16xf32>,
      %add3A_377 = arith.addf %broadcast_in_dim3A_360, %get3A_376 : vector<16xf32>
      %get3A_378 = arith.index_cast %squeeze3A_369 : i32 to index
      %get3A_379 = arith.constant 32 : index
      %get3A_380 = tpu.vector_load %arg9[%get3A_378, %get3A_379] {strides = array<i32>} : memref<21x64xf32, #tpu.memory_space<vmem>>, vector<16xf32>,
      %add3A_381 = arith.addf %broadcast_in_dim3A_362, %get3A_380 : vector<16xf32>
      %get3A_382 = arith.index_cast %squeeze3A_369 : i32 to index
      %get3A_383 = arith.constant 48 : index
      %get3A_384 = tpu.vector_load %arg9[%get3A_382, %get3A_383] {strides = array<i32>} : memref<21x64xf32, #tpu.memory_space<vmem>>, vector<16xf32>,
      %add3A_385 = arith.addf %broadcast_in_dim3A_364, %get3A_384 : vector<16xf32>
      %slice3A_386 = vector.extract_strided_slice %get3A_367 {offsets = [1], sizes = [1], strides = [1]} : vector<16xi32> to vector<1xi32>
      %squeeze3A_387 = vector.extract %slice3A_386[0] : i32 from vector<1xi32>
      %get3A_388 = arith.index_cast %squeeze3A_387 : i32 to index
      %get3A_389 = arith.constant 0 : index
      %get3A_390 = tpu.vector_load %arg9[%get3A_388, %get3A_389] {strides = array<i32>} : memref<21x64xf32, #tpu.memory_space<vmem>>, vector<16xf32>,
      %add3A_391 = arith.addf %add3A_373, %get3A_390 : vector<16xf32>
      %get3A_392 = arith.index_cast %squeeze3A_387 : i32 to index
      %get3A_393 = arith.constant 16 : index
      %get3A_394 = tpu.vector_load %arg9[%get3A_392, %get3A_393] {strides = array<i32>} : memref<21x64xf32, #tpu.memory_space<vmem>>, vector<16xf32>,
      %add3A_395 = arith.addf %add3A_377, %get3A_394 : vector<16xf32>
      %get3A_396 = arith.index_cast %squeeze3A_387 : i32 to index
      %get3A_397 = arith.constant 32 : index
      %get3A_398 = tpu.vector_load %arg9[%get3A_396, %get3A_397] {strides = array<i32>} : memref<21x64xf32, #tpu.memory_space<vmem>>, vector<16xf32>,
      %add3A_399 = arith.addf %add3A_381, %get3A_398 : vector<16xf32>
      %get3A_400 = arith.index_cast %squeeze3A_387 : i32 to index
      %get3A_401 = arith.constant 48 : index
      %get3A_402 = tpu.vector_load %arg9[%get3A_400, %get3A_401] {strides = array<i32>} : memref<21x64xf32, #tpu.memory_space<vmem>>, vector<16xf32>,
      %add3A_403 = arith.addf %add3A_385, %get3A_402 : vector<16xf32>
      %slice3A_404 = vector.extract_strided_slice %get3A_367 {offsets = [2], sizes = [1], strides = [1]} : vector<16xi32> to vector<1xi32>
      %squeeze3A_405 = vector.extract %slice3A_404[0] : i32 from vector<1xi32>
      %get3A_406 = arith.index_cast %squeeze3A_405 : i32 to index
      %get3A_407 = arith.constant 0 : index
      %get3A_408 = tpu.vector_load %arg9[%get3A_406, %get3A_407] {strides = array<i32>} : memref<21x64xf32, #tpu.memory_space<vmem>>, vector<16xf32>,
      %add3A_409 = arith.addf %add3A_391, %get3A_408 : vector<16xf32>
      %get3A_410 = arith.index_cast %squeeze3A_405 : i32 to index
      %get3A_411 = arith.constant 16 : index
      %get3A_412 = tpu.vector_load %arg9[%get3A_410, %get3A_411] {strides = array<i32>} : memref<21x64xf32, #tpu.memory_space<vmem>>, vector<16xf32>,
      %add3A_413 = arith.addf %add3A_395, %get3A_412 : vector<16xf32>
      %get3A_414 = arith.index_cast %squeeze3A_405 : i32 to index
      %get3A_415 = arith.constant 32 : index
      %get3A_416 = tpu.vector_load %arg9[%get3A_414, %get3A_415] {strides = array<i32>} : memref<21x64xf32, #tpu.memory_space<vmem>>, vector<16xf32>,
      %add3A_417 = arith.addf %add3A_399, %get3A_416 : vector<16xf32>
      %get3A_418 = arith.index_cast %squeeze3A_405 : i32 to index
      %get3A_419 = arith.constant 48 : index
      %get3A_420 = tpu.vector_load %arg9[%get3A_418, %get3A_419] {strides = array<i32>} : memref<21x64xf32, #tpu.memory_space<vmem>>, vector<16xf32>,
      %add3A_421 = arith.addf %add3A_403, %get3A_420 : vector<16xf32>
      %slice3A_422 = vector.extract_strided_slice %get3A_367 {offsets = [3], sizes = [1], strides = [1]} : vector<16xi32> to vector<1xi32>
      %squeeze3A_423 = vector.extract %slice3A_422[0] : i32 from vector<1xi32>
      %get3A_424 = arith.index_cast %squeeze3A_423 : i32 to index
      %get3A_425 = arith.constant 0 : index
      %get3A_426 = tpu.vector_load %arg9[%get3A_424, %get3A_425] {strides = array<i32>} : memref<21x64xf32, #tpu.memory_space<vmem>>, vector<16xf32>,
      %add3A_427 = arith.addf %add3A_409, %get3A_426 : vector<16xf32>
      %get3A_428 = arith.index_cast %squeeze3A_423 : i32 to index
      %get3A_429 = arith.constant 16 : index
      %get3A_430 = tpu.vector_load %arg9[%get3A_428, %get3A_429] {strides = array<i32>} : memref<21x64xf32, #tpu.memory_space<vmem>>, vector<16xf32>,
      %add3A_431 = arith.addf %add3A_413, %get3A_430 : vector<16xf32>
      %get3A_432 = arith.index_cast %squeeze3A_423 : i32 to index
      %get3A_433 = arith.constant 32 : index
      %get3A_434 = tpu.vector_load %arg9[%get3A_432, %get3A_433] {strides = array<i32>} : memref<21x64xf32, #tpu.memory_space<vmem>>, vector<16xf32>,
      %add3A_435 = arith.addf %add3A_417, %get3A_434 : vector<16xf32>
      %get3A_436 = arith.index_cast %squeeze3A_423 : i32 to index
      %get3A_437 = arith.constant 48 : index
      %get3A_438 = tpu.vector_load %arg9[%get3A_436, %get3A_437] {strides = array<i32>} : memref<21x64xf32, #tpu.memory_space<vmem>>, vector<16xf32>,
      %add3A_439 = arith.addf %add3A_421, %get3A_438 : vector<16xf32>
      %slice3A_440 = vector.extract_strided_slice %get3A_367 {offsets = [4], sizes = [1], strides = [1]} : vector<16xi32> to vector<1xi32>
      %squeeze3A_441 = vector.extract %slice3A_440[0] : i32 from vector<1xi32>
      %get3A_442 = arith.index_cast %squeeze3A_441 : i32 to index
      %get3A_443 = arith.constant 0 : index
      %get3A_444 = tpu.vector_load %arg9[%get3A_442, %get3A_443] {strides = array<i32>} : memref<21x64xf32, #tpu.memory_space<vmem>>, vector<16xf32>,
      %add3A_445 = arith.addf %add3A_427, %get3A_444 : vector<16xf32>
      %get3A_446 = arith.index_cast %squeeze3A_441 : i32 to index
      %get3A_447 = arith.constant 16 : index
      %get3A_448 = tpu.vector_load %arg9[%get3A_446, %get3A_447] {strides = array<i32>} : memref<21x64xf32, #tpu.memory_space<vmem>>, vector<16xf32>,
      %add3A_449 = arith.addf %add3A_431, %get3A_448 : vector<16xf32>
      %get3A_450 = arith.index_cast %squeeze3A_441 : i32 to index
      %get3A_451 = arith.constant 32 : index
      %get3A_452 = tpu.vector_load %arg9[%get3A_450, %get3A_451] {strides = array<i32>} : memref<21x64xf32, #tpu.memory_space<vmem>>, vector<16xf32>,
      %add3A_453 = arith.addf %add3A_435, %get3A_452 : vector<16xf32>
      %get3A_454 = arith.index_cast %squeeze3A_441 : i32 to index
      %get3A_455 = arith.constant 48 : index
      %get3A_456 = tpu.vector_load %arg9[%get3A_454, %get3A_455] {strides = array<i32>} : memref<21x64xf32, #tpu.memory_space<vmem>>, vector<16xf32>,
      %add3A_457 = arith.addf %add3A_439, %get3A_456 : vector<16xf32>
      %slice3A_458 = vector.extract_strided_slice %get3A_367 {offsets = [5], sizes = [1], strides = [1]} : vector<16xi32> to vector<1xi32>
      %squeeze3A_459 = vector.extract %slice3A_458[0] : i32 from vector<1xi32>
      %get3A_460 = arith.index_cast %squeeze3A_459 : i32 to index
      %get3A_461 = arith.constant 0 : index
      %get3A_462 = tpu.vector_load %arg9[%get3A_460, %get3A_461] {strides = array<i32>} : memref<21x64xf32, #tpu.memory_space<vmem>>, vector<16xf32>,
      %add3A_463 = arith.addf %add3A_445, %get3A_462 : vector<16xf32>
      %get3A_464 = arith.index_cast %squeeze3A_459 : i32 to index
      %get3A_465 = arith.constant 16 : index
      %get3A_466 = tpu.vector_load %arg9[%get3A_464, %get3A_465] {strides = array<i32>} : memref<21x64xf32, #tpu.memory_space<vmem>>, vector<16xf32>,
      %add3A_467 = arith.addf %add3A_449, %get3A_466 : vector<16xf32>
      %get3A_468 = arith.index_cast %squeeze3A_459 : i32 to index
      %get3A_469 = arith.constant 32 : index
      %get3A_470 = tpu.vector_load %arg9[%get3A_468, %get3A_469] {strides = array<i32>} : memref<21x64xf32, #tpu.memory_space<vmem>>, vector<16xf32>,
      %add3A_471 = arith.addf %add3A_453, %get3A_470 : vector<16xf32>
      %get3A_472 = arith.index_cast %squeeze3A_459 : i32 to index
      %get3A_473 = arith.constant 48 : index
      %get3A_474 = tpu.vector_load %arg9[%get3A_472, %get3A_473] {strides = array<i32>} : memref<21x64xf32, #tpu.memory_space<vmem>>, vector<16xf32>,
      %add3A_475 = arith.addf %add3A_457, %get3A_474 : vector<16xf32>
      %slice3A_476 = vector.extract_strided_slice %get3A_367 {offsets = [6], sizes = [1], strides = [1]} : vector<16xi32> to vector<1xi32>
      %squeeze3A_477 = vector.extract %slice3A_476[0] : i32 from vector<1xi32>
      %get3A_478 = arith.index_cast %squeeze3A_477 : i32 to index
      %get3A_479 = arith.constant 0 : index
      %get3A_480 = tpu.vector_load %arg9[%get3A_478, %get3A_479] {strides = array<i32>} : memref<21x64xf32, #tpu.memory_space<vmem>>, vector<16xf32>,
      %add3A_481 = arith.addf %add3A_463, %get3A_480 : vector<16xf32>
      %get3A_482 = arith.index_cast %squeeze3A_477 : i32 to index
      %get3A_483 = arith.constant 16 : index
      %get3A_484 = tpu.vector_load %arg9[%get3A_482, %get3A_483] {strides = array<i32>} : memref<21x64xf32, #tpu.memory_space<vmem>>, vector<16xf32>,
      %add3A_485 = arith.addf %add3A_467, %get3A_484 : vector<16xf32>
      %get3A_486 = arith.index_cast %squeeze3A_477 : i32 to index
      %get3A_487 = arith.constant 32 : index
      %get3A_488 = tpu.vector_load %arg9[%get3A_486, %get3A_487] {strides = array<i32>} : memref<21x64xf32, #tpu.memory_space<vmem>>, vector<16xf32>,
      %add3A_489 = arith.addf %add3A_471, %get3A_488 : vector<16xf32>
      %get3A_490 = arith.index_cast %squeeze3A_477 : i32 to index
      %get3A_491 = arith.constant 48 : index
      %get3A_492 = tpu.vector_load %arg9[%get3A_490, %get3A_491] {strides = array<i32>} : memref<21x64xf32, #tpu.memory_space<vmem>>, vector<16xf32>,
      %add3A_493 = arith.addf %add3A_475, %get3A_492 : vector<16xf32>
      %slice3A_494 = vector.extract_strided_slice %get3A_367 {offsets = [7], sizes = [1], strides = [1]} : vector<16xi32> to vector<1xi32>
      %squeeze3A_495 = vector.extract %slice3A_494[0] : i32 from vector<1xi32>
      %get3A_496 = arith.index_cast %squeeze3A_495 : i32 to index
      %get3A_497 = arith.constant 0 : index
      %get3A_498 = tpu.vector_load %arg9[%get3A_496, %get3A_497] {strides = array<i32>} : memref<21x64xf32, #tpu.memory_space<vmem>>, vector<16xf32>,
      %add3A_499 = arith.addf %add3A_481, %get3A_498 : vector<16xf32>
      %get3A_500 = arith.index_cast %squeeze3A_495 : i32 to index
      %get3A_501 = arith.constant 16 : index
      %get3A_502 = tpu.vector_load %arg9[%get3A_500, %get3A_501] {strides = array<i32>} : memref<21x64xf32, #tpu.memory_space<vmem>>, vector<16xf32>,
      %add3A_503 = arith.addf %add3A_485, %get3A_502 : vector<16xf32>
      %get3A_504 = arith.index_cast %squeeze3A_495 : i32 to index
      %get3A_505 = arith.constant 32 : index
      %get3A_506 = tpu.vector_load %arg9[%get3A_504, %get3A_505] {strides = array<i32>} : memref<21x64xf32, #tpu.memory_space<vmem>>, vector<16xf32>,
      %add3A_507 = arith.addf %add3A_489, %get3A_506 : vector<16xf32>
      %get3A_508 = arith.index_cast %squeeze3A_495 : i32 to index
      %get3A_509 = arith.constant 48 : index
      %get3A_510 = tpu.vector_load %arg9[%get3A_508, %get3A_509] {strides = array<i32>} : memref<21x64xf32, #tpu.memory_space<vmem>>, vector<16xf32>,
      %add3A_511 = arith.addf %add3A_493, %get3A_510 : vector<16xf32>
      %gt3A_512 = arith.constant 0 : i32
      %gt3A_513 = vector.broadcast %gt3A_512 : i32 to vector<16xi32>
      %gt3A_514 = arith.cmpi sgt, %get3A_367, %gt3A_513 : vector<16xi32>
      %select_n3A_515 = arith.select %gt3A_514, %broadcast_in_dim3A_292, %broadcast_in_dim3A_294 : vector<16xi1>, vector<16xf32>
      %reduce_sum3A_516 = arith.constant true
      %reduce_sum3A_517 = vector.broadcast %reduce_sum3A_516 : i1 to vector<16xi1>
      %reduce_sum3A_518 = tpu.scan <sum>, %select_n3A_515 masked %reduce_sum3A_517 : vector<16xf32>, vector<16xi1> -> vector<16xf32>
      %reduce_sum3A_519 = vector.extract %reduce_sum3A_518[15] : f32 from vector<16xf32>
      %add3A_520 = arith.constant 9.99999993E-9 : f32
      %add3A_521 = arith.addf %reduce_sum3A_519, %add3A_520 : f32
      %div3A_522 = vector.broadcast %add3A_521 : f32 to vector<16xf32>
      %div3A_523 = arith.divf %add3A_499, %div3A_522 : vector<16xf32>
      %swap3A_524 = arith.index_cast %add3A_282 : i32 to index
      %swap3A_525 = arith.constant 64 : index
      %swap3A_526 = tpu.vector_load %arg12[%swap3A_524, %swap3A_525] {strides = array<i32>} : memref<128x128xf32, #tpu.memory_space<vmem>>, vector<16xf32>,
      tpu.vector_store %arg12[%swap3A_524, %swap3A_525], %div3A_523 {strides = array<i32>} : memref<128x128xf32, #tpu.memory_space<vmem>>, vector<16xf32>,
      %div3A_527 = vector.broadcast %add3A_521 : f32 to vector<16xf32>
      %div3A_528 = arith.divf %add3A_503, %div3A_527 : vector<16xf32>
      %swap3A_529 = arith.index_cast %add3A_282 : i32 to index
      %swap3A_530 = arith.constant 80 : index
      %swap3A_531 = tpu.vector_load %arg12[%swap3A_529, %swap3A_530] {strides = array<i32>} : memref<128x128xf32, #tpu.memory_space<vmem>>, vector<16xf32>,
      tpu.vector_store %arg12[%swap3A_529, %swap3A_530], %div3A_528 {strides = array<i32>} : memref<128x128xf32, #tpu.memory_space<vmem>>, vector<16xf32>,
      %div3A_532 = vector.broadcast %add3A_521 : f32 to vector<16xf32>
      %div3A_533 = arith.divf %add3A_507, %div3A_532 : vector<16xf32>
      %swap3A_534 = arith.index_cast %add3A_282 : i32 to index
      %swap3A_535 = arith.constant 96 : index
      %swap3A_536 = tpu.vector_load %arg12[%swap3A_534, %swap3A_535] {strides = array<i32>} : memref<128x128xf32, #tpu.memory_space<vmem>>, vector<16xf32>,
      tpu.vector_store %arg12[%swap3A_534, %swap3A_535], %div3A_533 {strides = array<i32>} : memref<128x128xf32, #tpu.memory_space<vmem>>, vector<16xf32>,
      %div3A_537 = vector.broadcast %add3A_521 : f32 to vector<16xf32>
      %div3A_538 = arith.divf %add3A_511, %div3A_537 : vector<16xf32>
      %swap3A_539 = arith.index_cast %add3A_282 : i32 to index
      %swap3A_540 = arith.constant 112 : index
      %swap3A_541 = tpu.vector_load %arg12[%swap3A_539, %swap3A_540] {strides = array<i32>} : memref<128x128xf32, #tpu.memory_space<vmem>>, vector<16xf32>,
      tpu.vector_store %arg12[%swap3A_539, %swap3A_540], %div3A_538 {strides = array<i32>} : memref<128x128xf32, #tpu.memory_space<vmem>>, vector<16xf32>,
      %add3A_542 = arith.constant 2 : i32
      %add3A_543 = arith.addi %mul3A_16, %add3A_542 : i32
      %lt3A = arith.constant 64 : i32
      %lt3A_544 = arith.cmpi slt, %add3A_543, %lt3A : i32
      %convert_element_type3A = arith.extui %lt3A_544 : i1 to i32
      %cond3A = arith.constant 0 : i32
      %cond3A_545 = arith.cmpi ne, %convert_element_type3A, %cond3A : i32
      scf.if %cond3A_545 {
        %add3A_1084 = arith.constant 2 : i32
        %add3A_1085 = arith.addi %mul3A_16, %add3A_1084 : i32
        %dma_start3A_1086 = arith.constant 0 : i32
        %dma_start3A_1087 = tpu.memref_slice %arg7[%add3A_1085, %dma_start3A_1086] : memref<64x100xi32, #tpu.memory_space<vmem>> -> memref<1x100xi32, #tpu.memory_space<vmem>>
        %dma_start3A_1088 = tpu.memref_squeeze %dma_start3A_1087 : memref<1x100xi32, #tpu.memory_space<vmem>> -> memref<100xi32, #tpu.memory_space<vmem>>
        %dma_start3A_1089 = arith.constant 0 : i32
        %dma_start3A_1090 = arith.constant 0 : i32
        %dma_start3A_1091 = tpu.memref_slice %arg5[%dma_start3A_1089, %dma_start3A_1090] : memref<212992x64xf32, #tpu.memory_space<hbm>> -> memref<212992x64xf32, #tpu.memory_space<hbm>>
        tpu.enqueue_indirect_dma source(%dma_start3A_1091 : memref<212992x64xf32, #tpu.memory_space<hbm>>) target(%arg10 : memref<100x64xf32, #tpu.memory_space<vmem>>) offsets(%dma_start3A_1088 : memref<100xi32, #tpu.memory_space<vmem>>) semaphore(%arg13 : memref<!tpu.dma_semaphore, #tpu.memory_space<semaphore_mem>>)
      } else {
      }
      %add3A_546 = arith.constant 1 : i32
      %add3A_547 = arith.addi %mul3A_16, %add3A_546 : i32
      %dma_wait3A_548 = arith.constant 0 : i32
      %dma_wait3A_549 = tpu.memref_slice %arg7[%add3A_547, %dma_wait3A_548] : memref<64x100xi32, #tpu.memory_space<vmem>> -> memref<1x100xi32, #tpu.memory_space<vmem>>
      %dma_wait3A_550 = tpu.memref_squeeze %dma_wait3A_549 : memref<1x100xi32, #tpu.memory_space<vmem>> -> memref<100xi32, #tpu.memory_space<vmem>>
      %dma_wait3A_551 = arith.constant 0 : i32
      %dma_wait3A_552 = arith.constant 0 : i32
      %dma_wait3A_553 = tpu.memref_slice %arg5[%dma_wait3A_551, %dma_wait3A_552] : memref<212992x64xf32, #tpu.memory_space<hbm>> -> memref<212992x64xf32, #tpu.memory_space<hbm>>
      tpu.wait_indirect_dma semaphore(%arg14 : memref<!tpu.dma_semaphore, #tpu.memory_space<semaphore_mem>>) src(%dma_wait3A_553 : memref<212992x64xf32, #tpu.memory_space<hbm>>) dst(%arg11 : memref<100x64xf32, #tpu.memory_space<vmem>>)
      %mul3A_554 = arith.constant 2 : i32
      %mul3A_555 = arith.muli %mul3A_554, %mul3A_16 : i32
      %add3A_556 = arith.constant 2 : i32
      %add3A_557 = arith.addi %mul3A_555, %add3A_556 : i32
      %add3A_558 = arith.constant 1 : i32
      %add3A_559 = arith.addi %mul3A_16, %add3A_558 : i32
      %broadcast_in_dim3A_560 = arith.constant 0.000000e+00 : f32
      %broadcast_in_dim3A_561 = vector.broadcast %broadcast_in_dim3A_560 : f32 to vector<16xf32>
      %scan3A_562 = arith.constant 0 : i32
      %scan3A_563 = arith.constant 50 : i32
      %scan3A_564 = arith.addi %scan3A_562, %scan3A_563 : i32
      %scan3A_565 = arith.constant 5 : i32
      %scan3A_566:4 = scf.for %scan3A_1084 = %scan3A_562 to %scan3A_564 step %scan3A_565 iter_args(%scan3A_1085 = %broadcast_in_dim3A_561, %scan3A_1086 = %broadcast_in_dim3A_561, %scan3A_1087 = %broadcast_in_dim3A_561, %scan3A_1088 = %broadcast_in_dim3A_561) -> (vector<16xf32>, vector<16xf32>, vector<16xf32>, vector<16xf32>)  : i32 {
        %add3A_1089 = arith.constant 0 : i32
        %add3A_1090 = arith.addi %add3A_1089, %scan3A_1084 : i32
        %get3A_1091 = arith.index_cast %add3A_1090 : i32 to index
        %get3A_1092 = arith.constant 0 : index
        %get3A_1093 = tpu.vector_load %arg11[%get3A_1091, %get3A_1092] {strides = array<i32>} : memref<100x64xf32, #tpu.memory_space<vmem>>, vector<16xf32>,
        %add3A_1094 = arith.addf %scan3A_1085, %get3A_1093 : vector<16xf32>
        %add3A_1095 = arith.constant 0 : i32
        %add3A_1096 = arith.addi %add3A_1095, %scan3A_1084 : i32
        %get3A_1097 = arith.index_cast %add3A_1096 : i32 to index
        %get3A_1098 = arith.constant 16 : index
        %get3A_1099 = tpu.vector_load %arg11[%get3A_1097, %get3A_1098] {strides = array<i32>} : memref<100x64xf32, #tpu.memory_space<vmem>>, vector<16xf32>,
        %add3A_1100 = arith.addf %scan3A_1086, %get3A_1099 : vector<16xf32>
        %add3A_1101 = arith.constant 0 : i32
        %add3A_1102 = arith.addi %add3A_1101, %scan3A_1084 : i32
        %get3A_1103 = arith.index_cast %add3A_1102 : i32 to index
        %get3A_1104 = arith.constant 32 : index
        %get3A_1105 = tpu.vector_load %arg11[%get3A_1103, %get3A_1104] {strides = array<i32>} : memref<100x64xf32, #tpu.memory_space<vmem>>, vector<16xf32>,
        %add3A_1106 = arith.addf %scan3A_1087, %get3A_1105 : vector<16xf32>
        %add3A_1107 = arith.constant 0 : i32
        %add3A_1108 = arith.addi %add3A_1107, %scan3A_1084 : i32
        %get3A_1109 = arith.index_cast %add3A_1108 : i32 to index
        %get3A_1110 = arith.constant 48 : index
        %get3A_1111 = tpu.vector_load %arg11[%get3A_1109, %get3A_1110] {strides = array<i32>} : memref<100x64xf32, #tpu.memory_space<vmem>>, vector<16xf32>,
        %add3A_1112 = arith.addf %scan3A_1088, %get3A_1111 : vector<16xf32>
        %scan3A_1113 = arith.constant 1 : i32
        %scan3A_1114 = arith.addi %scan3A_1084, %scan3A_1113 : i32
        %add3A_1115 = arith.constant 0 : i32
        %add3A_1116 = arith.addi %add3A_1115, %scan3A_1114 : i32
        %get3A_1117 = arith.index_cast %add3A_1116 : i32 to index
        %get3A_1118 = arith.constant 0 : index
        %get3A_1119 = tpu.vector_load %arg11[%get3A_1117, %get3A_1118] {strides = array<i32>} : memref<100x64xf32, #tpu.memory_space<vmem>>, vector<16xf32>,
        %add3A_1120 = arith.addf %add3A_1094, %get3A_1119 : vector<16xf32>
        %add3A_1121 = arith.constant 0 : i32
        %add3A_1122 = arith.addi %add3A_1121, %scan3A_1114 : i32
        %get3A_1123 = arith.index_cast %add3A_1122 : i32 to index
        %get3A_1124 = arith.constant 16 : index
        %get3A_1125 = tpu.vector_load %arg11[%get3A_1123, %get3A_1124] {strides = array<i32>} : memref<100x64xf32, #tpu.memory_space<vmem>>, vector<16xf32>,
        %add3A_1126 = arith.addf %add3A_1100, %get3A_1125 : vector<16xf32>
        %add3A_1127 = arith.constant 0 : i32
        %add3A_1128 = arith.addi %add3A_1127, %scan3A_1114 : i32
        %get3A_1129 = arith.index_cast %add3A_1128 : i32 to index
        %get3A_1130 = arith.constant 32 : index
        %get3A_1131 = tpu.vector_load %arg11[%get3A_1129, %get3A_1130] {strides = array<i32>} : memref<100x64xf32, #tpu.memory_space<vmem>>, vector<16xf32>,
        %add3A_1132 = arith.addf %add3A_1106, %get3A_1131 : vector<16xf32>
        %add3A_1133 = arith.constant 0 : i32
        %add3A_1134 = arith.addi %add3A_1133, %scan3A_1114 : i32
        %get3A_1135 = arith.index_cast %add3A_1134 : i32 to index
        %get3A_1136 = arith.constant 48 : index
        %get3A_1137 = tpu.vector_load %arg11[%get3A_1135, %get3A_1136] {strides = array<i32>} : memref<100x64xf32, #tpu.memory_space<vmem>>, vector<16xf32>,
        %add3A_1138 = arith.addf %add3A_1112, %get3A_1137 : vector<16xf32>
        %scan3A_1139 = arith.constant 2 : i32
        %scan3A_1140 = arith.addi %scan3A_1084, %scan3A_1139 : i32
        %add3A_1141 = arith.constant 0 : i32
        %add3A_1142 = arith.addi %add3A_1141, %scan3A_1140 : i32
        %get3A_1143 = arith.index_cast %add3A_1142 : i32 to index
        %get3A_1144 = arith.constant 0 : index
        %get3A_1145 = tpu.vector_load %arg11[%get3A_1143, %get3A_1144] {strides = array<i32>} : memref<100x64xf32, #tpu.memory_space<vmem>>, vector<16xf32>,
        %add3A_1146 = arith.addf %add3A_1120, %get3A_1145 : vector<16xf32>
        %add3A_1147 = arith.constant 0 : i32
        %add3A_1148 = arith.addi %add3A_1147, %scan3A_1140 : i32
        %get3A_1149 = arith.index_cast %add3A_1148 : i32 to index
        %get3A_1150 = arith.constant 16 : index
        %get3A_1151 = tpu.vector_load %arg11[%get3A_1149, %get3A_1150] {strides = array<i32>} : memref<100x64xf32, #tpu.memory_space<vmem>>, vector<16xf32>,
        %add3A_1152 = arith.addf %add3A_1126, %get3A_1151 : vector<16xf32>
        %add3A_1153 = arith.constant 0 : i32
        %add3A_1154 = arith.addi %add3A_1153, %scan3A_1140 : i32
        %get3A_1155 = arith.index_cast %add3A_1154 : i32 to index
        %get3A_1156 = arith.constant 32 : index
        %get3A_1157 = tpu.vector_load %arg11[%get3A_1155, %get3A_1156] {strides = array<i32>} : memref<100x64xf32, #tpu.memory_space<vmem>>, vector<16xf32>,
        %add3A_1158 = arith.addf %add3A_1132, %get3A_1157 : vector<16xf32>
        %add3A_1159 = arith.constant 0 : i32
        %add3A_1160 = arith.addi %add3A_1159, %scan3A_1140 : i32
        %get3A_1161 = arith.index_cast %add3A_1160 : i32 to index
        %get3A_1162 = arith.constant 48 : index
        %get3A_1163 = tpu.vector_load %arg11[%get3A_1161, %get3A_1162] {strides = array<i32>} : memref<100x64xf32, #tpu.memory_space<vmem>>, vector<16xf32>,
        %add3A_1164 = arith.addf %add3A_1138, %get3A_1163 : vector<16xf32>
        %scan3A_1165 = arith.constant 3 : i32
        %scan3A_1166 = arith.addi %scan3A_1084, %scan3A_1165 : i32
        %add3A_1167 = arith.constant 0 : i32
        %add3A_1168 = arith.addi %add3A_1167, %scan3A_1166 : i32
        %get3A_1169 = arith.index_cast %add3A_1168 : i32 to index
        %get3A_1170 = arith.constant 0 : index
        %get3A_1171 = tpu.vector_load %arg11[%get3A_1169, %get3A_1170] {strides = array<i32>} : memref<100x64xf32, #tpu.memory_space<vmem>>, vector<16xf32>,
        %add3A_1172 = arith.addf %add3A_1146, %get3A_1171 : vector<16xf32>
        %add3A_1173 = arith.constant 0 : i32
        %add3A_1174 = arith.addi %add3A_1173, %scan3A_1166 : i32
        %get3A_1175 = arith.index_cast %add3A_1174 : i32 to index
        %get3A_1176 = arith.constant 16 : index
        %get3A_1177 = tpu.vector_load %arg11[%get3A_1175, %get3A_1176] {strides = array<i32>} : memref<100x64xf32, #tpu.memory_space<vmem>>, vector<16xf32>,
        %add3A_1178 = arith.addf %add3A_1152, %get3A_1177 : vector<16xf32>
        %add3A_1179 = arith.constant 0 : i32
        %add3A_1180 = arith.addi %add3A_1179, %scan3A_1166 : i32
        %get3A_1181 = arith.index_cast %add3A_1180 : i32 to index
        %get3A_1182 = arith.constant 32 : index
        %get3A_1183 = tpu.vector_load %arg11[%get3A_1181, %get3A_1182] {strides = array<i32>} : memref<100x64xf32, #tpu.memory_space<vmem>>, vector<16xf32>,
        %add3A_1184 = arith.addf %add3A_1158, %get3A_1183 : vector<16xf32>
        %add3A_1185 = arith.constant 0 : i32
        %add3A_1186 = arith.addi %add3A_1185, %scan3A_1166 : i32
        %get3A_1187 = arith.index_cast %add3A_1186 : i32 to index
        %get3A_1188 = arith.constant 48 : index
        %get3A_1189 = tpu.vector_load %arg11[%get3A_1187, %get3A_1188] {strides = array<i32>} : memref<100x64xf32, #tpu.memory_space<vmem>>, vector<16xf32>,
        %add3A_1190 = arith.addf %add3A_1164, %get3A_1189 : vector<16xf32>
        %scan3A_1191 = arith.constant 4 : i32
        %scan3A_1192 = arith.addi %scan3A_1084, %scan3A_1191 : i32
        %add3A_1193 = arith.constant 0 : i32
        %add3A_1194 = arith.addi %add3A_1193, %scan3A_1192 : i32
        %get3A_1195 = arith.index_cast %add3A_1194 : i32 to index
        %get3A_1196 = arith.constant 0 : index
        %get3A_1197 = tpu.vector_load %arg11[%get3A_1195, %get3A_1196] {strides = array<i32>} : memref<100x64xf32, #tpu.memory_space<vmem>>, vector<16xf32>,
        %add3A_1198 = arith.addf %add3A_1172, %get3A_1197 : vector<16xf32>
        %add3A_1199 = arith.constant 0 : i32
        %add3A_1200 = arith.addi %add3A_1199, %scan3A_1192 : i32
        %get3A_1201 = arith.index_cast %add3A_1200 : i32 to index
        %get3A_1202 = arith.constant 16 : index
        %get3A_1203 = tpu.vector_load %arg11[%get3A_1201, %get3A_1202] {strides = array<i32>} : memref<100x64xf32, #tpu.memory_space<vmem>>, vector<16xf32>,
        %add3A_1204 = arith.addf %add3A_1178, %get3A_1203 : vector<16xf32>
        %add3A_1205 = arith.constant 0 : i32
        %add3A_1206 = arith.addi %add3A_1205, %scan3A_1192 : i32
        %get3A_1207 = arith.index_cast %add3A_1206 : i32 to index
        %get3A_1208 = arith.constant 32 : index
        %get3A_1209 = tpu.vector_load %arg11[%get3A_1207, %get3A_1208] {strides = array<i32>} : memref<100x64xf32, #tpu.memory_space<vmem>>, vector<16xf32>,
        %add3A_1210 = arith.addf %add3A_1184, %get3A_1209 : vector<16xf32>
        %add3A_1211 = arith.constant 0 : i32
        %add3A_1212 = arith.addi %add3A_1211, %scan3A_1192 : i32
        %get3A_1213 = arith.index_cast %add3A_1212 : i32 to index
        %get3A_1214 = arith.constant 48 : index
        %get3A_1215 = tpu.vector_load %arg11[%get3A_1213, %get3A_1214] {strides = array<i32>} : memref<100x64xf32, #tpu.memory_space<vmem>>, vector<16xf32>,
        %add3A_1216 = arith.addf %add3A_1190, %get3A_1215 : vector<16xf32>
        scf.yield %add3A_1198, %add3A_1204, %add3A_1210, %add3A_1216 : vector<16xf32>, vector<16xf32>, vector<16xf32>, vector<16xf32>
      }
      %scan3A_567 = arith.constant 50 : i32
      %broadcast_in_dim3A_568 = arith.constant 1.000000e+00 : f32
      %broadcast_in_dim3A_569 = vector.broadcast %broadcast_in_dim3A_568 : f32 to vector<16xf32>
      %broadcast_in_dim3A_570 = arith.constant 0.000000e+00 : f32
      %broadcast_in_dim3A_571 = vector.broadcast %broadcast_in_dim3A_570 : f32 to vector<16xf32>
      %iota3A_572 = tpu.iota {dimensions = array<i32: 0>} : vector<16xi32>
      %get3A_573 = arith.index_cast %add3A_559 : i32 to index
      %get3A_574 = arith.constant 0 : index
      %get3A_575 = tpu.vector_load %arg7[%get3A_573, %get3A_574] {strides = array<i32>} : memref<64x100xi32, #tpu.memory_space<vmem>>, vector<16xi32>,
      %get3A_576 = arith.index_cast %add3A_559 : i32 to index
      %get3A_577 = arith.constant 16 : index
      %get3A_578 = tpu.vector_load %arg7[%get3A_576, %get3A_577] {strides = array<i32>} : memref<64x100xi32, #tpu.memory_space<vmem>>, vector<16xi32>,
      %get3A_579 = arith.index_cast %add3A_559 : i32 to index
      %get3A_580 = arith.constant 32 : index
      %get3A_581 = tpu.vector_load %arg7[%get3A_579, %get3A_580] {strides = array<i32>} : memref<64x100xi32, #tpu.memory_space<vmem>>, vector<16xi32>,
      %get3A_582 = arith.index_cast %add3A_559 : i32 to index
      %get3A_583 = arith.constant 34 : index
      %get3A_584 = tpu.vector_load %arg7[%get3A_582, %get3A_583] {strides = array<i32>} : memref<64x100xi32, #tpu.memory_space<vmem>>, vector<16xi32>,
      %gt3A_585 = arith.constant 0 : i32
      %gt3A_586 = vector.broadcast %gt3A_585 : i32 to vector<16xi32>
      %gt3A_587 = arith.cmpi sgt, %get3A_575, %gt3A_586 : vector<16xi32>
      %select_n3A_588 = arith.select %gt3A_587, %broadcast_in_dim3A_569, %broadcast_in_dim3A_571 : vector<16xi1>, vector<16xf32>
      %gt3A_589 = arith.constant 0 : i32
      %gt3A_590 = vector.broadcast %gt3A_589 : i32 to vector<16xi32>
      %gt3A_591 = arith.cmpi sgt, %get3A_578, %gt3A_590 : vector<16xi32>
      %select_n3A_592 = arith.select %gt3A_591, %broadcast_in_dim3A_569, %broadcast_in_dim3A_571 : vector<16xi1>, vector<16xf32>
      %add3A_593 = arith.addf %select_n3A_588, %select_n3A_592 : vector<16xf32>
      %gt3A_594 = arith.constant 0 : i32
      %gt3A_595 = vector.broadcast %gt3A_594 : i32 to vector<16xi32>
      %gt3A_596 = arith.cmpi sgt, %get3A_581, %gt3A_595 : vector<16xi32>
      %select_n3A_597 = arith.select %gt3A_596, %broadcast_in_dim3A_569, %broadcast_in_dim3A_571 : vector<16xi1>, vector<16xf32>
      %add3A_598 = arith.addf %add3A_593, %select_n3A_597 : vector<16xf32>
      %gt3A_599 = arith.constant 0 : i32
      %gt3A_600 = vector.broadcast %gt3A_599 : i32 to vector<16xi32>
      %gt3A_601 = arith.cmpi sgt, %get3A_584, %gt3A_600 : vector<16xi32>
      %ge3A_602 = arith.constant 14 : i32
      %ge3A_603 = vector.broadcast %ge3A_602 : i32 to vector<16xi32>
      %ge3A_604 = arith.cmpi sge, %iota3A_572, %ge3A_603 : vector<16xi32>
      %and3A_605 = arith.andi %gt3A_601, %ge3A_604 : vector<16xi1>
      %select_n3A_606 = arith.select %and3A_605, %broadcast_in_dim3A_569, %broadcast_in_dim3A_571 : vector<16xi1>, vector<16xf32>
      %add3A_607 = arith.addf %add3A_598, %select_n3A_606 : vector<16xf32>
      %reduce_sum3A_608 = arith.constant true
      %reduce_sum3A_609 = vector.broadcast %reduce_sum3A_608 : i1 to vector<16xi1>
      %reduce_sum3A_610 = tpu.scan <sum>, %add3A_607 masked %reduce_sum3A_609 : vector<16xf32>, vector<16xi1> -> vector<16xf32>
      %reduce_sum3A_611 = vector.extract %reduce_sum3A_610[15] : f32 from vector<16xf32>
      %add3A_612 = arith.constant 9.99999993E-9 : f32
      %add3A_613 = arith.addf %reduce_sum3A_611, %add3A_612 : f32
      %div3A_614 = vector.broadcast %add3A_613 : f32 to vector<16xf32>
      %div3A_615 = arith.divf %scan3A_566#0, %div3A_614 : vector<16xf32>
      %swap3A_616 = arith.index_cast %add3A_557 : i32 to index
      %swap3A_617 = arith.constant 0 : index
      %swap3A_618 = tpu.vector_load %arg12[%swap3A_616, %swap3A_617] {strides = array<i32>} : memref<128x128xf32, #tpu.memory_space<vmem>>, vector<16xf32>,
      tpu.vector_store %arg12[%swap3A_616, %swap3A_617], %div3A_615 {strides = array<i32>} : memref<128x128xf32, #tpu.memory_space<vmem>>, vector<16xf32>,
      %div3A_619 = vector.broadcast %add3A_613 : f32 to vector<16xf32>
      %div3A_620 = arith.divf %scan3A_566#1, %div3A_619 : vector<16xf32>
      %swap3A_621 = arith.index_cast %add3A_557 : i32 to index
      %swap3A_622 = arith.constant 16 : index
      %swap3A_623 = tpu.vector_load %arg12[%swap3A_621, %swap3A_622] {strides = array<i32>} : memref<128x128xf32, #tpu.memory_space<vmem>>, vector<16xf32>,
      tpu.vector_store %arg12[%swap3A_621, %swap3A_622], %div3A_620 {strides = array<i32>} : memref<128x128xf32, #tpu.memory_space<vmem>>, vector<16xf32>,
      %div3A_624 = vector.broadcast %add3A_613 : f32 to vector<16xf32>
      %div3A_625 = arith.divf %scan3A_566#2, %div3A_624 : vector<16xf32>
      %swap3A_626 = arith.index_cast %add3A_557 : i32 to index
      %swap3A_627 = arith.constant 32 : index
      %swap3A_628 = tpu.vector_load %arg12[%swap3A_626, %swap3A_627] {strides = array<i32>} : memref<128x128xf32, #tpu.memory_space<vmem>>, vector<16xf32>,
      tpu.vector_store %arg12[%swap3A_626, %swap3A_627], %div3A_625 {strides = array<i32>} : memref<128x128xf32, #tpu.memory_space<vmem>>, vector<16xf32>,
      %div3A_629 = vector.broadcast %add3A_613 : f32 to vector<16xf32>
      %div3A_630 = arith.divf %scan3A_566#3, %div3A_629 : vector<16xf32>
      %swap3A_631 = arith.index_cast %add3A_557 : i32 to index
      %swap3A_632 = arith.constant 48 : index
      %swap3A_633 = tpu.vector_load %arg12[%swap3A_631, %swap3A_632] {strides = array<i32>} : memref<128x128xf32, #tpu.memory_space<vmem>>, vector<16xf32>,
      tpu.vector_store %arg12[%swap3A_631, %swap3A_632], %div3A_630 {strides = array<i32>} : memref<128x128xf32, #tpu.memory_space<vmem>>, vector<16xf32>,
      %broadcast_in_dim3A_634 = arith.constant 0.000000e+00 : f32
      %broadcast_in_dim3A_635 = vector.broadcast %broadcast_in_dim3A_634 : f32 to vector<16xf32>
      %broadcast_in_dim3A_636 = arith.constant 0.000000e+00 : f32
      %broadcast_in_dim3A_637 = vector.broadcast %broadcast_in_dim3A_636 : f32 to vector<16xf32>
      %broadcast_in_dim3A_638 = arith.constant 0.000000e+00 : f32
      %broadcast_in_dim3A_639 = vector.broadcast %broadcast_in_dim3A_638 : f32 to vector<16xf32>
      %broadcast_in_dim3A_640 = arith.constant 0.000000e+00 : f32
      %broadcast_in_dim3A_641 = vector.broadcast %broadcast_in_dim3A_640 : f32 to vector<16xf32>
      %get3A_642 = arith.index_cast %add3A_557 : i32 to index
      %get3A_643 = arith.constant 0 : index
      %get3A_644 = tpu.vector_load %arg8[%get3A_642, %get3A_643] {strides = array<i32>} : memref<128x16xi32, #tpu.memory_space<vmem>>, vector<16xi32>,
      %slice3A_645 = vector.extract_strided_slice %get3A_644 {offsets = [0], sizes = [1], strides = [1]} : vector<16xi32> to vector<1xi32>
      %squeeze3A_646 = vector.extract %slice3A_645[0] : i32 from vector<1xi32>
      %get3A_647 = arith.index_cast %squeeze3A_646 : i32 to index
      %get3A_648 = arith.constant 0 : index
      %get3A_649 = tpu.vector_load %arg9[%get3A_647, %get3A_648] {strides = array<i32>} : memref<21x64xf32, #tpu.memory_space<vmem>>, vector<16xf32>,
      %add3A_650 = arith.addf %broadcast_in_dim3A_635, %get3A_649 : vector<16xf32>
      %get3A_651 = arith.index_cast %squeeze3A_646 : i32 to index
      %get3A_652 = arith.constant 16 : index
      %get3A_653 = tpu.vector_load %arg9[%get3A_651, %get3A_652] {strides = array<i32>} : memref<21x64xf32, #tpu.memory_space<vmem>>, vector<16xf32>,
      %add3A_654 = arith.addf %broadcast_in_dim3A_637, %get3A_653 : vector<16xf32>
      %get3A_655 = arith.index_cast %squeeze3A_646 : i32 to index
      %get3A_656 = arith.constant 32 : index
      %get3A_657 = tpu.vector_load %arg9[%get3A_655, %get3A_656] {strides = array<i32>} : memref<21x64xf32, #tpu.memory_space<vmem>>, vector<16xf32>,
      %add3A_658 = arith.addf %broadcast_in_dim3A_639, %get3A_657 : vector<16xf32>
      %get3A_659 = arith.index_cast %squeeze3A_646 : i32 to index
      %get3A_660 = arith.constant 48 : index
      %get3A_661 = tpu.vector_load %arg9[%get3A_659, %get3A_660] {strides = array<i32>} : memref<21x64xf32, #tpu.memory_space<vmem>>, vector<16xf32>,
      %add3A_662 = arith.addf %broadcast_in_dim3A_641, %get3A_661 : vector<16xf32>
      %slice3A_663 = vector.extract_strided_slice %get3A_644 {offsets = [1], sizes = [1], strides = [1]} : vector<16xi32> to vector<1xi32>
      %squeeze3A_664 = vector.extract %slice3A_663[0] : i32 from vector<1xi32>
      %get3A_665 = arith.index_cast %squeeze3A_664 : i32 to index
      %get3A_666 = arith.constant 0 : index
      %get3A_667 = tpu.vector_load %arg9[%get3A_665, %get3A_666] {strides = array<i32>} : memref<21x64xf32, #tpu.memory_space<vmem>>, vector<16xf32>,
      %add3A_668 = arith.addf %add3A_650, %get3A_667 : vector<16xf32>
      %get3A_669 = arith.index_cast %squeeze3A_664 : i32 to index
      %get3A_670 = arith.constant 16 : index
      %get3A_671 = tpu.vector_load %arg9[%get3A_669, %get3A_670] {strides = array<i32>} : memref<21x64xf32, #tpu.memory_space<vmem>>, vector<16xf32>,
      %add3A_672 = arith.addf %add3A_654, %get3A_671 : vector<16xf32>
      %get3A_673 = arith.index_cast %squeeze3A_664 : i32 to index
      %get3A_674 = arith.constant 32 : index
      %get3A_675 = tpu.vector_load %arg9[%get3A_673, %get3A_674] {strides = array<i32>} : memref<21x64xf32, #tpu.memory_space<vmem>>, vector<16xf32>,
      %add3A_676 = arith.addf %add3A_658, %get3A_675 : vector<16xf32>
      %get3A_677 = arith.index_cast %squeeze3A_664 : i32 to index
      %get3A_678 = arith.constant 48 : index
      %get3A_679 = tpu.vector_load %arg9[%get3A_677, %get3A_678] {strides = array<i32>} : memref<21x64xf32, #tpu.memory_space<vmem>>, vector<16xf32>,
      %add3A_680 = arith.addf %add3A_662, %get3A_679 : vector<16xf32>
      %slice3A_681 = vector.extract_strided_slice %get3A_644 {offsets = [2], sizes = [1], strides = [1]} : vector<16xi32> to vector<1xi32>
      %squeeze3A_682 = vector.extract %slice3A_681[0] : i32 from vector<1xi32>
      %get3A_683 = arith.index_cast %squeeze3A_682 : i32 to index
      %get3A_684 = arith.constant 0 : index
      %get3A_685 = tpu.vector_load %arg9[%get3A_683, %get3A_684] {strides = array<i32>} : memref<21x64xf32, #tpu.memory_space<vmem>>, vector<16xf32>,
      %add3A_686 = arith.addf %add3A_668, %get3A_685 : vector<16xf32>
      %get3A_687 = arith.index_cast %squeeze3A_682 : i32 to index
      %get3A_688 = arith.constant 16 : index
      %get3A_689 = tpu.vector_load %arg9[%get3A_687, %get3A_688] {strides = array<i32>} : memref<21x64xf32, #tpu.memory_space<vmem>>, vector<16xf32>,
      %add3A_690 = arith.addf %add3A_672, %get3A_689 : vector<16xf32>
      %get3A_691 = arith.index_cast %squeeze3A_682 : i32 to index
      %get3A_692 = arith.constant 32 : index
      %get3A_693 = tpu.vector_load %arg9[%get3A_691, %get3A_692] {strides = array<i32>} : memref<21x64xf32, #tpu.memory_space<vmem>>, vector<16xf32>,
      %add3A_694 = arith.addf %add3A_676, %get3A_693 : vector<16xf32>
      %get3A_695 = arith.index_cast %squeeze3A_682 : i32 to index
      %get3A_696 = arith.constant 48 : index
      %get3A_697 = tpu.vector_load %arg9[%get3A_695, %get3A_696] {strides = array<i32>} : memref<21x64xf32, #tpu.memory_space<vmem>>, vector<16xf32>,
      %add3A_698 = arith.addf %add3A_680, %get3A_697 : vector<16xf32>
      %slice3A_699 = vector.extract_strided_slice %get3A_644 {offsets = [3], sizes = [1], strides = [1]} : vector<16xi32> to vector<1xi32>
      %squeeze3A_700 = vector.extract %slice3A_699[0] : i32 from vector<1xi32>
      %get3A_701 = arith.index_cast %squeeze3A_700 : i32 to index
      %get3A_702 = arith.constant 0 : index
      %get3A_703 = tpu.vector_load %arg9[%get3A_701, %get3A_702] {strides = array<i32>} : memref<21x64xf32, #tpu.memory_space<vmem>>, vector<16xf32>,
      %add3A_704 = arith.addf %add3A_686, %get3A_703 : vector<16xf32>
      %get3A_705 = arith.index_cast %squeeze3A_700 : i32 to index
      %get3A_706 = arith.constant 16 : index
      %get3A_707 = tpu.vector_load %arg9[%get3A_705, %get3A_706] {strides = array<i32>} : memref<21x64xf32, #tpu.memory_space<vmem>>, vector<16xf32>,
      %add3A_708 = arith.addf %add3A_690, %get3A_707 : vector<16xf32>
      %get3A_709 = arith.index_cast %squeeze3A_700 : i32 to index
      %get3A_710 = arith.constant 32 : index
      %get3A_711 = tpu.vector_load %arg9[%get3A_709, %get3A_710] {strides = array<i32>} : memref<21x64xf32, #tpu.memory_space<vmem>>, vector<16xf32>,
      %add3A_712 = arith.addf %add3A_694, %get3A_711 : vector<16xf32>
      %get3A_713 = arith.index_cast %squeeze3A_700 : i32 to index
      %get3A_714 = arith.constant 48 : index
      %get3A_715 = tpu.vector_load %arg9[%get3A_713, %get3A_714] {strides = array<i32>} : memref<21x64xf32, #tpu.memory_space<vmem>>, vector<16xf32>,
      %add3A_716 = arith.addf %add3A_698, %get3A_715 : vector<16xf32>
      %slice3A_717 = vector.extract_strided_slice %get3A_644 {offsets = [4], sizes = [1], strides = [1]} : vector<16xi32> to vector<1xi32>
      %squeeze3A_718 = vector.extract %slice3A_717[0] : i32 from vector<1xi32>
      %get3A_719 = arith.index_cast %squeeze3A_718 : i32 to index
      %get3A_720 = arith.constant 0 : index
      %get3A_721 = tpu.vector_load %arg9[%get3A_719, %get3A_720] {strides = array<i32>} : memref<21x64xf32, #tpu.memory_space<vmem>>, vector<16xf32>,
      %add3A_722 = arith.addf %add3A_704, %get3A_721 : vector<16xf32>
      %get3A_723 = arith.index_cast %squeeze3A_718 : i32 to index
      %get3A_724 = arith.constant 16 : index
      %get3A_725 = tpu.vector_load %arg9[%get3A_723, %get3A_724] {strides = array<i32>} : memref<21x64xf32, #tpu.memory_space<vmem>>, vector<16xf32>,
      %add3A_726 = arith.addf %add3A_708, %get3A_725 : vector<16xf32>
      %get3A_727 = arith.index_cast %squeeze3A_718 : i32 to index
      %get3A_728 = arith.constant 32 : index
      %get3A_729 = tpu.vector_load %arg9[%get3A_727, %get3A_728] {strides = array<i32>} : memref<21x64xf32, #tpu.memory_space<vmem>>, vector<16xf32>,
      %add3A_730 = arith.addf %add3A_712, %get3A_729 : vector<16xf32>
      %get3A_731 = arith.index_cast %squeeze3A_718 : i32 to index
      %get3A_732 = arith.constant 48 : index
      %get3A_733 = tpu.vector_load %arg9[%get3A_731, %get3A_732] {strides = array<i32>} : memref<21x64xf32, #tpu.memory_space<vmem>>, vector<16xf32>,
      %add3A_734 = arith.addf %add3A_716, %get3A_733 : vector<16xf32>
      %slice3A_735 = vector.extract_strided_slice %get3A_644 {offsets = [5], sizes = [1], strides = [1]} : vector<16xi32> to vector<1xi32>
      %squeeze3A_736 = vector.extract %slice3A_735[0] : i32 from vector<1xi32>
      %get3A_737 = arith.index_cast %squeeze3A_736 : i32 to index
      %get3A_738 = arith.constant 0 : index
      %get3A_739 = tpu.vector_load %arg9[%get3A_737, %get3A_738] {strides = array<i32>} : memref<21x64xf32, #tpu.memory_space<vmem>>, vector<16xf32>,
      %add3A_740 = arith.addf %add3A_722, %get3A_739 : vector<16xf32>
      %get3A_741 = arith.index_cast %squeeze3A_736 : i32 to index
      %get3A_742 = arith.constant 16 : index
      %get3A_743 = tpu.vector_load %arg9[%get3A_741, %get3A_742] {strides = array<i32>} : memref<21x64xf32, #tpu.memory_space<vmem>>, vector<16xf32>,
      %add3A_744 = arith.addf %add3A_726, %get3A_743 : vector<16xf32>
      %get3A_745 = arith.index_cast %squeeze3A_736 : i32 to index
      %get3A_746 = arith.constant 32 : index
      %get3A_747 = tpu.vector_load %arg9[%get3A_745, %get3A_746] {strides = array<i32>} : memref<21x64xf32, #tpu.memory_space<vmem>>, vector<16xf32>,
      %add3A_748 = arith.addf %add3A_730, %get3A_747 : vector<16xf32>
      %get3A_749 = arith.index_cast %squeeze3A_736 : i32 to index
      %get3A_750 = arith.constant 48 : index
      %get3A_751 = tpu.vector_load %arg9[%get3A_749, %get3A_750] {strides = array<i32>} : memref<21x64xf32, #tpu.memory_space<vmem>>, vector<16xf32>,
      %add3A_752 = arith.addf %add3A_734, %get3A_751 : vector<16xf32>
      %slice3A_753 = vector.extract_strided_slice %get3A_644 {offsets = [6], sizes = [1], strides = [1]} : vector<16xi32> to vector<1xi32>
      %squeeze3A_754 = vector.extract %slice3A_753[0] : i32 from vector<1xi32>
      %get3A_755 = arith.index_cast %squeeze3A_754 : i32 to index
      %get3A_756 = arith.constant 0 : index
      %get3A_757 = tpu.vector_load %arg9[%get3A_755, %get3A_756] {strides = array<i32>} : memref<21x64xf32, #tpu.memory_space<vmem>>, vector<16xf32>,
      %add3A_758 = arith.addf %add3A_740, %get3A_757 : vector<16xf32>
      %get3A_759 = arith.index_cast %squeeze3A_754 : i32 to index
      %get3A_760 = arith.constant 16 : index
      %get3A_761 = tpu.vector_load %arg9[%get3A_759, %get3A_760] {strides = array<i32>} : memref<21x64xf32, #tpu.memory_space<vmem>>, vector<16xf32>,
      %add3A_762 = arith.addf %add3A_744, %get3A_761 : vector<16xf32>
      %get3A_763 = arith.index_cast %squeeze3A_754 : i32 to index
      %get3A_764 = arith.constant 32 : index
      %get3A_765 = tpu.vector_load %arg9[%get3A_763, %get3A_764] {strides = array<i32>} : memref<21x64xf32, #tpu.memory_space<vmem>>, vector<16xf32>,
      %add3A_766 = arith.addf %add3A_748, %get3A_765 : vector<16xf32>
      %get3A_767 = arith.index_cast %squeeze3A_754 : i32 to index
      %get3A_768 = arith.constant 48 : index
      %get3A_769 = tpu.vector_load %arg9[%get3A_767, %get3A_768] {strides = array<i32>} : memref<21x64xf32, #tpu.memory_space<vmem>>, vector<16xf32>,
      %add3A_770 = arith.addf %add3A_752, %get3A_769 : vector<16xf32>
      %slice3A_771 = vector.extract_strided_slice %get3A_644 {offsets = [7], sizes = [1], strides = [1]} : vector<16xi32> to vector<1xi32>
      %squeeze3A_772 = vector.extract %slice3A_771[0] : i32 from vector<1xi32>
      %get3A_773 = arith.index_cast %squeeze3A_772 : i32 to index
      %get3A_774 = arith.constant 0 : index
      %get3A_775 = tpu.vector_load %arg9[%get3A_773, %get3A_774] {strides = array<i32>} : memref<21x64xf32, #tpu.memory_space<vmem>>, vector<16xf32>,
      %add3A_776 = arith.addf %add3A_758, %get3A_775 : vector<16xf32>
      %get3A_777 = arith.index_cast %squeeze3A_772 : i32 to index
      %get3A_778 = arith.constant 16 : index
      %get3A_779 = tpu.vector_load %arg9[%get3A_777, %get3A_778] {strides = array<i32>} : memref<21x64xf32, #tpu.memory_space<vmem>>, vector<16xf32>,
      %add3A_780 = arith.addf %add3A_762, %get3A_779 : vector<16xf32>
      %get3A_781 = arith.index_cast %squeeze3A_772 : i32 to index
      %get3A_782 = arith.constant 32 : index
      %get3A_783 = tpu.vector_load %arg9[%get3A_781, %get3A_782] {strides = array<i32>} : memref<21x64xf32, #tpu.memory_space<vmem>>, vector<16xf32>,
      %add3A_784 = arith.addf %add3A_766, %get3A_783 : vector<16xf32>
      %get3A_785 = arith.index_cast %squeeze3A_772 : i32 to index
      %get3A_786 = arith.constant 48 : index
      %get3A_787 = tpu.vector_load %arg9[%get3A_785, %get3A_786] {strides = array<i32>} : memref<21x64xf32, #tpu.memory_space<vmem>>, vector<16xf32>,
      %add3A_788 = arith.addf %add3A_770, %get3A_787 : vector<16xf32>
      %gt3A_789 = arith.constant 0 : i32
      %gt3A_790 = vector.broadcast %gt3A_789 : i32 to vector<16xi32>
      %gt3A_791 = arith.cmpi sgt, %get3A_644, %gt3A_790 : vector<16xi32>
      %select_n3A_792 = arith.select %gt3A_791, %broadcast_in_dim3A_569, %broadcast_in_dim3A_571 : vector<16xi1>, vector<16xf32>
      %reduce_sum3A_793 = arith.constant true
      %reduce_sum3A_794 = vector.broadcast %reduce_sum3A_793 : i1 to vector<16xi1>
      %reduce_sum3A_795 = tpu.scan <sum>, %select_n3A_792 masked %reduce_sum3A_794 : vector<16xf32>, vector<16xi1> -> vector<16xf32>
      %reduce_sum3A_796 = vector.extract %reduce_sum3A_795[15] : f32 from vector<16xf32>
      %add3A_797 = arith.constant 9.99999993E-9 : f32
      %add3A_798 = arith.addf %reduce_sum3A_796, %add3A_797 : f32
      %div3A_799 = vector.broadcast %add3A_798 : f32 to vector<16xf32>
      %div3A_800 = arith.divf %add3A_776, %div3A_799 : vector<16xf32>
      %swap3A_801 = arith.index_cast %add3A_557 : i32 to index
      %swap3A_802 = arith.constant 64 : index
      %swap3A_803 = tpu.vector_load %arg12[%swap3A_801, %swap3A_802] {strides = array<i32>} : memref<128x128xf32, #tpu.memory_space<vmem>>, vector<16xf32>,
      tpu.vector_store %arg12[%swap3A_801, %swap3A_802], %div3A_800 {strides = array<i32>} : memref<128x128xf32, #tpu.memory_space<vmem>>, vector<16xf32>,
      %div3A_804 = vector.broadcast %add3A_798 : f32 to vector<16xf32>
      %div3A_805 = arith.divf %add3A_780, %div3A_804 : vector<16xf32>
      %swap3A_806 = arith.index_cast %add3A_557 : i32 to index
      %swap3A_807 = arith.constant 80 : index
      %swap3A_808 = tpu.vector_load %arg12[%swap3A_806, %swap3A_807] {strides = array<i32>} : memref<128x128xf32, #tpu.memory_space<vmem>>, vector<16xf32>,
      tpu.vector_store %arg12[%swap3A_806, %swap3A_807], %div3A_805 {strides = array<i32>} : memref<128x128xf32, #tpu.memory_space<vmem>>, vector<16xf32>,
      %div3A_809 = vector.broadcast %add3A_798 : f32 to vector<16xf32>
      %div3A_810 = arith.divf %add3A_784, %div3A_809 : vector<16xf32>
      %swap3A_811 = arith.index_cast %add3A_557 : i32 to index
      %swap3A_812 = arith.constant 96 : index
      %swap3A_813 = tpu.vector_load %arg12[%swap3A_811, %swap3A_812] {strides = array<i32>} : memref<128x128xf32, #tpu.memory_space<vmem>>, vector<16xf32>,
      tpu.vector_store %arg12[%swap3A_811, %swap3A_812], %div3A_810 {strides = array<i32>} : memref<128x128xf32, #tpu.memory_space<vmem>>, vector<16xf32>,
      %div3A_814 = vector.broadcast %add3A_798 : f32 to vector<16xf32>
      %div3A_815 = arith.divf %add3A_788, %div3A_814 : vector<16xf32>
      %swap3A_816 = arith.index_cast %add3A_557 : i32 to index
      %swap3A_817 = arith.constant 112 : index
      %swap3A_818 = tpu.vector_load %arg12[%swap3A_816, %swap3A_817] {strides = array<i32>} : memref<128x128xf32, #tpu.memory_space<vmem>>, vector<16xf32>,
      tpu.vector_store %arg12[%swap3A_816, %swap3A_817], %div3A_815 {strides = array<i32>} : memref<128x128xf32, #tpu.memory_space<vmem>>, vector<16xf32>,
      %mul3A_819 = arith.constant 2 : i32
      %mul3A_820 = arith.muli %mul3A_819, %mul3A_16 : i32
      %add3A_821 = arith.constant 3 : i32
      %add3A_822 = arith.addi %mul3A_820, %add3A_821 : i32
      %add3A_823 = arith.constant 1 : i32
      %add3A_824 = arith.addi %mul3A_16, %add3A_823 : i32
      %broadcast_in_dim3A_825 = arith.constant 0.000000e+00 : f32
      %broadcast_in_dim3A_826 = vector.broadcast %broadcast_in_dim3A_825 : f32 to vector<16xf32>
      %scan3A_827 = arith.constant 0 : i32
      %scan3A_828 = arith.constant 50 : i32
      %scan3A_829 = arith.addi %scan3A_827, %scan3A_828 : i32
      %scan3A_830 = arith.constant 5 : i32
      %scan3A_831:4 = scf.for %scan3A_1084 = %scan3A_827 to %scan3A_829 step %scan3A_830 iter_args(%scan3A_1085 = %broadcast_in_dim3A_826, %scan3A_1086 = %broadcast_in_dim3A_826, %scan3A_1087 = %broadcast_in_dim3A_826, %scan3A_1088 = %broadcast_in_dim3A_826) -> (vector<16xf32>, vector<16xf32>, vector<16xf32>, vector<16xf32>)  : i32 {
        %add3A_1089 = arith.constant 50 : i32
        %add3A_1090 = arith.addi %add3A_1089, %scan3A_1084 : i32
        %get3A_1091 = arith.index_cast %add3A_1090 : i32 to index
        %get3A_1092 = arith.constant 0 : index
        %get3A_1093 = tpu.vector_load %arg11[%get3A_1091, %get3A_1092] {strides = array<i32>} : memref<100x64xf32, #tpu.memory_space<vmem>>, vector<16xf32>,
        %add3A_1094 = arith.addf %scan3A_1085, %get3A_1093 : vector<16xf32>
        %add3A_1095 = arith.constant 50 : i32
        %add3A_1096 = arith.addi %add3A_1095, %scan3A_1084 : i32
        %get3A_1097 = arith.index_cast %add3A_1096 : i32 to index
        %get3A_1098 = arith.constant 16 : index
        %get3A_1099 = tpu.vector_load %arg11[%get3A_1097, %get3A_1098] {strides = array<i32>} : memref<100x64xf32, #tpu.memory_space<vmem>>, vector<16xf32>,
        %add3A_1100 = arith.addf %scan3A_1086, %get3A_1099 : vector<16xf32>
        %add3A_1101 = arith.constant 50 : i32
        %add3A_1102 = arith.addi %add3A_1101, %scan3A_1084 : i32
        %get3A_1103 = arith.index_cast %add3A_1102 : i32 to index
        %get3A_1104 = arith.constant 32 : index
        %get3A_1105 = tpu.vector_load %arg11[%get3A_1103, %get3A_1104] {strides = array<i32>} : memref<100x64xf32, #tpu.memory_space<vmem>>, vector<16xf32>,
        %add3A_1106 = arith.addf %scan3A_1087, %get3A_1105 : vector<16xf32>
        %add3A_1107 = arith.constant 50 : i32
        %add3A_1108 = arith.addi %add3A_1107, %scan3A_1084 : i32
        %get3A_1109 = arith.index_cast %add3A_1108 : i32 to index
        %get3A_1110 = arith.constant 48 : index
        %get3A_1111 = tpu.vector_load %arg11[%get3A_1109, %get3A_1110] {strides = array<i32>} : memref<100x64xf32, #tpu.memory_space<vmem>>, vector<16xf32>,
        %add3A_1112 = arith.addf %scan3A_1088, %get3A_1111 : vector<16xf32>
        %scan3A_1113 = arith.constant 1 : i32
        %scan3A_1114 = arith.addi %scan3A_1084, %scan3A_1113 : i32
        %add3A_1115 = arith.constant 50 : i32
        %add3A_1116 = arith.addi %add3A_1115, %scan3A_1114 : i32
        %get3A_1117 = arith.index_cast %add3A_1116 : i32 to index
        %get3A_1118 = arith.constant 0 : index
        %get3A_1119 = tpu.vector_load %arg11[%get3A_1117, %get3A_1118] {strides = array<i32>} : memref<100x64xf32, #tpu.memory_space<vmem>>, vector<16xf32>,
        %add3A_1120 = arith.addf %add3A_1094, %get3A_1119 : vector<16xf32>
        %add3A_1121 = arith.constant 50 : i32
        %add3A_1122 = arith.addi %add3A_1121, %scan3A_1114 : i32
        %get3A_1123 = arith.index_cast %add3A_1122 : i32 to index
        %get3A_1124 = arith.constant 16 : index
        %get3A_1125 = tpu.vector_load %arg11[%get3A_1123, %get3A_1124] {strides = array<i32>} : memref<100x64xf32, #tpu.memory_space<vmem>>, vector<16xf32>,
        %add3A_1126 = arith.addf %add3A_1100, %get3A_1125 : vector<16xf32>
        %add3A_1127 = arith.constant 50 : i32
        %add3A_1128 = arith.addi %add3A_1127, %scan3A_1114 : i32
        %get3A_1129 = arith.index_cast %add3A_1128 : i32 to index
        %get3A_1130 = arith.constant 32 : index
        %get3A_1131 = tpu.vector_load %arg11[%get3A_1129, %get3A_1130] {strides = array<i32>} : memref<100x64xf32, #tpu.memory_space<vmem>>, vector<16xf32>,
        %add3A_1132 = arith.addf %add3A_1106, %get3A_1131 : vector<16xf32>
        %add3A_1133 = arith.constant 50 : i32
        %add3A_1134 = arith.addi %add3A_1133, %scan3A_1114 : i32
        %get3A_1135 = arith.index_cast %add3A_1134 : i32 to index
        %get3A_1136 = arith.constant 48 : index
        %get3A_1137 = tpu.vector_load %arg11[%get3A_1135, %get3A_1136] {strides = array<i32>} : memref<100x64xf32, #tpu.memory_space<vmem>>, vector<16xf32>,
        %add3A_1138 = arith.addf %add3A_1112, %get3A_1137 : vector<16xf32>
        %scan3A_1139 = arith.constant 2 : i32
        %scan3A_1140 = arith.addi %scan3A_1084, %scan3A_1139 : i32
        %add3A_1141 = arith.constant 50 : i32
        %add3A_1142 = arith.addi %add3A_1141, %scan3A_1140 : i32
        %get3A_1143 = arith.index_cast %add3A_1142 : i32 to index
        %get3A_1144 = arith.constant 0 : index
        %get3A_1145 = tpu.vector_load %arg11[%get3A_1143, %get3A_1144] {strides = array<i32>} : memref<100x64xf32, #tpu.memory_space<vmem>>, vector<16xf32>,
        %add3A_1146 = arith.addf %add3A_1120, %get3A_1145 : vector<16xf32>
        %add3A_1147 = arith.constant 50 : i32
        %add3A_1148 = arith.addi %add3A_1147, %scan3A_1140 : i32
        %get3A_1149 = arith.index_cast %add3A_1148 : i32 to index
        %get3A_1150 = arith.constant 16 : index
        %get3A_1151 = tpu.vector_load %arg11[%get3A_1149, %get3A_1150] {strides = array<i32>} : memref<100x64xf32, #tpu.memory_space<vmem>>, vector<16xf32>,
        %add3A_1152 = arith.addf %add3A_1126, %get3A_1151 : vector<16xf32>
        %add3A_1153 = arith.constant 50 : i32
        %add3A_1154 = arith.addi %add3A_1153, %scan3A_1140 : i32
        %get3A_1155 = arith.index_cast %add3A_1154 : i32 to index
        %get3A_1156 = arith.constant 32 : index
        %get3A_1157 = tpu.vector_load %arg11[%get3A_1155, %get3A_1156] {strides = array<i32>} : memref<100x64xf32, #tpu.memory_space<vmem>>, vector<16xf32>,
        %add3A_1158 = arith.addf %add3A_1132, %get3A_1157 : vector<16xf32>
        %add3A_1159 = arith.constant 50 : i32
        %add3A_1160 = arith.addi %add3A_1159, %scan3A_1140 : i32
        %get3A_1161 = arith.index_cast %add3A_1160 : i32 to index
        %get3A_1162 = arith.constant 48 : index
        %get3A_1163 = tpu.vector_load %arg11[%get3A_1161, %get3A_1162] {strides = array<i32>} : memref<100x64xf32, #tpu.memory_space<vmem>>, vector<16xf32>,
        %add3A_1164 = arith.addf %add3A_1138, %get3A_1163 : vector<16xf32>
        %scan3A_1165 = arith.constant 3 : i32
        %scan3A_1166 = arith.addi %scan3A_1084, %scan3A_1165 : i32
        %add3A_1167 = arith.constant 50 : i32
        %add3A_1168 = arith.addi %add3A_1167, %scan3A_1166 : i32
        %get3A_1169 = arith.index_cast %add3A_1168 : i32 to index
        %get3A_1170 = arith.constant 0 : index
        %get3A_1171 = tpu.vector_load %arg11[%get3A_1169, %get3A_1170] {strides = array<i32>} : memref<100x64xf32, #tpu.memory_space<vmem>>, vector<16xf32>,
        %add3A_1172 = arith.addf %add3A_1146, %get3A_1171 : vector<16xf32>
        %add3A_1173 = arith.constant 50 : i32
        %add3A_1174 = arith.addi %add3A_1173, %scan3A_1166 : i32
        %get3A_1175 = arith.index_cast %add3A_1174 : i32 to index
        %get3A_1176 = arith.constant 16 : index
        %get3A_1177 = tpu.vector_load %arg11[%get3A_1175, %get3A_1176] {strides = array<i32>} : memref<100x64xf32, #tpu.memory_space<vmem>>, vector<16xf32>,
        %add3A_1178 = arith.addf %add3A_1152, %get3A_1177 : vector<16xf32>
        %add3A_1179 = arith.constant 50 : i32
        %add3A_1180 = arith.addi %add3A_1179, %scan3A_1166 : i32
        %get3A_1181 = arith.index_cast %add3A_1180 : i32 to index
        %get3A_1182 = arith.constant 32 : index
        %get3A_1183 = tpu.vector_load %arg11[%get3A_1181, %get3A_1182] {strides = array<i32>} : memref<100x64xf32, #tpu.memory_space<vmem>>, vector<16xf32>,
        %add3A_1184 = arith.addf %add3A_1158, %get3A_1183 : vector<16xf32>
        %add3A_1185 = arith.constant 50 : i32
        %add3A_1186 = arith.addi %add3A_1185, %scan3A_1166 : i32
        %get3A_1187 = arith.index_cast %add3A_1186 : i32 to index
        %get3A_1188 = arith.constant 48 : index
        %get3A_1189 = tpu.vector_load %arg11[%get3A_1187, %get3A_1188] {strides = array<i32>} : memref<100x64xf32, #tpu.memory_space<vmem>>, vector<16xf32>,
        %add3A_1190 = arith.addf %add3A_1164, %get3A_1189 : vector<16xf32>
        %scan3A_1191 = arith.constant 4 : i32
        %scan3A_1192 = arith.addi %scan3A_1084, %scan3A_1191 : i32
        %add3A_1193 = arith.constant 50 : i32
        %add3A_1194 = arith.addi %add3A_1193, %scan3A_1192 : i32
        %get3A_1195 = arith.index_cast %add3A_1194 : i32 to index
        %get3A_1196 = arith.constant 0 : index
        %get3A_1197 = tpu.vector_load %arg11[%get3A_1195, %get3A_1196] {strides = array<i32>} : memref<100x64xf32, #tpu.memory_space<vmem>>, vector<16xf32>,
        %add3A_1198 = arith.addf %add3A_1172, %get3A_1197 : vector<16xf32>
        %add3A_1199 = arith.constant 50 : i32
        %add3A_1200 = arith.addi %add3A_1199, %scan3A_1192 : i32
        %get3A_1201 = arith.index_cast %add3A_1200 : i32 to index
        %get3A_1202 = arith.constant 16 : index
        %get3A_1203 = tpu.vector_load %arg11[%get3A_1201, %get3A_1202] {strides = array<i32>} : memref<100x64xf32, #tpu.memory_space<vmem>>, vector<16xf32>,
        %add3A_1204 = arith.addf %add3A_1178, %get3A_1203 : vector<16xf32>
        %add3A_1205 = arith.constant 50 : i32
        %add3A_1206 = arith.addi %add3A_1205, %scan3A_1192 : i32
        %get3A_1207 = arith.index_cast %add3A_1206 : i32 to index
        %get3A_1208 = arith.constant 32 : index
        %get3A_1209 = tpu.vector_load %arg11[%get3A_1207, %get3A_1208] {strides = array<i32>} : memref<100x64xf32, #tpu.memory_space<vmem>>, vector<16xf32>,
        %add3A_1210 = arith.addf %add3A_1184, %get3A_1209 : vector<16xf32>
        %add3A_1211 = arith.constant 50 : i32
        %add3A_1212 = arith.addi %add3A_1211, %scan3A_1192 : i32
        %get3A_1213 = arith.index_cast %add3A_1212 : i32 to index
        %get3A_1214 = arith.constant 48 : index
        %get3A_1215 = tpu.vector_load %arg11[%get3A_1213, %get3A_1214] {strides = array<i32>} : memref<100x64xf32, #tpu.memory_space<vmem>>, vector<16xf32>,
        %add3A_1216 = arith.addf %add3A_1190, %get3A_1215 : vector<16xf32>
        scf.yield %add3A_1198, %add3A_1204, %add3A_1210, %add3A_1216 : vector<16xf32>, vector<16xf32>, vector<16xf32>, vector<16xf32>
      }
      %scan3A_832 = arith.constant 50 : i32
      %broadcast_in_dim3A_833 = arith.constant 1.000000e+00 : f32
      %broadcast_in_dim3A_834 = vector.broadcast %broadcast_in_dim3A_833 : f32 to vector<16xf32>
      %broadcast_in_dim3A_835 = arith.constant 0.000000e+00 : f32
      %broadcast_in_dim3A_836 = vector.broadcast %broadcast_in_dim3A_835 : f32 to vector<16xf32>
      %iota3A_837 = tpu.iota {dimensions = array<i32: 0>} : vector<16xi32>
      %get3A_838 = arith.index_cast %add3A_824 : i32 to index
      %get3A_839 = arith.constant 50 : index
      %get3A_840 = tpu.vector_load %arg7[%get3A_838, %get3A_839] {strides = array<i32>} : memref<64x100xi32, #tpu.memory_space<vmem>>, vector<16xi32>,
      %get3A_841 = arith.index_cast %add3A_824 : i32 to index
      %get3A_842 = arith.constant 66 : index
      %get3A_843 = tpu.vector_load %arg7[%get3A_841, %get3A_842] {strides = array<i32>} : memref<64x100xi32, #tpu.memory_space<vmem>>, vector<16xi32>,
      %get3A_844 = arith.index_cast %add3A_824 : i32 to index
      %get3A_845 = arith.constant 82 : index
      %get3A_846 = tpu.vector_load %arg7[%get3A_844, %get3A_845] {strides = array<i32>} : memref<64x100xi32, #tpu.memory_space<vmem>>, vector<16xi32>,
      %get3A_847 = arith.index_cast %add3A_824 : i32 to index
      %get3A_848 = arith.constant 84 : index
      %get3A_849 = tpu.vector_load %arg7[%get3A_847, %get3A_848] {strides = array<i32>} : memref<64x100xi32, #tpu.memory_space<vmem>>, vector<16xi32>,
      %gt3A_850 = arith.constant 0 : i32
      %gt3A_851 = vector.broadcast %gt3A_850 : i32 to vector<16xi32>
      %gt3A_852 = arith.cmpi sgt, %get3A_840, %gt3A_851 : vector<16xi32>
      %select_n3A_853 = arith.select %gt3A_852, %broadcast_in_dim3A_834, %broadcast_in_dim3A_836 : vector<16xi1>, vector<16xf32>
      %gt3A_854 = arith.constant 0 : i32
      %gt3A_855 = vector.broadcast %gt3A_854 : i32 to vector<16xi32>
      %gt3A_856 = arith.cmpi sgt, %get3A_843, %gt3A_855 : vector<16xi32>
      %select_n3A_857 = arith.select %gt3A_856, %broadcast_in_dim3A_834, %broadcast_in_dim3A_836 : vector<16xi1>, vector<16xf32>
      %add3A_858 = arith.addf %select_n3A_853, %select_n3A_857 : vector<16xf32>
      %gt3A_859 = arith.constant 0 : i32
      %gt3A_860 = vector.broadcast %gt3A_859 : i32 to vector<16xi32>
      %gt3A_861 = arith.cmpi sgt, %get3A_846, %gt3A_860 : vector<16xi32>
      %select_n3A_862 = arith.select %gt3A_861, %broadcast_in_dim3A_834, %broadcast_in_dim3A_836 : vector<16xi1>, vector<16xf32>
      %add3A_863 = arith.addf %add3A_858, %select_n3A_862 : vector<16xf32>
      %gt3A_864 = arith.constant 0 : i32
      %gt3A_865 = vector.broadcast %gt3A_864 : i32 to vector<16xi32>
      %gt3A_866 = arith.cmpi sgt, %get3A_849, %gt3A_865 : vector<16xi32>
      %ge3A_867 = arith.constant 14 : i32
      %ge3A_868 = vector.broadcast %ge3A_867 : i32 to vector<16xi32>
      %ge3A_869 = arith.cmpi sge, %iota3A_837, %ge3A_868 : vector<16xi32>
      %and3A_870 = arith.andi %gt3A_866, %ge3A_869 : vector<16xi1>
      %select_n3A_871 = arith.select %and3A_870, %broadcast_in_dim3A_834, %broadcast_in_dim3A_836 : vector<16xi1>, vector<16xf32>
      %add3A_872 = arith.addf %add3A_863, %select_n3A_871 : vector<16xf32>
      %reduce_sum3A_873 = arith.constant true
      %reduce_sum3A_874 = vector.broadcast %reduce_sum3A_873 : i1 to vector<16xi1>
      %reduce_sum3A_875 = tpu.scan <sum>, %add3A_872 masked %reduce_sum3A_874 : vector<16xf32>, vector<16xi1> -> vector<16xf32>
      %reduce_sum3A_876 = vector.extract %reduce_sum3A_875[15] : f32 from vector<16xf32>
      %add3A_877 = arith.constant 9.99999993E-9 : f32
      %add3A_878 = arith.addf %reduce_sum3A_876, %add3A_877 : f32
      %div3A_879 = vector.broadcast %add3A_878 : f32 to vector<16xf32>
      %div3A_880 = arith.divf %scan3A_831#0, %div3A_879 : vector<16xf32>
      %swap3A_881 = arith.index_cast %add3A_822 : i32 to index
      %swap3A_882 = arith.constant 0 : index
      %swap3A_883 = tpu.vector_load %arg12[%swap3A_881, %swap3A_882] {strides = array<i32>} : memref<128x128xf32, #tpu.memory_space<vmem>>, vector<16xf32>,
      tpu.vector_store %arg12[%swap3A_881, %swap3A_882], %div3A_880 {strides = array<i32>} : memref<128x128xf32, #tpu.memory_space<vmem>>, vector<16xf32>,
      %div3A_884 = vector.broadcast %add3A_878 : f32 to vector<16xf32>
      %div3A_885 = arith.divf %scan3A_831#1, %div3A_884 : vector<16xf32>
      %swap3A_886 = arith.index_cast %add3A_822 : i32 to index
      %swap3A_887 = arith.constant 16 : index
      %swap3A_888 = tpu.vector_load %arg12[%swap3A_886, %swap3A_887] {strides = array<i32>} : memref<128x128xf32, #tpu.memory_space<vmem>>, vector<16xf32>,
      tpu.vector_store %arg12[%swap3A_886, %swap3A_887], %div3A_885 {strides = array<i32>} : memref<128x128xf32, #tpu.memory_space<vmem>>, vector<16xf32>,
      %div3A_889 = vector.broadcast %add3A_878 : f32 to vector<16xf32>
      %div3A_890 = arith.divf %scan3A_831#2, %div3A_889 : vector<16xf32>
      %swap3A_891 = arith.index_cast %add3A_822 : i32 to index
      %swap3A_892 = arith.constant 32 : index
      %swap3A_893 = tpu.vector_load %arg12[%swap3A_891, %swap3A_892] {strides = array<i32>} : memref<128x128xf32, #tpu.memory_space<vmem>>, vector<16xf32>,
      tpu.vector_store %arg12[%swap3A_891, %swap3A_892], %div3A_890 {strides = array<i32>} : memref<128x128xf32, #tpu.memory_space<vmem>>, vector<16xf32>,
      %div3A_894 = vector.broadcast %add3A_878 : f32 to vector<16xf32>
      %div3A_895 = arith.divf %scan3A_831#3, %div3A_894 : vector<16xf32>
      %swap3A_896 = arith.index_cast %add3A_822 : i32 to index
      %swap3A_897 = arith.constant 48 : index
      %swap3A_898 = tpu.vector_load %arg12[%swap3A_896, %swap3A_897] {strides = array<i32>} : memref<128x128xf32, #tpu.memory_space<vmem>>, vector<16xf32>,
      tpu.vector_store %arg12[%swap3A_896, %swap3A_897], %div3A_895 {strides = array<i32>} : memref<128x128xf32, #tpu.memory_space<vmem>>, vector<16xf32>,
      %broadcast_in_dim3A_899 = arith.constant 0.000000e+00 : f32
      %broadcast_in_dim3A_900 = vector.broadcast %broadcast_in_dim3A_899 : f32 to vector<16xf32>
      %broadcast_in_dim3A_901 = arith.constant 0.000000e+00 : f32
      %broadcast_in_dim3A_902 = vector.broadcast %broadcast_in_dim3A_901 : f32 to vector<16xf32>
      %broadcast_in_dim3A_903 = arith.constant 0.000000e+00 : f32
      %broadcast_in_dim3A_904 = vector.broadcast %broadcast_in_dim3A_903 : f32 to vector<16xf32>
      %broadcast_in_dim3A_905 = arith.constant 0.000000e+00 : f32
      %broadcast_in_dim3A_906 = vector.broadcast %broadcast_in_dim3A_905 : f32 to vector<16xf32>
      %get3A_907 = arith.index_cast %add3A_822 : i32 to index
      %get3A_908 = arith.constant 0 : index
      %get3A_909 = tpu.vector_load %arg8[%get3A_907, %get3A_908] {strides = array<i32>} : memref<128x16xi32, #tpu.memory_space<vmem>>, vector<16xi32>,
      %slice3A_910 = vector.extract_strided_slice %get3A_909 {offsets = [0], sizes = [1], strides = [1]} : vector<16xi32> to vector<1xi32>
      %squeeze3A_911 = vector.extract %slice3A_910[0] : i32 from vector<1xi32>
      %get3A_912 = arith.index_cast %squeeze3A_911 : i32 to index
      %get3A_913 = arith.constant 0 : index
      %get3A_914 = tpu.vector_load %arg9[%get3A_912, %get3A_913] {strides = array<i32>} : memref<21x64xf32, #tpu.memory_space<vmem>>, vector<16xf32>,
      %add3A_915 = arith.addf %broadcast_in_dim3A_900, %get3A_914 : vector<16xf32>
      %get3A_916 = arith.index_cast %squeeze3A_911 : i32 to index
      %get3A_917 = arith.constant 16 : index
      %get3A_918 = tpu.vector_load %arg9[%get3A_916, %get3A_917] {strides = array<i32>} : memref<21x64xf32, #tpu.memory_space<vmem>>, vector<16xf32>,
      %add3A_919 = arith.addf %broadcast_in_dim3A_902, %get3A_918 : vector<16xf32>
      %get3A_920 = arith.index_cast %squeeze3A_911 : i32 to index
      %get3A_921 = arith.constant 32 : index
      %get3A_922 = tpu.vector_load %arg9[%get3A_920, %get3A_921] {strides = array<i32>} : memref<21x64xf32, #tpu.memory_space<vmem>>, vector<16xf32>,
      %add3A_923 = arith.addf %broadcast_in_dim3A_904, %get3A_922 : vector<16xf32>
      %get3A_924 = arith.index_cast %squeeze3A_911 : i32 to index
      %get3A_925 = arith.constant 48 : index
      %get3A_926 = tpu.vector_load %arg9[%get3A_924, %get3A_925] {strides = array<i32>} : memref<21x64xf32, #tpu.memory_space<vmem>>, vector<16xf32>,
      %add3A_927 = arith.addf %broadcast_in_dim3A_906, %get3A_926 : vector<16xf32>
      %slice3A_928 = vector.extract_strided_slice %get3A_909 {offsets = [1], sizes = [1], strides = [1]} : vector<16xi32> to vector<1xi32>
      %squeeze3A_929 = vector.extract %slice3A_928[0] : i32 from vector<1xi32>
      %get3A_930 = arith.index_cast %squeeze3A_929 : i32 to index
      %get3A_931 = arith.constant 0 : index
      %get3A_932 = tpu.vector_load %arg9[%get3A_930, %get3A_931] {strides = array<i32>} : memref<21x64xf32, #tpu.memory_space<vmem>>, vector<16xf32>,
      %add3A_933 = arith.addf %add3A_915, %get3A_932 : vector<16xf32>
      %get3A_934 = arith.index_cast %squeeze3A_929 : i32 to index
      %get3A_935 = arith.constant 16 : index
      %get3A_936 = tpu.vector_load %arg9[%get3A_934, %get3A_935] {strides = array<i32>} : memref<21x64xf32, #tpu.memory_space<vmem>>, vector<16xf32>,
      %add3A_937 = arith.addf %add3A_919, %get3A_936 : vector<16xf32>
      %get3A_938 = arith.index_cast %squeeze3A_929 : i32 to index
      %get3A_939 = arith.constant 32 : index
      %get3A_940 = tpu.vector_load %arg9[%get3A_938, %get3A_939] {strides = array<i32>} : memref<21x64xf32, #tpu.memory_space<vmem>>, vector<16xf32>,
      %add3A_941 = arith.addf %add3A_923, %get3A_940 : vector<16xf32>
      %get3A_942 = arith.index_cast %squeeze3A_929 : i32 to index
      %get3A_943 = arith.constant 48 : index
      %get3A_944 = tpu.vector_load %arg9[%get3A_942, %get3A_943] {strides = array<i32>} : memref<21x64xf32, #tpu.memory_space<vmem>>, vector<16xf32>,
      %add3A_945 = arith.addf %add3A_927, %get3A_944 : vector<16xf32>
      %slice3A_946 = vector.extract_strided_slice %get3A_909 {offsets = [2], sizes = [1], strides = [1]} : vector<16xi32> to vector<1xi32>
      %squeeze3A_947 = vector.extract %slice3A_946[0] : i32 from vector<1xi32>
      %get3A_948 = arith.index_cast %squeeze3A_947 : i32 to index
      %get3A_949 = arith.constant 0 : index
      %get3A_950 = tpu.vector_load %arg9[%get3A_948, %get3A_949] {strides = array<i32>} : memref<21x64xf32, #tpu.memory_space<vmem>>, vector<16xf32>,
      %add3A_951 = arith.addf %add3A_933, %get3A_950 : vector<16xf32>
      %get3A_952 = arith.index_cast %squeeze3A_947 : i32 to index
      %get3A_953 = arith.constant 16 : index
      %get3A_954 = tpu.vector_load %arg9[%get3A_952, %get3A_953] {strides = array<i32>} : memref<21x64xf32, #tpu.memory_space<vmem>>, vector<16xf32>,
      %add3A_955 = arith.addf %add3A_937, %get3A_954 : vector<16xf32>
      %get3A_956 = arith.index_cast %squeeze3A_947 : i32 to index
      %get3A_957 = arith.constant 32 : index
      %get3A_958 = tpu.vector_load %arg9[%get3A_956, %get3A_957] {strides = array<i32>} : memref<21x64xf32, #tpu.memory_space<vmem>>, vector<16xf32>,
      %add3A_959 = arith.addf %add3A_941, %get3A_958 : vector<16xf32>
      %get3A_960 = arith.index_cast %squeeze3A_947 : i32 to index
      %get3A_961 = arith.constant 48 : index
      %get3A_962 = tpu.vector_load %arg9[%get3A_960, %get3A_961] {strides = array<i32>} : memref<21x64xf32, #tpu.memory_space<vmem>>, vector<16xf32>,
      %add3A_963 = arith.addf %add3A_945, %get3A_962 : vector<16xf32>
      %slice3A_964 = vector.extract_strided_slice %get3A_909 {offsets = [3], sizes = [1], strides = [1]} : vector<16xi32> to vector<1xi32>
      %squeeze3A_965 = vector.extract %slice3A_964[0] : i32 from vector<1xi32>
      %get3A_966 = arith.index_cast %squeeze3A_965 : i32 to index
      %get3A_967 = arith.constant 0 : index
      %get3A_968 = tpu.vector_load %arg9[%get3A_966, %get3A_967] {strides = array<i32>} : memref<21x64xf32, #tpu.memory_space<vmem>>, vector<16xf32>,
      %add3A_969 = arith.addf %add3A_951, %get3A_968 : vector<16xf32>
      %get3A_970 = arith.index_cast %squeeze3A_965 : i32 to index
      %get3A_971 = arith.constant 16 : index
      %get3A_972 = tpu.vector_load %arg9[%get3A_970, %get3A_971] {strides = array<i32>} : memref<21x64xf32, #tpu.memory_space<vmem>>, vector<16xf32>,
      %add3A_973 = arith.addf %add3A_955, %get3A_972 : vector<16xf32>
      %get3A_974 = arith.index_cast %squeeze3A_965 : i32 to index
      %get3A_975 = arith.constant 32 : index
      %get3A_976 = tpu.vector_load %arg9[%get3A_974, %get3A_975] {strides = array<i32>} : memref<21x64xf32, #tpu.memory_space<vmem>>, vector<16xf32>,
      %add3A_977 = arith.addf %add3A_959, %get3A_976 : vector<16xf32>
      %get3A_978 = arith.index_cast %squeeze3A_965 : i32 to index
      %get3A_979 = arith.constant 48 : index
      %get3A_980 = tpu.vector_load %arg9[%get3A_978, %get3A_979] {strides = array<i32>} : memref<21x64xf32, #tpu.memory_space<vmem>>, vector<16xf32>,
      %add3A_981 = arith.addf %add3A_963, %get3A_980 : vector<16xf32>
      %slice3A_982 = vector.extract_strided_slice %get3A_909 {offsets = [4], sizes = [1], strides = [1]} : vector<16xi32> to vector<1xi32>
      %squeeze3A_983 = vector.extract %slice3A_982[0] : i32 from vector<1xi32>
      %get3A_984 = arith.index_cast %squeeze3A_983 : i32 to index
      %get3A_985 = arith.constant 0 : index
      %get3A_986 = tpu.vector_load %arg9[%get3A_984, %get3A_985] {strides = array<i32>} : memref<21x64xf32, #tpu.memory_space<vmem>>, vector<16xf32>,
      %add3A_987 = arith.addf %add3A_969, %get3A_986 : vector<16xf32>
      %get3A_988 = arith.index_cast %squeeze3A_983 : i32 to index
      %get3A_989 = arith.constant 16 : index
      %get3A_990 = tpu.vector_load %arg9[%get3A_988, %get3A_989] {strides = array<i32>} : memref<21x64xf32, #tpu.memory_space<vmem>>, vector<16xf32>,
      %add3A_991 = arith.addf %add3A_973, %get3A_990 : vector<16xf32>
      %get3A_992 = arith.index_cast %squeeze3A_983 : i32 to index
      %get3A_993 = arith.constant 32 : index
      %get3A_994 = tpu.vector_load %arg9[%get3A_992, %get3A_993] {strides = array<i32>} : memref<21x64xf32, #tpu.memory_space<vmem>>, vector<16xf32>,
      %add3A_995 = arith.addf %add3A_977, %get3A_994 : vector<16xf32>
      %get3A_996 = arith.index_cast %squeeze3A_983 : i32 to index
      %get3A_997 = arith.constant 48 : index
      %get3A_998 = tpu.vector_load %arg9[%get3A_996, %get3A_997] {strides = array<i32>} : memref<21x64xf32, #tpu.memory_space<vmem>>, vector<16xf32>,
      %add3A_999 = arith.addf %add3A_981, %get3A_998 : vector<16xf32>
      %slice3A_1000 = vector.extract_strided_slice %get3A_909 {offsets = [5], sizes = [1], strides = [1]} : vector<16xi32> to vector<1xi32>
      %squeeze3A_1001 = vector.extract %slice3A_1000[0] : i32 from vector<1xi32>
      %get3A_1002 = arith.index_cast %squeeze3A_1001 : i32 to index
      %get3A_1003 = arith.constant 0 : index
      %get3A_1004 = tpu.vector_load %arg9[%get3A_1002, %get3A_1003] {strides = array<i32>} : memref<21x64xf32, #tpu.memory_space<vmem>>, vector<16xf32>,
      %add3A_1005 = arith.addf %add3A_987, %get3A_1004 : vector<16xf32>
      %get3A_1006 = arith.index_cast %squeeze3A_1001 : i32 to index
      %get3A_1007 = arith.constant 16 : index
      %get3A_1008 = tpu.vector_load %arg9[%get3A_1006, %get3A_1007] {strides = array<i32>} : memref<21x64xf32, #tpu.memory_space<vmem>>, vector<16xf32>,
      %add3A_1009 = arith.addf %add3A_991, %get3A_1008 : vector<16xf32>
      %get3A_1010 = arith.index_cast %squeeze3A_1001 : i32 to index
      %get3A_1011 = arith.constant 32 : index
      %get3A_1012 = tpu.vector_load %arg9[%get3A_1010, %get3A_1011] {strides = array<i32>} : memref<21x64xf32, #tpu.memory_space<vmem>>, vector<16xf32>,
      %add3A_1013 = arith.addf %add3A_995, %get3A_1012 : vector<16xf32>
      %get3A_1014 = arith.index_cast %squeeze3A_1001 : i32 to index
      %get3A_1015 = arith.constant 48 : index
      %get3A_1016 = tpu.vector_load %arg9[%get3A_1014, %get3A_1015] {strides = array<i32>} : memref<21x64xf32, #tpu.memory_space<vmem>>, vector<16xf32>,
      %add3A_1017 = arith.addf %add3A_999, %get3A_1016 : vector<16xf32>
      %slice3A_1018 = vector.extract_strided_slice %get3A_909 {offsets = [6], sizes = [1], strides = [1]} : vector<16xi32> to vector<1xi32>
      %squeeze3A_1019 = vector.extract %slice3A_1018[0] : i32 from vector<1xi32>
      %get3A_1020 = arith.index_cast %squeeze3A_1019 : i32 to index
      %get3A_1021 = arith.constant 0 : index
      %get3A_1022 = tpu.vector_load %arg9[%get3A_1020, %get3A_1021] {strides = array<i32>} : memref<21x64xf32, #tpu.memory_space<vmem>>, vector<16xf32>,
      %add3A_1023 = arith.addf %add3A_1005, %get3A_1022 : vector<16xf32>
      %get3A_1024 = arith.index_cast %squeeze3A_1019 : i32 to index
      %get3A_1025 = arith.constant 16 : index
      %get3A_1026 = tpu.vector_load %arg9[%get3A_1024, %get3A_1025] {strides = array<i32>} : memref<21x64xf32, #tpu.memory_space<vmem>>, vector<16xf32>,
      %add3A_1027 = arith.addf %add3A_1009, %get3A_1026 : vector<16xf32>
      %get3A_1028 = arith.index_cast %squeeze3A_1019 : i32 to index
      %get3A_1029 = arith.constant 32 : index
      %get3A_1030 = tpu.vector_load %arg9[%get3A_1028, %get3A_1029] {strides = array<i32>} : memref<21x64xf32, #tpu.memory_space<vmem>>, vector<16xf32>,
      %add3A_1031 = arith.addf %add3A_1013, %get3A_1030 : vector<16xf32>
      %get3A_1032 = arith.index_cast %squeeze3A_1019 : i32 to index
      %get3A_1033 = arith.constant 48 : index
      %get3A_1034 = tpu.vector_load %arg9[%get3A_1032, %get3A_1033] {strides = array<i32>} : memref<21x64xf32, #tpu.memory_space<vmem>>, vector<16xf32>,
      %add3A_1035 = arith.addf %add3A_1017, %get3A_1034 : vector<16xf32>
      %slice3A_1036 = vector.extract_strided_slice %get3A_909 {offsets = [7], sizes = [1], strides = [1]} : vector<16xi32> to vector<1xi32>
      %squeeze3A_1037 = vector.extract %slice3A_1036[0] : i32 from vector<1xi32>
      %get3A_1038 = arith.index_cast %squeeze3A_1037 : i32 to index
      %get3A_1039 = arith.constant 0 : index
      %get3A_1040 = tpu.vector_load %arg9[%get3A_1038, %get3A_1039] {strides = array<i32>} : memref<21x64xf32, #tpu.memory_space<vmem>>, vector<16xf32>,
      %add3A_1041 = arith.addf %add3A_1023, %get3A_1040 : vector<16xf32>
      %get3A_1042 = arith.index_cast %squeeze3A_1037 : i32 to index
      %get3A_1043 = arith.constant 16 : index
      %get3A_1044 = tpu.vector_load %arg9[%get3A_1042, %get3A_1043] {strides = array<i32>} : memref<21x64xf32, #tpu.memory_space<vmem>>, vector<16xf32>,
      %add3A_1045 = arith.addf %add3A_1027, %get3A_1044 : vector<16xf32>
      %get3A_1046 = arith.index_cast %squeeze3A_1037 : i32 to index
      %get3A_1047 = arith.constant 32 : index
      %get3A_1048 = tpu.vector_load %arg9[%get3A_1046, %get3A_1047] {strides = array<i32>} : memref<21x64xf32, #tpu.memory_space<vmem>>, vector<16xf32>,
      %add3A_1049 = arith.addf %add3A_1031, %get3A_1048 : vector<16xf32>
      %get3A_1050 = arith.index_cast %squeeze3A_1037 : i32 to index
      %get3A_1051 = arith.constant 48 : index
      %get3A_1052 = tpu.vector_load %arg9[%get3A_1050, %get3A_1051] {strides = array<i32>} : memref<21x64xf32, #tpu.memory_space<vmem>>, vector<16xf32>,
      %add3A_1053 = arith.addf %add3A_1035, %get3A_1052 : vector<16xf32>
      %gt3A_1054 = arith.constant 0 : i32
      %gt3A_1055 = vector.broadcast %gt3A_1054 : i32 to vector<16xi32>
      %gt3A_1056 = arith.cmpi sgt, %get3A_909, %gt3A_1055 : vector<16xi32>
      %select_n3A_1057 = arith.select %gt3A_1056, %broadcast_in_dim3A_834, %broadcast_in_dim3A_836 : vector<16xi1>, vector<16xf32>
      %reduce_sum3A_1058 = arith.constant true
      %reduce_sum3A_1059 = vector.broadcast %reduce_sum3A_1058 : i1 to vector<16xi1>
      %reduce_sum3A_1060 = tpu.scan <sum>, %select_n3A_1057 masked %reduce_sum3A_1059 : vector<16xf32>, vector<16xi1> -> vector<16xf32>
      %reduce_sum3A_1061 = vector.extract %reduce_sum3A_1060[15] : f32 from vector<16xf32>
      %add3A_1062 = arith.constant 9.99999993E-9 : f32
      %add3A_1063 = arith.addf %reduce_sum3A_1061, %add3A_1062 : f32
      %div3A_1064 = vector.broadcast %add3A_1063 : f32 to vector<16xf32>
      %div3A_1065 = arith.divf %add3A_1041, %div3A_1064 : vector<16xf32>
      %swap3A_1066 = arith.index_cast %add3A_822 : i32 to index
      %swap3A_1067 = arith.constant 64 : index
      %swap3A_1068 = tpu.vector_load %arg12[%swap3A_1066, %swap3A_1067] {strides = array<i32>} : memref<128x128xf32, #tpu.memory_space<vmem>>, vector<16xf32>,
      tpu.vector_store %arg12[%swap3A_1066, %swap3A_1067], %div3A_1065 {strides = array<i32>} : memref<128x128xf32, #tpu.memory_space<vmem>>, vector<16xf32>,
      %div3A_1069 = vector.broadcast %add3A_1063 : f32 to vector<16xf32>
      %div3A_1070 = arith.divf %add3A_1045, %div3A_1069 : vector<16xf32>
      %swap3A_1071 = arith.index_cast %add3A_822 : i32 to index
      %swap3A_1072 = arith.constant 80 : index
      %swap3A_1073 = tpu.vector_load %arg12[%swap3A_1071, %swap3A_1072] {strides = array<i32>} : memref<128x128xf32, #tpu.memory_space<vmem>>, vector<16xf32>,
      tpu.vector_store %arg12[%swap3A_1071, %swap3A_1072], %div3A_1070 {strides = array<i32>} : memref<128x128xf32, #tpu.memory_space<vmem>>, vector<16xf32>,
      %div3A_1074 = vector.broadcast %add3A_1063 : f32 to vector<16xf32>
      %div3A_1075 = arith.divf %add3A_1049, %div3A_1074 : vector<16xf32>
      %swap3A_1076 = arith.index_cast %add3A_822 : i32 to index
      %swap3A_1077 = arith.constant 96 : index
      %swap3A_1078 = tpu.vector_load %arg12[%swap3A_1076, %swap3A_1077] {strides = array<i32>} : memref<128x128xf32, #tpu.memory_space<vmem>>, vector<16xf32>,
      tpu.vector_store %arg12[%swap3A_1076, %swap3A_1077], %div3A_1075 {strides = array<i32>} : memref<128x128xf32, #tpu.memory_space<vmem>>, vector<16xf32>,
      %div3A_1079 = vector.broadcast %add3A_1063 : f32 to vector<16xf32>
      %div3A_1080 = arith.divf %add3A_1053, %div3A_1079 : vector<16xf32>
      %swap3A_1081 = arith.index_cast %add3A_822 : i32 to index
      %swap3A_1082 = arith.constant 112 : index
      %swap3A_1083 = tpu.vector_load %arg12[%swap3A_1081, %swap3A_1082] {strides = array<i32>} : memref<128x128xf32, #tpu.memory_space<vmem>>, vector<16xf32>,
      tpu.vector_store %arg12[%swap3A_1081, %swap3A_1082], %div3A_1080 {strides = array<i32>} : memref<128x128xf32, #tpu.memory_space<vmem>>, vector<16xf32>,
    }
    %scan3A_13 = arith.constant 32 : i32
    "tpu.region"() ({
      %run_scoped3A = tpu.sem_alloc : memref<!tpu.dma_semaphore, #tpu.memory_space<semaphore_mem>>
      %dma_start3A_14 = arith.constant 0 : i32
      %dma_start3A_15 = tpu.memref_slice %arg6[%mul3A_2, %dma_start3A_14] : memref<4096x128xf32, #tpu.memory_space<hbm>> -> memref<128x128xf32, #tpu.memory_space<hbm>>
      %dma_start3A_16 = arith.constant 0 : i32
      %dma_start3A_17 = tpu.memref_slice %arg6[%mul3A_2, %dma_start3A_16] : memref<4096x128xf32, #tpu.memory_space<hbm>> -> memref<128x128xf32, #tpu.memory_space<hbm>>
      tpu.enqueue_dma source(%arg12 : memref<128x128xf32, #tpu.memory_space<vmem>>) target(%dma_start3A_17 : memref<128x128xf32, #tpu.memory_space<hbm>>) target_semaphore(%run_scoped3A : memref<!tpu.dma_semaphore, #tpu.memory_space<semaphore_mem>>)
      %dma_wait3A = arith.constant 0 : i32
      %dma_wait3A_18 = tpu.memref_slice %arg6[%mul3A_2, %dma_wait3A] : memref<4096x128xf32, #tpu.memory_space<hbm>> -> memref<128x128xf32, #tpu.memory_space<hbm>>
      %dma_wait3A_19 = arith.constant 0 : i32
      %dma_wait3A_20 = tpu.memref_slice %arg6[%mul3A_2, %dma_wait3A_19] : memref<4096x128xf32, #tpu.memory_space<hbm>> -> memref<128x128xf32, #tpu.memory_space<hbm>>
      tpu.wait_dma2 semaphore(%run_scoped3A : memref<!tpu.dma_semaphore, #tpu.memory_space<semaphore_mem>>) src(%arg12 : memref<128x128xf32, #tpu.memory_space<vmem>>) dst(%dma_wait3A_20 : memref<128x128xf32, #tpu.memory_space<hbm>>)
      tpu.yield
    }) : () -> ()
    return
  }
}

module attributes {stable_mosaic.version = 14 : i64} {
  func.func @_tc_transpose(%arg0: i32, %arg1: memref<64x8192xf32, #tpu.memory_space<vmem>>, %arg2: memref<8192x128xf32, #tpu.memory_space<vmem>>) attributes {dimension_semantics = [#tpu.dimension_semantics<arbitrary>], iteration_bounds = array<i64: 13>, scalar_prefetch = 0 : i64, scratch_operands = 0 : i64, tpu.core_type = #tpu.core_type<tc>, window_params = [{transform_indices = @transform_0, window_bounds = array<i64: 64, 8192>}, {transform_indices = @transform_1, window_bounds = array<i64: 8192, 128>}]} {
    %get3A = arith.constant 0 : index
    %get3A_0 = arith.constant 0 : index
    %get3A_1 = vector.load %arg1[%get3A, %get3A_0] : memref<64x8192xf32, #tpu.memory_space<vmem>>, vector<64x8192xf32>
    %transpose3A = tpu.transpose %get3A_1, [1, 0] : vector<64x8192xf32> -> vector<8192x64xf32>
    %swap3A = arith.constant 0 : index
    %swap3A_2 = arith.constant 0 : index
    %swap3A_3 = vector.load %arg2[%swap3A, %swap3A_2] : memref<8192x128xf32, #tpu.memory_space<vmem>>, vector<8192x64xf32>
    tpu.vector_store %arg2[%swap3A, %swap3A_2], %transpose3A {strides = array<i32>} : memref<8192x128xf32, #tpu.memory_space<vmem>>, vector<8192x64xf32>,
    return
  }
  func.func @transform_0(%arg0: i32) -> (i32, i32) {
    %c0_i32 = arith.constant 0 : i32
    %c0_i32_0 = arith.constant 0 : i32
    return %c0_i32, %arg0 : i32, i32
  }
  func.func @transform_1(%arg0: i32) -> (i32, i32) {
    %c0_i32 = arith.constant 0 : i32
    %c0_i32_0 = arith.constant 0 : i32
    return %arg0, %c0_i32 : i32, i32
  }
}

module attributes {stable_mosaic.version = 14 : i64} {
  func.func @_tc_mlp(%arg0: i32, %arg1: memref<2048x128xf32, #tpu.memory_space<vmem>>, %arg2: memref<2048x128xf32, #tpu.memory_space<vmem>>, %arg3: memref<2048x2xf32, #tpu.memory_space<vmem>>, %arg4: memref<2x64xf32, #tpu.memory_space<vmem>>, %arg5: memref<1x64xf32, #tpu.memory_space<vmem>>, %arg6: memref<256x128xf32, #tpu.memory_space<vmem>>, %arg7: memref<1x128xf32, #tpu.memory_space<vmem>>, %arg8: memref<128x64xf32, #tpu.memory_space<vmem>>, %arg9: memref<1x64xf32, #tpu.memory_space<vmem>>, %arg10: memref<64x2048xf32, #tpu.memory_space<vmem>>) attributes {dimension_semantics = [#tpu.dimension_semantics<arbitrary>], iteration_bounds = array<i64: 2>, scalar_prefetch = 0 : i64, scratch_operands = 0 : i64, tpu.core_type = #tpu.core_type<tc>, window_params = [{transform_indices = @transform_0, window_bounds = array<i64: 2048, 128>}, {transform_indices = @transform_1, window_bounds = array<i64: 2048, 128>}, {transform_indices = @transform_2, window_bounds = array<i64: 2048, 2>}, {pipeline_mode = #tpu.pipeline_mode<synchronous>, transform_indices = @transform_3, window_bounds = array<i64: 2, 64>}, {pipeline_mode = #tpu.pipeline_mode<synchronous>, transform_indices = @transform_4, window_bounds = array<i64: 1, 64>}, {pipeline_mode = #tpu.pipeline_mode<synchronous>, transform_indices = @transform_5, window_bounds = array<i64: 256, 128>}, {pipeline_mode = #tpu.pipeline_mode<synchronous>, transform_indices = @transform_6, window_bounds = array<i64: 1, 128>}, {pipeline_mode = #tpu.pipeline_mode<synchronous>, transform_indices = @transform_7, window_bounds = array<i64: 128, 64>}, {pipeline_mode = #tpu.pipeline_mode<synchronous>, transform_indices = @transform_8, window_bounds = array<i64: 1, 64>}, {transform_indices = @transform_9, window_bounds = array<i64: 64, 2048>}]} {
    %get3A = arith.constant 0 : index
    %get3A_0 = arith.constant 0 : index
    %get3A_1 = vector.load %arg2[%get3A, %get3A_0] : memref<2048x128xf32, #tpu.memory_space<vmem>>, vector<2048x64xf32>
    %get3A_2 = arith.constant 0 : index
    %get3A_3 = arith.constant 64 : index
    %get3A_4 = vector.load %arg2[%get3A_2, %get3A_3] : memref<2048x128xf32, #tpu.memory_space<vmem>>, vector<2048x64xf32>
    %get3A_5 = arith.constant 0 : index
    %get3A_6 = arith.constant 0 : index
    %get3A_7 = vector.load %arg3[%get3A_5, %get3A_6] : memref<2048x2xf32, #tpu.memory_space<vmem>>, vector<2048x2xf32>
    %get3A_8 = arith.constant 0 : index
    %get3A_9 = arith.constant 0 : index
    %get3A_10 = vector.load %arg4[%get3A_8, %get3A_9] : memref<2x64xf32, #tpu.memory_space<vmem>>, vector<2x64xf32>
    %slice3A = vector.extract_strided_slice %get3A_7 {offsets = [0, 0], sizes = [2048, 1], strides = [1, 1]} : vector<2048x2xf32> to vector<2048x1xf32>
    %slice3A_11 = vector.extract_strided_slice %get3A_10 {offsets = [0, 0], sizes = [1, 64], strides = [1, 1]} : vector<2x64xf32> to vector<1x64xf32>
    %mul3A = vector.broadcast %slice3A : vector<2048x1xf32> to vector<2048x64xf32>
    %mul3A_12 = vector.broadcast %slice3A_11 : vector<1x64xf32> to vector<2048x64xf32>
    %mul3A_13 = arith.mulf %mul3A, %mul3A_12 : vector<2048x64xf32>
    %slice3A_14 = vector.extract_strided_slice %get3A_7 {offsets = [0, 1], sizes = [2048, 1], strides = [1, 1]} : vector<2048x2xf32> to vector<2048x1xf32>
    %slice3A_15 = vector.extract_strided_slice %get3A_10 {offsets = [1, 0], sizes = [1, 64], strides = [1, 1]} : vector<2x64xf32> to vector<1x64xf32>
    %mul3A_16 = vector.broadcast %slice3A_14 : vector<2048x1xf32> to vector<2048x64xf32>
    %mul3A_17 = vector.broadcast %slice3A_15 : vector<1x64xf32> to vector<2048x64xf32>
    %mul3A_18 = arith.mulf %mul3A_16, %mul3A_17 : vector<2048x64xf32>
    %add3A = arith.addf %mul3A_13, %mul3A_18 : vector<2048x64xf32>
    %get3A_19 = arith.constant 0 : index
    %get3A_20 = arith.constant 0 : index
    %get3A_21 = vector.load %arg5[%get3A_19, %get3A_20] : memref<1x64xf32, #tpu.memory_space<vmem>>, vector<1x64xf32>
    %add3A_22 = vector.broadcast %get3A_21 : vector<1x64xf32> to vector<2048x64xf32>
    %add3A_23 = arith.addf %add3A, %add3A_22 : vector<2048x64xf32>
    %max3A = arith.constant 0.000000e+00 : f32
    %max3A_24 = vector.broadcast %max3A : f32 to vector<2048x64xf32>
    %max3A_25 = arith.maximumf %add3A_23, %max3A_24 : vector<2048x64xf32>
    %get3A_26 = arith.constant 0 : index
    %get3A_27 = arith.constant 0 : index
    %get3A_28 = vector.load %arg6[%get3A_26, %get3A_27] : memref<256x128xf32, #tpu.memory_space<vmem>>, vector<256x128xf32>
    %get3A_29 = arith.constant 0 : index
    %get3A_30 = arith.constant 0 : index
    %get3A_31 = vector.load %arg1[%get3A_29, %get3A_30] : memref<2048x128xf32, #tpu.memory_space<vmem>>, vector<2048x64xf32>
    %slice3A_32 = vector.extract_strided_slice %get3A_28 {offsets = [0, 0], sizes = [64, 128], strides = [1, 1]} : vector<256x128xf32> to vector<64x128xf32>
    %dot_general3A = arith.constant dense<0.000000e+00> : vector<2048x128xf32>
    %dot_general3A_33 = tpu.matmul %get3A_31, %slice3A_32, %dot_general3A {dimension_numbers = #tpu.dot_dimension_numbers<[1], [0], [0], [1], [0, 0, 1, 1], [], []>, transpose_lhs_hint = false} : vector<2048x64xf32>, vector<64x128xf32>, vector<2048x128xf32> -> vector<2048x128xf32>
    %slice3A_34 = vector.extract_strided_slice %get3A_28 {offsets = [64, 0], sizes = [64, 128], strides = [1, 1]} : vector<256x128xf32> to vector<64x128xf32>
    %dot_general3A_35 = arith.constant dense<0.000000e+00> : vector<2048x128xf32>
    %dot_general3A_36 = tpu.matmul %get3A_1, %slice3A_34, %dot_general3A_35 {dimension_numbers = #tpu.dot_dimension_numbers<[1], [0], [0], [1], [0, 0, 1, 1], [], []>, transpose_lhs_hint = false} : vector<2048x64xf32>, vector<64x128xf32>, vector<2048x128xf32> -> vector<2048x128xf32>
    %add3A_37 = arith.addf %dot_general3A_33, %dot_general3A_36 : vector<2048x128xf32>
    %slice3A_38 = vector.extract_strided_slice %get3A_28 {offsets = [128, 0], sizes = [64, 128], strides = [1, 1]} : vector<256x128xf32> to vector<64x128xf32>
    %dot_general3A_39 = arith.constant dense<0.000000e+00> : vector<2048x128xf32>
    %dot_general3A_40 = tpu.matmul %get3A_4, %slice3A_38, %dot_general3A_39 {dimension_numbers = #tpu.dot_dimension_numbers<[1], [0], [0], [1], [0, 0, 1, 1], [], []>, transpose_lhs_hint = false} : vector<2048x64xf32>, vector<64x128xf32>, vector<2048x128xf32> -> vector<2048x128xf32>
    %add3A_41 = arith.addf %add3A_37, %dot_general3A_40 : vector<2048x128xf32>
    %slice3A_42 = vector.extract_strided_slice %get3A_28 {offsets = [192, 0], sizes = [64, 128], strides = [1, 1]} : vector<256x128xf32> to vector<64x128xf32>
    %dot_general3A_43 = arith.constant dense<0.000000e+00> : vector<2048x128xf32>
    %dot_general3A_44 = tpu.matmul %max3A_25, %slice3A_42, %dot_general3A_43 {dimension_numbers = #tpu.dot_dimension_numbers<[1], [0], [0], [1], [0, 0, 1, 1], [], []>, transpose_lhs_hint = false} : vector<2048x64xf32>, vector<64x128xf32>, vector<2048x128xf32> -> vector<2048x128xf32>
    %add3A_45 = arith.addf %add3A_41, %dot_general3A_44 : vector<2048x128xf32>
    %get3A_46 = arith.constant 0 : index
    %get3A_47 = arith.constant 0 : index
    %get3A_48 = vector.load %arg7[%get3A_46, %get3A_47] : memref<1x128xf32, #tpu.memory_space<vmem>>, vector<1x128xf32>
    %add3A_49 = vector.broadcast %get3A_48 : vector<1x128xf32> to vector<2048x128xf32>
    %add3A_50 = arith.addf %add3A_45, %add3A_49 : vector<2048x128xf32>
    %max3A_51 = arith.constant 0.000000e+00 : f32
    %max3A_52 = vector.broadcast %max3A_51 : f32 to vector<2048x128xf32>
    %max3A_53 = arith.maximumf %add3A_50, %max3A_52 : vector<2048x128xf32>
    %get3A_54 = arith.constant 0 : index
    %get3A_55 = arith.constant 0 : index
    %get3A_56 = vector.load %arg8[%get3A_54, %get3A_55] : memref<128x64xf32, #tpu.memory_space<vmem>>, vector<128x64xf32>
    %dot_general3A_57 = arith.constant dense<0.000000e+00> : vector<2048x64xf32>
    %dot_general3A_58 = tpu.matmul %max3A_53, %get3A_56, %dot_general3A_57 {dimension_numbers = #tpu.dot_dimension_numbers<[1], [0], [0], [1], [0, 0, 1, 1], [], []>, transpose_lhs_hint = false} : vector<2048x128xf32>, vector<128x64xf32>, vector<2048x64xf32> -> vector<2048x64xf32>
    %get3A_59 = arith.constant 0 : index
    %get3A_60 = arith.constant 0 : index
    %get3A_61 = vector.load %arg9[%get3A_59, %get3A_60] : memref<1x64xf32, #tpu.memory_space<vmem>>, vector<1x64xf32>
    %add3A_62 = vector.broadcast %get3A_61 : vector<1x64xf32> to vector<2048x64xf32>
    %add3A_63 = arith.addf %dot_general3A_58, %add3A_62 : vector<2048x64xf32>
    %mul3A_64 = arith.mulf %add3A_63, %add3A_63 : vector<2048x64xf32>
    %reduce_sum3A = arith.constant dense<0.000000e+00> : vector<2048xf32>
    %reduce_sum3A_65 = vector.multi_reduction <add>, %mul3A_64, %reduce_sum3A [1] : vector<2048x64xf32> to vector<2048xf32>
    %broadcast_in_dim3A = vector.shape_cast %reduce_sum3A_65 : vector<2048xf32> to vector<2048x1xf32>
    %sqrt3A = math.sqrt %broadcast_in_dim3A : vector<2048x1xf32>
    %max3A_66 = arith.constant 9.99999996E-13 : f32
    %max3A_67 = vector.broadcast %max3A_66 : f32 to vector<2048x1xf32>
    %max3A_68 = arith.maximumf %sqrt3A, %max3A_67 : vector<2048x1xf32>
    %div3A = vector.broadcast %max3A_68 : vector<2048x1xf32> to vector<2048x64xf32>
    %div3A_69 = arith.divf %add3A_63, %div3A : vector<2048x64xf32>
    %transpose3A = tpu.transpose %div3A_69, [1, 0] : vector<2048x64xf32> -> vector<64x2048xf32>
    %swap3A = arith.constant 0 : index
    %swap3A_70 = arith.constant 0 : index
    %swap3A_71 = vector.load %arg10[%swap3A, %swap3A_70] : memref<64x2048xf32, #tpu.memory_space<vmem>>, vector<64x2048xf32>
    tpu.vector_store %arg10[%swap3A, %swap3A_70], %transpose3A {strides = array<i32>} : memref<64x2048xf32, #tpu.memory_space<vmem>>, vector<64x2048xf32>,
    return
  }
  func.func @transform_0(%arg0: i32) -> (i32, i32) {
    %c0_i32 = arith.constant 0 : i32
    %c0_i32_0 = arith.constant 0 : i32
    return %arg0, %c0_i32 : i32, i32
  }
  func.func @transform_1(%arg0: i32) -> (i32, i32) {
    %c0_i32 = arith.constant 0 : i32
    %c0_i32_0 = arith.constant 0 : i32
    return %arg0, %c0_i32 : i32, i32
  }
  func.func @transform_2(%arg0: i32) -> (i32, i32) {
    %c0_i32 = arith.constant 0 : i32
    %c0_i32_0 = arith.constant 0 : i32
    return %arg0, %c0_i32 : i32, i32
  }
  func.func @transform_3(%arg0: i32) -> (i32, i32) {
    %c0_i32 = arith.constant 0 : i32
    %c0_i32_0 = arith.constant 0 : i32
    %c0_i32_1 = arith.constant 0 : i32
    return %c0_i32, %c0_i32_0 : i32, i32
  }
  func.func @transform_4(%arg0: i32) -> (i32, i32) {
    %c0_i32 = arith.constant 0 : i32
    %c0_i32_0 = arith.constant 0 : i32
    %c0_i32_1 = arith.constant 0 : i32
    return %c0_i32, %c0_i32_0 : i32, i32
  }
  func.func @transform_5(%arg0: i32) -> (i32, i32) {
    %c0_i32 = arith.constant 0 : i32
    %c0_i32_0 = arith.constant 0 : i32
    %c0_i32_1 = arith.constant 0 : i32
    return %c0_i32, %c0_i32_0 : i32, i32
  }
  func.func @transform_6(%arg0: i32) -> (i32, i32) {
    %c0_i32 = arith.constant 0 : i32
    %c0_i32_0 = arith.constant 0 : i32
    %c0_i32_1 = arith.constant 0 : i32
    return %c0_i32, %c0_i32_0 : i32, i32
  }
  func.func @transform_7(%arg0: i32) -> (i32, i32) {
    %c0_i32 = arith.constant 0 : i32
    %c0_i32_0 = arith.constant 0 : i32
    %c0_i32_1 = arith.constant 0 : i32
    return %c0_i32, %c0_i32_0 : i32, i32
  }
  func.func @transform_8(%arg0: i32) -> (i32, i32) {
    %c0_i32 = arith.constant 0 : i32
    %c0_i32_0 = arith.constant 0 : i32
    %c0_i32_1 = arith.constant 0 : i32
    return %c0_i32, %c0_i32_0 : i32, i32
  }
  func.func @transform_9(%arg0: i32) -> (i32, i32) {
    %c0_i32 = arith.constant 0 : i32
    %c0_i32_0 = arith.constant 0 : i32
    return %c0_i32, %arg0 : i32, i32
  }
}

</mosaic_0001>

<sc_bundles>
// kernel: kernel.10.cloned.1.call-start
scs
__scs_entry_jumppad:
0x0: {  	(pc) =	sbr.rel $0x88, $3  }
0x1: {  	(tag) =	ssettag $0x0;
	lr =	simm.s32 $0x1  }
0x2: {  	[smem:$0x3F93] =	sst lr;
	_ =	strace $0xD0000000  }
0x3: {  	_ = 	snop  }
0x4: {  	_ = 	snop  }
0x5: {  	_ = 	snop  }
0x6: {  	_ = 	snop  }
0x7: {  	_ = 	snop  }
__scs_overlays_trampoline_lowered:
0x8: {  	[smem:$0x3FA2] =	sst s0  }
0x9: {  	[smem:$0x3FA3] =	sst s1  }
0xa: {  	[smem:$0x3FA4] =	sst s2  }
0xb: {  	[smem:$0x3FA5] =	sst s3  }
0xc: {  	[smem:$0x3FA6] =	sst s4  }
0xd: {  	[smem:$0x3FA7] =	sst s5  }
0xe: {  	[smem:$0x3FA8] =	sst s6  }
0xf: {  	[smem:$0x3FA9] =	sst s7  }
0x10: {  	[smem:$0x3FAA] =	sst s8  }
0x11: {  	[smem:$0x3FAB] =	sst s9;
	s0 =	simm.s32 @!p0 $0x0  }
0x12: {  	s1 =	sld [smem:$0x3F91];
	s0 =	simm.s32 @p0 $0x1  }
0x13: {  	[smem:$0x3FAC] =	sst s0;
	s0 =	simm.s32 @!p1 $0x0  }
0x14: {  	s2 =	sld [smem:$0x3F90];
	s0 =	simm.s32 @p1 $0x1  }
0x15: {  	[smem:$0x3FAD] =	sst s0;
	s0 =	simm.s32 @!p2 $0x0  }
0x16: {  	s3 =	sld [smem:$0x3FDB];
	s0 =	simm.s32 @p2 $0x1  }
0x17: {  	s4 =	simm.s32 $0x1BF5;
	[smem:$0x3FAF] =	sst s0  }
0x18: {  	s0 =	sld [smem:$0x3F92];
	_ =	swait.ge [sflag:s4], $0x0  }
0x19: {  	s7 =	sld [smem:$0x3F93]  }
0x1a: {  	s8 =	sadd.s32 $0xFFFFE003, lr  }
0x1b: {  	s9 =	sadd.s32 $0xFFFFFEF7, lr;
	s5 =	simm.s32 $0xFFFFFFFF;
	p2 =	slt.u32 s8, $0xFFFFF086  }
0x1c: {  	p1 =	slt.u32 s9, $0xF7A;
	s5 =	simm.s32 @!p2 $0x0  }
0x1d: {  	s5 =	simm.s32 @p1 $0x1;
	p0 =	seq.s32 s7, s2  }
0x1e: {  	s7 =	smul.u32 @!p0 $0xF7A, s2;
	p2 =	seq.s32 @!p0 s5, $0x0  }
0x1f: {  	s9 =	smul.u32 $0xF7A, s1;
	s8 =	simm.s32 @!p0 $0x1BF5;
	p2 =	por !p2, p0  }
0x20: {  	[sflag:s8] =	ssyncset.s32 @!p0 $0xFFFFF086;
	s6 =	sadd.s32 @!p0 s3, s7;
	s7 =	simm.s32 @!p0 $0x108  }
0x21: {  	s3 =	sadd.s32 s3, s9;
	s6 =	sadd.s32 @!p0 $0x88, s6;
	s7 =	simm.s32 @p2 $0x1082  }
0x22: {  	[simem:s7], [sflag:s8] =	dma.local @!p0 [hbm:s6], $0xF7A  }
0x23: {  	s9 =	sor.u32 $0xD0000000, s2;
	s6 =	simm.s32 $0x108;
	_ =	swait.ge @!p0 [sflag:s8], $0x0  }
0x24: {  	s3 =	sadd.s32 $0x88, s3;
	s6 =	simm.s32 @!p1 $0x1082;
	[sflag:s4] =	ssyncset.s32 $0xFFFFF086  }
0x25: {  	[simem:s6], [sflag:s4] =	dma.local [hbm:s3], $0xF7A  }
0x26: {  	[smem:$0x3F93] =	sst s1;
	(tag) =	ssettag s2;
	_ =	strace s9  }
0x27: {  	s1 =	sld [smem:$0x3FA3]  }
0x28: {  	s2 =	sld [smem:$0x3FA4]  }
0x29: {  	s4 =	sld [smem:$0x3FA6]  }
0x2a: {  	p0 =	seq.s32 s5, $0x0;
	s5 =	sld [smem:$0x3FA7]  }
0x2b: {  	s6 =	sld [smem:$0x3FA8]  }
0x2c: {  	s7 =	sld [smem:$0x3FA9]  }
0x2d: {  	s3 =	simm.s32 $0x108;
	s8 =	sld [smem:$0x3FAA]  }
0x2e: {  	s3 =	simm.s32 @!p0 $0x1082;
	s9 =	sld [smem:$0x3FAB]  }
0x2f: {  	lr =	sadd.s32 s0, s3;
	s0 =	sld [smem:$0x3FA2]  }
0x30: {  	s3 =	sld [smem:$0x3FA5]  }
0x31: {  	[smem:$0x3FAE] =	sst s10  }
0x32: {  	s10 =	sld [smem:$0x3FAC];
	_ =	sdelay $0x3  }
0x33: {  	p0 =	seq.s32 s10, $0x1;
	s10 =	sld [smem:$0x3FAE];
	_ =	sdelay $0x3  }
0x34: {  	[smem:$0x3FAE] =	sst s10  }
0x35: {  	s10 =	sld [smem:$0x3FAD];
	_ =	sdelay $0x3  }
0x36: {  	p1 =	seq.s32 s10, $0x1;
	s10 =	sld [smem:$0x3FAE];
	_ =	sdelay $0x3  }
0x37: {  	[smem:$0x3FAE] =	sst s10  }
0x38: {  	s10 =	sld [smem:$0x3FAF]  }
0x39: {  	_ = 	snop;
	(pc) =	sbr.ind lr, $3  }
0x3a: {  	_ = 	snop  }
0x3b: {  	_ = 	snop  }
0x3c: {  	p2 =	seq.s32 s10, $0x1;
	s10 =	sld [smem:$0x3FAE]  }
0x3d: {  	_ =	shalt  }
0x3e: {  	_ =	shalt  }
0x3f: {  	_ =	shalt  }
0x40: {  	_ =	shalt  }
0x41: {  	_ =	shalt  }
0x42: {  	_ =	shalt  }
0x43: {  	_ =	shalt  }
0x44: {  	_ =	shalt  }
0x45: {  	_ =	shalt  }
0x46: {  	_ =	shalt  }
0x47: {  	_ =	shalt  }
0x48: {  	_ =	shalt  }
0x49: {  	_ =	shalt  }
0x4a: {  	_ =	shalt  }
0x4b: {  	_ =	shalt  }
0x4c: {  	_ =	shalt  }
0x4d: {  	_ =	shalt  }
0x4e: {  	_ =	shalt  }
0x4f: {  	_ =	shalt  }
0x50: {  	_ =	shalt  }
0x51: {  	_ =	shalt  }
0x52: {  	_ =	shalt  }
0x53: {  	_ =	shalt  }
0x54: {  	_ =	shalt  }
0x55: {  	_ =	shalt  }
0x56: {  	_ =	shalt  }
0x57: {  	_ =	shalt  }
0x58: {  	_ =	shalt  }
0x59: {  	_ =	shalt  }
0x5a: {  	_ =	shalt  }
0x5b: {  	_ =	shalt  }
0x5c: {  	_ =	shalt  }
0x5d: {  	_ =	shalt  }
0x5e: {  	_ =	shalt  }
0x5f: {  	_ =	shalt  }
0x60: {  	_ =	shalt  }
0x61: {  	_ =	shalt  }
0x62: {  	_ =	shalt  }
0x63: {  	_ =	shalt  }
0x64: {  	_ =	shalt  }
0x65: {  	_ =	shalt  }
0x66: {  	_ =	shalt  }
0x67: {  	_ =	shalt  }
0x68: {  	_ =	shalt  }
0x69: {  	_ =	shalt  }
0x6a: {  	_ =	shalt  }
0x6b: {  	_ =	shalt  }
0x6c: {  	_ =	shalt  }
0x6d: {  	_ =	shalt  }
0x6e: {  	_ =	shalt  }
0x6f: {  	_ =	shalt  }
0x70: {  	_ =	shalt  }
0x71: {  	_ =	shalt  }
0x72: {  	_ =	shalt  }
0x73: {  	_ =	shalt  }
0x74: {  	_ =	shalt  }
0x75: {  	_ =	shalt  }
0x76: {  	_ =	shalt  }
0x77: {  	_ =	shalt  }
0x78: {  	_ =	shalt  }
0x79: {  	_ =	shalt  }
0x7a: {  	_ =	shalt  }
0x7b: {  	_ =	shalt  }
0x7c: {  	_ =	shalt  }
0x7d: {  	_ =	shalt  }
0x7e: {  	_ =	shalt  }
0x7f: {  	_ =	shalt  }
0x80: {  	_ =	shalt  }
0x81: {  	_ =	shalt  }
0x82: {  	_ =	shalt  }
0x83: {  	_ =	shalt  }
0x84: {  	_ =	shalt  }
0x85: {  	_ =	shalt  }
0x86: {  	_ =	shalt  }
0x87: {  	_ =	shalt  }
.Lfunc_end0:
.L_simem_size_0:
called_computation.1_lowered:
.L_overlay_start_0:
0x88: {  	s2 =	sld [smem:$0x3FD9]  }
0x89: {  	s3 =	sld [smem:$0x3FFE];
	_ =	sdelay $0x1  }
0x8a: {  	s1 =	srdreg.scid  }
0x8b: {  	s0 =	sand.u32 $0x1, s1  }
0x8c: {  	s17 =	sshll.u32 s0, $0xA;
	s2 =	sadd.s32 s3, s2  }
0x8d: {  	s2 =	sadd.s32 s2, s17  }
0x8e: {  	[smem:$0x3FBA] =	sst s2  }
0x8f: {  	_ = 	snop  }
0x90: {  	s2 =	sld [smem:$0x3FD0];
	(tm) =	ssettm $0x1  }
0x91: {  	s18 =	sld [smem:$0x3FFB];
	_ =	sdelay $0x3  }
0x92: {  	_ =	strace s18  }
0x93: {  	s3 =	sld [smem:$0x3FFC];
	_ =	sdelay $0x3  }
0x94: {  	_ =	strace s3  }
0x95: {  	s3 =	sld [smem:$0x3FFD];
	_ =	sdelay $0x3  }
0x96: {  	_ =	strace s3  }
0x97: {  	_ =	strace $0x8FFFFFFF  }
0x98: {  	s19 =	sld [smem:$0x3FDB];
	_ =	sdelay $0x1  }
0x99: {  	s4 =	simm.s32 $_scs_section_size  }
0x9a: {  	s5 =	simm.s32 $_size__tile_overlayer_lowered;
	s6 =	simm.s32 $_tile_overlayer_lowered  }
0x9b: {  	s22 =	simm.s32 $0x1BFF;
	s21 =	sshll.u32 s6, $0x1;
	s3 =	sadd.s32 s4, s19  }
0x9c: {  	s7 =	simm.s32 $0x0;
	s20 =	sshll.u32 s5, $0x1;
	s5 =	sadd.s32 s21, s3  }
0x9d: {  	[timem:s7], [sflag:s22] =	dma.local [hbm:s5], s20  }
0x9e: {  	_ =	swait.ge [sflag:s22], s20  }
0x9f: {  	s4 =	ssub.s32 $0x0, s20;
	[sflag:s22] =	ssyncset.done $0x0  }
0xa0: {  	[sflag:s22] =	ssyncadd.s32 s4;
	_ =	sdelay $0x1  }
0xa1: {  	s23 =	simm.s32 $0x1B8B  }
0xa2: {  	_ =	swait.ge [sflag:s23], $0x1  }
0xa3: {  	[sflag:s23] =	ssyncset.done $0x0  }
0xa4: {  	s25 =	simm.s32 $0x1B8E;
	s24 =	sld [smem:$0x3FFE];
	[sflag:s23] =	ssyncadd.s32 $0xFFFFFFFF  }
0xa5: {  	s26 =	simm.s32 $execute0_lowered;
	[smem:$0x3FD2] =	sst s25  }
0xa6: {  	s5 =	sshll.u32 s26, $0x1;
	_ =	strace $0x80000046;
	[dreg:$0x1] =	wrdreg $0xFFFFFFFF  }
0xa7: {  	s28 =	simm.s32 $_size_execute0_lowered;
	s3 =	sadd.s32 s3, s5;
	[dreg:$0x0] =	wrdreg $0x0  }
0xa8: {  	s5 =	sshll.u32 s28, $0x1;
	[dreg:$0x2] =	wrdreg s3  }
0xa9: {  	[dreg:$0x3] =	wrdreg s5  }
0xaa: {  	[dreg:$0x4] =	wrdreg $0xC0  }
0xab: {  	_ =	task [dreg:s7], $0x5FFFF  }
0xac: {  	[dreg:$0x1] =	wrdreg $0xFFFFFFFF  }
0xad: {  	[dreg:$0x0] =	wrdreg $0x60  }
0xae: {  	[dreg:$0x2] =	wrdreg s2  }
0xaf: {  	[dreg:$0x3] =	wrdreg s24  }
0xb0: {  	[dreg:$0x4] =	wrdreg $0xA  }
0xb1: {  	_ =	task.clear_ibuf [dreg:s7], $0x5FFFF;
	_ =	strace $0x90000046  }
0xb2: {  	s29 =	simm.s32 $0xA;
	_ =	strace $0x80000048  }
0xb3: {  	_ =	swait.ge [sflag:s29], $0x1  }
0xb4: {  	[sflag:s29] =	ssyncadd.s32 $0xFFFFFFFF  }
0xb5: {  	_ =	strace $0x90000048  }
0xb6: {  	_ =	sfence  }
0xb7: {  	s30 =	sld [smem:$0x0];
	_ =	sdelay $0x2  }
0xb8: {  	s31 =	sshll.u32 s1, $0xD;
	s1 =	sshrl.u32 s1, $0x2  }
0xb9: {  	s3 =	sand.u32 $0x4000, s31;
	s1 =	sadd.s32 s1, s30  }
0xba: {  	s0 =	sor.u32 s3, s0;
	s1 =	sshll.u32 s1, $0x11  }
0xbb: {  	s0 =	sor.u32 s1, s0  }
0xbc: {  	s0 =	sadd.s32 $0x8F2B, s0  }
0xbd: {  	[sflag:s0] =	ssyncadd.remote.s32 $0x1  }
0xbe: {  	_ =	sfence.sel $0xFFFF  }
0xbf: {  	[dreg:$0x0] =	wrdreg $0xFFFFFFFF;
	(pc) =	sbr.abs _section_cstart, $3  }
0xc0: {  	[dreg:$0x1] =	wrdreg $0xFFFFFFFF  }
0xc1: {  	_ =	task.clear_ibuf [dreg:s7], $0x2FFFF;
	_ =	strace $0x9FFFFFFF  }
0xc2: {  	(tm) =	ssettm $0x7FFFFFFF  }
0xc3: {  	_ =	shalt  }
tec
execute0_lowered:
.L_overlay_start_1:
0x0: {  	(tag) =	ssettag $0x1  }
0x1: {  	s5 =	rddreg [dreg:$0x0];
	s1 =	srdreg.scid  }
0x2: {  	s0 =	stileid.u32;
	s6 =	rddreg [dreg:$0x1];
	s2 =	simm.s32 $0x0  }
0x3: {  	s11 =	simm.s32 $0x2200;
	s12 =	simm.s32 $0x64;
	s13 =	simm.s32 $0x2740  }
0x4: {  	s14 =	simm.s32 $0x4040;
	s15 =	simm.s32 $0x1;
	s16 =	simm.s32 $0x2  }
0x5: {  	s17 =	simm.s32 $0x5940;
	s4 =	sand.u32 $0x1, s1;
	s1 =	rddreg [dreg:$0x2]  }
0x6: {  	s18 =	simm.s32 $0x0;
	s3 =	sshll.u32 s0, $0x1;
	[smem:$0x7FF] =	sst s2  }
0x7: {  	s7 =	sor.u32 s4, s3;
	_ =	strace $0x80000047;
	s10 =	ssub.s32 $0x2, s4  }
0x8: {  	s4 =	sadd.s32 $0x2200, s6;
	s3 =	sshll.u32 s7, $0x8;
	s9 =	sshll.u32 s7, $0xB  }
0x9: {  	s7 =	smul.u32 $0x340, s7;
	s31 =	sshrl.u32 s10, $0x1;
	s8 =	sadd.s32 s3, s6  }
0xa: {  	s3 =	sadd.s32 $0x1A4200, s6;
	s9 =	sadd.s32 s9, s6;
	s10 =	ssub.s32 s10, s31  }
0xb: {  	v0 =	vimm.f32 $1.000000000e+00;
	vm0 =	vcmask $0x3700;
	s5 =	sadd.s32 s5, s7;
	s6 =	sadd.s32 $0x1A2200, s8;
	s7 =	sadd.s32 $0x1A4400, s9  }
0xc: {  	v1 =	vimm.f32 $0.0e+00;
	v0 =	vsel vm0, $0x0, v0;
	s8 =	smax.u32 s10, $0x1;
	s9 =	simm.s32 $0x3;
	s10 =	simm.s32 $0x1A00  }
.LBB2_1:
0xd: {  	[tilespmem:s2], [sflag:$0x3] =	stream.linear.gather [hbm4b:s5+s2], $0x1A00, $0x38;
	[tilespmem:$0x9940] =	vst v63  }
0xe: {  	_ =	swait.ge [sflag:s9], $0x1A00  }
0xf: {  	[sflag:s9] =	ssyncset.done $0x0  }
0x10: {  	[sflag:s9] =	ssyncadd.s32 $0xFFFFE600  }
0x11: {  	[tilespmem:s10], [sflag:$0x3] =	stream.linear.gather [hbm4b:s6+s2], $0x800, $0x38;
	[tilespmem:$0x9940] =	vst v63  }
0x12: {  	_ =	swait.ge [sflag:s9], $0x800  }
0x13: {  	[sflag:s9] =	ssyncset.done $0x0  }
0x14: {  	[sflag:s9] =	ssyncadd.s32 $0xFFFFF800  }
0x15: {  	[tilespmem:s11], [sflag:$0x3] =	stream.linear.gather [hbm4b:s3+s2], $0x540, $0x38;
	[tilespmem:$0x9940] =	vst v63  }
0x16: {  	_ =	swait.ge [sflag:s9], $0x540  }
0x17: {  	[sflag:s9] =	ssyncset.done $0x0  }
0x18: {  	s19 =	simm.s32 $0x0;
	[sflag:s9] =	ssyncadd.s32 $0xFFFFFAC0  }
0x19: {  	[tilespmem:s13], [sflag:$0x1] =	stream.indirect.gather [hbm4b:s4+s12], $0x40, s2, s12, $0xb8;
	[tilespmem:$0x9940] =	vst v63  }
.LBB2_2:
0x1a: {  	s20 =	smul.u32 $0x340, s19;
	_ =	sdelay $0x1  }
0x1b: {  	s20 =	sshra.s32 s20, $0x2  }
0x1c: {  	s21 =	sadd.s32 $0x68, s20  }
0x1d: {  	[tilespmem:s14], [sflag:$0x2] =	stream.indirect.gather [hbm4b:s4+s12], $0x40, s21, s12, $0xb8;
	[tilespmem:$0x9940] =	vst v63  }
0x1e: {  	_ =	swait.ge [sflag:s15], $0x1900  }
0x1f: {  	[sflag:s15] =	ssyncset.done $0x0  }
0x20: {  	s22 =	simm.s32 $0x27E0;
	[sflag:s15] =	ssyncadd.s32 $0xFFFFE700  }
0x21: {  	v3 =	vld [tilespmem:s22+$0x60]  }
0x22: {  	v4 =	vld [tilespmem:s22+$0x70]  }
0x23: {  	v5 =	vld [tilespmem:s22+$0x20]  }
0x24: {  	v6 =	vld [tilespmem:s22+$0x30]  }
0x25: {  	v2 =	vld [tilespmem:s22+$0xFFFFFFE0]  }
0x26: {  	v12 =	vld [tilespmem:s22+$0xFFFFFFF0]  }
0x27: {  	v9 =	vld [tilespmem:s22+$0xFFFFFFA0]  }
0x28: {  	v11 =	vld [tilespmem:s22+$0xFFFFFFB0]  }
0x29: {  	v8 =	vld [tilespmem:s22+$0xFFFFFF60]  }
0x2a: {  	v10 =	vld [tilespmem:s22+$0xFFFFFF70]  }
0x2b: {  	v13 =	vld [tilespmem:s22+$0xFFFFFF80]  }
0x2c: {  	v14 =	vld [tilespmem:s22+$0xFFFFFF90]  }
0x2d: {  	v15 =	vld [tilespmem:s22+$0xFFFFFFC0]  }
0x2e: {  	v16 =	vld [tilespmem:s22+$0xFFFFFFD0]  }
0x2f: {  	v17 =	vimm.f32 $0.0e+00;
	v7 =	vld [tilespmem:s22+$0x0]  }
0x30: {  	v18 =	vadd.f32 v8, v17;
	v19 =	vadd.f32 v10, v17;
	v10 =	vld [tilespmem:s22+$0x10]  }
0x31: {  	v13 =	vadd.f32 v13, v17;
	v17 =	vadd.f32 v14, v17;
	v8 =	vld [tilespmem:s22+$0x40]  }
0x32: {  	v18 =	vadd.f32 v9, v18;
	v19 =	vadd.f32 v11, v19;
	v11 =	vld [tilespmem:s22+$0x50]  }
0x33: {  	v14 =	vadd.f32 v15, v13;
	v13 =	vadd.f32 v16, v17;
	v9 =	vld [tilespmem:s22+$0x80]  }
0x34: {  	s21 =	simm.s32 $0x0;
	v16 =	vadd.f32 v2, v18;
	v15 =	vadd.f32 v12, v19;
	v12 =	vld [tilespmem:s22+$0x90];
	s22 =	simm.s32 $0x2920  }
.LBB2_3:
0x35: {  	v2 =	vld [tilespmem:s22+$0x60];
	v7 =	vadd.f32 v7, v14;
	v10 =	vadd.f32 v10, v13  }
0x36: {  	v13 =	vld [tilespmem:s22+$0x70];
	v14 =	vadd.f32 v5, v16;
	v15 =	vadd.f32 v6, v15  }
0x37: {  	v5 =	vld [tilespmem:s22+$0x20];
	v7 =	vadd.f32 v8, v7;
	v8 =	vadd.f32 v11, v10  }
0x38: {  	v6 =	vld [tilespmem:s22+$0x30];
	v10 =	vadd.f32 v3, v14;
	v11 =	vadd.f32 v4, v15  }
0x39: {  	v15 =	vld [tilespmem:s22+$0xFFFFFFE0];
	v9 =	vadd.f32 v9, v7;
	v8 =	vadd.f32 v12, v8  }
0x3a: {  	v12 =	vld [tilespmem:s22+$0xFFFFFFF0];
	v3 =	vmov v2  }
0x3b: {  	v2 =	vld [tilespmem:s22+$0xFFFFFFA0];
	v4 =	vmov v13  }
0x3c: {  	v13 =	vld [tilespmem:s22+$0xFFFFFFB0]  }
0x3d: {  	v14 =	vld [tilespmem:s22+$0xFFFFFF60]  }
0x3e: {  	v16 =	vld [tilespmem:s22+$0xFFFFFF70]  }
0x3f: {  	v17 =	vld [tilespmem:s22+$0xFFFFFF80]  }
0x40: {  	s21 =	sadd.s32 $0x5, s21;
	v18 =	vld [tilespmem:s22+$0xFFFFFF90]  }
0x41: {  	p0 =	slt.u32 s21, $0x2D;
	v19 =	vld [tilespmem:s22+$0xFFFFFFC0]  }
0x42: {  	v20 =	vld [tilespmem:s22+$0xFFFFFFD0]  }
0x43: {  	v7 =	vld [tilespmem:s22+$0x0]  }
.Ltmp0:
0x44: {  	v14 =	vadd.f32 v14, v10;
	v11 =	vadd.f32 v16, v11;
	v10 =	vld [tilespmem:s22+$0x10];
	(pc) =	sbr.rel @p0 .LBB2_3-.Ltmp0, $4  }
0x45: {  	v9 =	vadd.f32 v17, v9;
	v16 =	vadd.f32 v18, v8;
	v8 =	vld [tilespmem:s22+$0x40]  }
0x46: {  	v2 =	vadd.f32 v2, v14;
	v17 =	vadd.f32 v13, v11;
	v11 =	vld [tilespmem:s22+$0x50]  }
0x47: {  	v14 =	vadd.f32 v19, v9;
	v13 =	vadd.f32 v20, v16;
	v9 =	vld [tilespmem:s22+$0x80]  }
0x48: {  	v16 =	vadd.f32 v15, v2;
	v15 =	vadd.f32 v12, v17;
	v12 =	vld [tilespmem:s22+$0x90];
	s22 =	sadd.s32 $0x140, s22  }
0x49: {  	v2 =	vld [tilespmem:s20+$0x0]  }
0x4a: {  	v17 =	vld [tilespmem:s20+$0x10];
	_ =	sdelay $0x1  }
0x4b: {  	v18 =	vld [tilespmem:s20+$0x20];
	_ =	sdelay $0x1  }
0x4c: {  	v19 =	vld [tilespmem:s20+$0x22]  }
0x4d: {  	vm0 =	vgt.s32 v2, $0x0;
	v2 =	vimm.f32 $0.0e+00;
	vm1 =	vgt.s32 v17, $0x0  }
0x4e: {  	v17 =	vsel vm0, $0x3F800000, v2;
	v20 =	vsel vm1, $0x3F800000, v2  }
0x4f: {  	vm13 =	vgt.s32 v18, $0x0;
	v17 =	vadd.f32 v20, v17  }
0x50: {  	v18 =	vsel vm13, $0x3F800000, v2  }
0x51: {  	vm14 =	vgt.s32 v19, $0x0;
	v17 =	vadd.f32 v18, v17  }
0x52: {  	v57 =	vnsel vm14, $0x0, v0  }
0x53: {  	v17 =	vadd.f32 v57, v17;
	_ =	sdelay $0x1  }
0x54: {  	(xrf2) =	vadd.scan.msk.f32 $0xffff, v17;
	_ =	sdelay $0x9  }
0x55: {  	v17, _, _ =	vpop (xrf2)  }
0x56: {  	(v2sf) =	vpush v17, $0xF;
	_ =	sdelay $0xe  }
0x57: {  	s21 =	spop (v2sf)  }
0x58: {  	s21 =	sadd.f32 $9.999999930e-09, s21;
	_ =	sdelay $0x1  }
0x59: {  	v17 =	vmov s21  }
0x5a: {  	(erf) = vrcp.f32 v17;
	_ =	sdelay $0x4  }
0x5b: {  	v6 =	vadd.f32 v6, v15  }
0x5c: {  	v7 =	vadd.f32 v7, v14;
	v5 =	vadd.f32 v5, v16  }
0x5d: {  	v10 =	vadd.f32 v10, v13  }
0x5e: {  	v7 =	vadd.f32 v8, v7;
	v3 =	vadd.f32 v3, v5  }
0x5f: {  	v5 =	vadd.f32 v11, v10;
	v4 =	vadd.f32 v4, v6;
	v6 =	vpop (erf)  }
0x60: {  	s23 =	sshll.u32 s19, $0x9;
	v7 =	vadd.f32 v9, v7;
	v3 =	vmul.f32 v6, v3  }
0x61: {  	v5 =	vadd.f32 v12, v5;
	s21 =	sand.u32 $0x3FFFFE00, s23;
	v4 =	vmul.f32 v6, v4  }
0x62: {  	[tilespmem:s21+$0x5940] =	vst v3;
	v3 =	vmul.f32 v6, v7  }
0x63: {  	[tilespmem:s21+$0x5950] =	vst v4;
	v4 =	vmul.f32 v6, v5  }
0x64: {  	s22 =	sshll.u32 s19, $0x6;
	[tilespmem:s21+$0x5960] =	vst v3  }
0x65: {  	s22 =	sand.u32 $0x3FFFFFC0, s22;
	[tilespmem:s21+$0x5970] =	vst v4  }
0x66: {  	v3 =	vld [tilespmem:s22+$0x1A00];
	_ =	sdelay $0x4  }
0x67: {  	v4 =	vshll.u32 v3, $0x8  }
0x68: {  	v4 =	vshra.s32 v4, $0x2  }
0x69: {  	(v2sf) =	vpush v4, $0x0;
	_ =	sdelay $0x3  }
0x6a: {  	(v2sf) =	vpush v4, $0x1;
	_ =	sdelay $0x2  }
0x6b: {  	(v2sf) =	vpush v4, $0x2;
	_ =	sdelay $0x1  }
0x6c: {  	vm15 =	vgt.s32 v3, $0x0  }
0x6d: {  	v3 =	vsel vm15, $0x3F800000, v2  }
0x6e: {  	(xrf2) =	vadd.scan.msk.f32 $0xffff, v3  }
0x6f: {  	(v2sf) =	vpush v4, $0x3;
	_ =	sdelay $0x2  }
0x70: {  	s24 =	spop (v2sf)  }
0x71: {  	(v2sf) =	vpush v4, $0x4;
	v3 =	vld [tilespmem:s24+$0x2200]  }
0x72: {  	v5 =	vld [tilespmem:s24+$0x2210]  }
0x73: {  	v6 =	vld [tilespmem:s24+$0x2220]  }
0x74: {  	v7 =	vld [tilespmem:s24+$0x2230];
	s25 =	spop (v2sf);
	(v2sf) =	vpush v4, $0x5  }
0x75: {  	v8 =	vld [tilespmem:s25+$0x2200];
	(v2sf) =	vpush v4, $0x6  }
0x76: {  	v9 =	vld [tilespmem:s25+$0x2210];
	(v2sf) =	vpush v4, $0x7;
	v4, _, _ =	vpop (xrf2)  }
0x77: {  	v10 =	vld [tilespmem:s25+$0x2220];
	s23 =	spop (v2sf);
	(v2sf) =	vpush v4, $0xF  }
0x78: {  	v11 =	vld [tilespmem:s23+$0x2200]  }
0x79: {  	v12 =	vld [tilespmem:s23+$0x2210]  }
0x7a: {  	v13 =	vld [tilespmem:s23+$0x2220]  }
0x7b: {  	v14 =	vld [tilespmem:s23+$0x2230]  }
0x7c: {  	s26 =	spop (v2sf);
	v4 =	vld [tilespmem:s25+$0x2230]  }
0x7d: {  	v15 =	vld [tilespmem:s26+$0x2200]  }
0x7e: {  	v16 =	vld [tilespmem:s26+$0x2210]  }
0x7f: {  	v17 =	vld [tilespmem:s26+$0x2220]  }
0x80: {  	s28 =	spop (v2sf);
	v58 =	vld [tilespmem:s26+$0x2230]  }
0x81: {  	v59 =	vld [tilespmem:s28+$0x2200]  }
0x82: {  	v60 =	vld [tilespmem:s28+$0x2210]  }
0x83: {  	v21 =	vld [tilespmem:s28+$0x2220];
	v3 =	vadd.f32 $0.0e+00, v3;
	s29 =	spop (v2sf)  }
0x84: {  	v22 =	vld [tilespmem:s28+$0x2230];
	s24 =	spop (v2sf)  }
0x85: {  	v5 =	vadd.f32 $0.0e+00, v5;
	v3 =	vadd.f32 v8, v3;
	v23 =	vld [tilespmem:s29+$0x2200];
	s30 =	spop (v2sf)  }
0x86: {  	v6 =	vadd.f32 $0.0e+00, v6;
	v7 =	vadd.f32 $0.0e+00, v7;
	v8 =	vld [tilespmem:s29+$0x2210];
	s25 =	spop (v2sf)  }
0x87: {  	v5 =	vadd.f32 v9, v5;
	v3 =	vadd.f32 v11, v3;
	v9 =	vld [tilespmem:s29+$0x2220];
	s25 =	sadd.f32 $9.999999930e-09, s25  }
0x88: {  	v6 =	vadd.f32 v10, v6;
	v4 =	vadd.f32 v4, v7;
	v24 =	vld [tilespmem:s29+$0x2230]  }
0x89: {  	v5 =	vadd.f32 v12, v5;
	v3 =	vadd.f32 v15, v3;
	v7 =	vld [tilespmem:s24+$0x2200];
	v10 =	vmov s25  }
0x8a: {  	v6 =	vadd.f32 v13, v6;
	v4 =	vadd.f32 v14, v4;
	v11 =	vld [tilespmem:s24+$0x2220];
	(erf) = vrcp.f32 v10  }
0x8b: {  	v5 =	vadd.f32 v16, v5;
	v3 =	vadd.f32 v59, v3;
	v12 =	vld [tilespmem:s24+$0x2230]  }
0x8c: {  	v6 =	vadd.f32 v17, v6;
	v4 =	vadd.f32 v58, v4;
	v10 =	vld [tilespmem:s24+$0x2210]  }
0x8d: {  	v5 =	vadd.f32 v60, v5;
	v13 =	vld [tilespmem:s30+$0x2200];
	v3 =	vadd.f32 v23, v3  }
0x8e: {  	v6 =	vadd.f32 v21, v6;
	v4 =	vadd.f32 v22, v4;
	v14 =	vld [tilespmem:s30+$0x2210]  }
0x8f: {  	v5 =	vadd.f32 v8, v5;
	v3 =	vadd.f32 v7, v3;
	v7 =	vld [tilespmem:s30+$0x2230]  }
0x90: {  	v8 =	vld [tilespmem:s30+$0x2220];
	v4 =	vadd.f32 v24, v4  }
0x91: {  	v6 =	vadd.f32 v9, v6;
	v5 =	vadd.f32 v10, v5  }
0x92: {  	v4 =	vadd.f32 v12, v4;
	v3 =	vadd.f32 v13, v3  }
0x93: {  	v6 =	vadd.f32 v11, v6;
	v5 =	vadd.f32 v14, v5;
	v9 =	vpop (erf)  }
0x94: {  	v4 =	vadd.f32 v7, v4;
	v3 =	vmul.f32 v3, v9  }
0x95: {  	v6 =	vadd.f32 v8, v6;
	v5 =	vmul.f32 v5, v9  }
0x96: {  	v4 =	vmul.f32 v4, v9;
	[tilespmem:s21+$0x5980] =	vst v3  }
0x97: {  	v3 =	vmul.f32 v6, v9;
	[tilespmem:s21+$0x5990] =	vst v5  }
0x98: {  	[tilespmem:s21+$0x59B0] =	vst v4  }
0x99: {  	s31 =	simm.s32 $0x34F0;
	[tilespmem:s21+$0x59A0] =	vst v3  }
0x9a: {  	v3 =	vld [tilespmem:s31+$0xFFFFFFD0]  }
0x9b: {  	v4 =	vld [tilespmem:s31+$0xFFFFFFE0]  }
0x9c: {  	v5 =	vld [tilespmem:s31+$0xFFFFFF90]  }
0x9d: {  	v6 =	vld [tilespmem:s31+$0xFFFFFFA0]  }
0x9e: {  	v11 =	vld [tilespmem:s31+$0xFFFFFF50]  }
0x9f: {  	v14 =	vld [tilespmem:s31+$0xFFFFFF60]  }
0xa0: {  	v10 =	vld [tilespmem:s31+$0xFFFFFF10]  }
0xa1: {  	v12 =	vld [tilespmem:s31+$0xFFFFFF20]  }
0xa2: {  	v8 =	vld [tilespmem:s31+$0xFFFFFED0]  }
0xa3: {  	v9 =	vld [tilespmem:s31+$0xFFFFFEE0]  }
0xa4: {  	v13 =	vld [tilespmem:s31+$0xFFFFFEF0]  }
0xa5: {  	v15 =	vld [tilespmem:s31+$0xFFFFFF00]  }
0xa6: {  	v16 =	vld [tilespmem:s31+$0xFFFFFF30]  }
0xa7: {  	v17 =	vld [tilespmem:s31+$0xFFFFFF40]  }
0xa8: {  	v7 =	vld [tilespmem:s31+$0xFFFFFF70]  }
0xa9: {  	v61 =	vadd.f32 v8, v2;
	v62 =	vadd.f32 v9, v2;
	v9 =	vld [tilespmem:s31+$0xFFFFFF80]  }
0xaa: {  	v13 =	vadd.f32 v13, v2;
	v2 =	vadd.f32 v15, v2;
	v8 =	vld [tilespmem:s31+$0xFFFFFFB0]  }
0xab: {  	v15 =	vadd.f32 v10, v61;
	v63 =	vadd.f32 v12, v62;
	v10 =	vld [tilespmem:s31+$0xFFFFFFC0]  }
0xac: {  	v13 =	vadd.f32 v16, v13;
	v12 =	vadd.f32 v17, v2;
	v2 =	vld [tilespmem:s31+$0xFFFFFFF0]  }
0xad: {  	s22 =	simm.s32 $0x3630;
	s21 =	simm.s32 $0x0;
	v15 =	vadd.f32 v11, v15;
	v14 =	vadd.f32 v14, v63;
	v11 =	vld [tilespmem:s31+$0x0]  }
.LBB2_5:
0xae: {  	v16 =	vld [tilespmem:s22+$0xFFFFFFD0];
	v7 =	vadd.f32 v7, v13;
	v9 =	vadd.f32 v9, v12  }
0xaf: {  	v12 =	vld [tilespmem:s22+$0xFFFFFFE0];
	v13 =	vadd.f32 v5, v15;
	v14 =	vadd.f32 v6, v14  }
0xb0: {  	v5 =	vld [tilespmem:s22+$0xFFFFFF90];
	v7 =	vadd.f32 v8, v7;
	v8 =	vadd.f32 v10, v9  }
0xb1: {  	v6 =	vld [tilespmem:s22+$0xFFFFFFA0];
	v9 =	vadd.f32 v3, v13;
	v10 =	vadd.f32 v4, v14  }
0xb2: {  	v14 =	vld [tilespmem:s22+$0xFFFFFF50];
	v2 =	vadd.f32 v2, v7;
	v8 =	vadd.f32 v11, v8  }
0xb3: {  	v11 =	vld [tilespmem:s22+$0xFFFFFF60];
	v3 =	vmov v16  }
0xb4: {  	v13 =	vld [tilespmem:s22+$0xFFFFFF10];
	v4 =	vmov v12  }
0xb5: {  	v12 =	vld [tilespmem:s22+$0xFFFFFF20]  }
0xb6: {  	v15 =	vld [tilespmem:s22+$0xFFFFFED0]  }
0xb7: {  	v16 =	vld [tilespmem:s22+$0xFFFFFEE0]  }
0xb8: {  	v17 =	vld [tilespmem:s22+$0xFFFFFEF0]  }
0xb9: {  	s21 =	sadd.s32 $0x5, s21;
	v18 =	vld [tilespmem:s22+$0xFFFFFF00]  }
0xba: {  	p0 =	slt.u32 s21, $0x2D;
	v19 =	vld [tilespmem:s22+$0xFFFFFF30]  }
0xbb: {  	v20 =	vld [tilespmem:s22+$0xFFFFFF40]  }
0xbc: {  	v7 =	vld [tilespmem:s22+$0xFFFFFF70]  }
.Ltmp1:
0xbd: {  	v15 =	vadd.f32 v15, v9;
	v10 =	vadd.f32 v16, v10;
	v9 =	vld [tilespmem:s22+$0xFFFFFF80];
	(pc) =	sbr.rel @p0 .LBB2_5-.Ltmp1, $4  }
0xbe: {  	v2 =	vadd.f32 v17, v2;
	v16 =	vadd.f32 v18, v8;
	v8 =	vld [tilespmem:s22+$0xFFFFFFB0]  }
0xbf: {  	v15 =	vadd.f32 v13, v15;
	v17 =	vadd.f32 v12, v10;
	v10 =	vld [tilespmem:s22+$0xFFFFFFC0]  }
0xc0: {  	v13 =	vadd.f32 v19, v2;
	v12 =	vadd.f32 v20, v16;
	v2 =	vld [tilespmem:s22+$0xFFFFFFF0]  }
0xc1: {  	v15 =	vadd.f32 v14, v15;
	v14 =	vadd.f32 v11, v17;
	v11 =	vld [tilespmem:s22+$0x0];
	s22 =	sadd.s32 $0x140, s22  }
0xc2: {  	v16 =	vld [tilespmem:s20+$0x32]  }
0xc3: {  	v17 =	vld [tilespmem:s20+$0x42];
	_ =	sdelay $0x1  }
0xc4: {  	v18 =	vld [tilespmem:s20+$0x52];
	_ =	sdelay $0x1  }
0xc5: {  	v19 =	vld [tilespmem:s20+$0x54]  }
0xc6: {  	vm0 =	vgt.s32 v16, $0x0;
	vm1 =	vgt.s32 v17, $0x0  }
0xc7: {  	v16 =	vsel vm0, $0x3F800000, v1;
	v17 =	vsel vm1, $0x3F800000, v1  }
0xc8: {  	vm13 =	vgt.s32 v18, $0x0;
	v16 =	vadd.f32 v17, v16  }
0xc9: {  	v17 =	vsel vm13, $0x3F800000, v1  }
0xca: {  	vm14 =	vgt.s32 v19, $0x0;
	v16 =	vadd.f32 v17, v16  }
0xcb: {  	v17 =	vnsel vm14, $0x0, v0  }
0xcc: {  	v16 =	vadd.f32 v17, v16;
	_ =	sdelay $0x1  }
0xcd: {  	(xrf2) =	vadd.scan.msk.f32 $0xffff, v16;
	_ =	sdelay $0x9  }
0xce: {  	v16, _, _ =	vpop (xrf2)  }
0xcf: {  	(v2sf) =	vpush v16, $0xF;
	_ =	sdelay $0xe  }
0xd0: {  	s21 =	spop (v2sf)  }
0xd1: {  	s21 =	sadd.f32 $9.999999930e-09, s21;
	_ =	sdelay $0x1  }
0xd2: {  	v16 =	vmov s21  }
0xd3: {  	(erf) = vrcp.f32 v16;
	_ =	sdelay $0x4  }
0xd4: {  	v6 =	vadd.f32 v6, v14  }
0xd5: {  	v7 =	vadd.f32 v7, v13;
	v5 =	vadd.f32 v5, v15  }
0xd6: {  	v9 =	vadd.f32 v9, v12  }
0xd7: {  	v7 =	vadd.f32 v8, v7;
	v3 =	vadd.f32 v3, v5;
	s21 =	sshll.u32 s19, $0x2  }
0xd8: {  	v5 =	vadd.f32 v10, v9;
	v4 =	vadd.f32 v4, v6;
	s23 =	sor.u32 $0x1, s21;
	v6 =	vpop (erf)  }
0xd9: {  	v2 =	vadd.f32 v2, v7;
	s22 =	sshll.u32 s23, $0x7;
	v3 =	vmul.f32 v6, v3  }
0xda: {  	v5 =	vadd.f32 v11, v5;
	s22 =	sand.u32 $0x3FFFFE80, s22;
	v4 =	vmul.f32 v6, v4  }
0xdb: {  	v2 =	vmul.f32 v6, v2;
	[tilespmem:s22+$0x5940] =	vst v3  }
0xdc: {  	[tilespmem:s22+$0x5950] =	vst v4;
	v3 =	vmul.f32 v6, v5  }
0xdd: {  	s23 =	sshll.u32 s23, $0x4;
	[tilespmem:s22+$0x5960] =	vst v2  }
0xde: {  	s23 =	sand.u32 $0x3FFFFFD0, s23;
	[tilespmem:s22+$0x5970] =	vst v3  }
0xdf: {  	v2 =	vld [tilespmem:s23+$0x1A00];
	_ =	sdelay $0x4  }
0xe0: {  	v3 =	vshll.u32 v2, $0x8  }
0xe1: {  	v3 =	vshra.s32 v3, $0x2  }
0xe2: {  	(v2sf) =	vpush v3, $0x0;
	_ =	sdelay $0x3  }
0xe3: {  	(v2sf) =	vpush v3, $0x1;
	_ =	sdelay $0x2  }
0xe4: {  	(v2sf) =	vpush v3, $0x2;
	_ =	sdelay $0x1  }
0xe5: {  	vm15 =	vgt.s32 v2, $0x0  }
0xe6: {  	v2 =	vsel vm15, $0x3F800000, v1  }
0xe7: {  	(xrf2) =	vadd.scan.msk.f32 $0xffff, v2  }
0xe8: {  	(v2sf) =	vpush v3, $0x3;
	_ =	sdelay $0x2  }
0xe9: {  	s24 =	spop (v2sf)  }
0xea: {  	(v2sf) =	vpush v3, $0x4;
	v2 =	vld [tilespmem:s24+$0x2200]  }
0xeb: {  	v4 =	vld [tilespmem:s24+$0x2210]  }
0xec: {  	v5 =	vld [tilespmem:s24+$0x2220]  }
0xed: {  	v6 =	vld [tilespmem:s24+$0x2230];
	s25 =	spop (v2sf);
	(v2sf) =	vpush v3, $0x5  }
0xee: {  	v7 =	vld [tilespmem:s25+$0x2200];
	(v2sf) =	vpush v3, $0x6  }
0xef: {  	v8 =	vld [tilespmem:s25+$0x2210];
	(v2sf) =	vpush v3, $0x7;
	v3, _, _ =	vpop (xrf2)  }
0xf0: {  	v9 =	vld [tilespmem:s25+$0x2220];
	s24 =	spop (v2sf);
	(v2sf) =	vpush v3, $0xF  }
0xf1: {  	v10 =	vld [tilespmem:s24+$0x2200]  }
0xf2: {  	v11 =	vld [tilespmem:s24+$0x2210]  }
0xf3: {  	v12 =	vld [tilespmem:s24+$0x2220]  }
0xf4: {  	v13 =	vld [tilespmem:s24+$0x2230]  }
0xf5: {  	s26 =	spop (v2sf);
	v3 =	vld [tilespmem:s25+$0x2230]  }
0xf6: {  	v14 =	vld [tilespmem:s26+$0x2200]  }
0xf7: {  	v15 =	vld [tilespmem:s26+$0x2210]  }
0xf8: {  	v16 =	vld [tilespmem:s26+$0x2220]  }
0xf9: {  	s28 =	spop (v2sf);
	v17 =	vld [tilespmem:s26+$0x2230]  }
0xfa: {  	v18 =	vld [tilespmem:s28+$0x2200]  }
0xfb: {  	v19 =	vld [tilespmem:s28+$0x2210]  }
0xfc: {  	v20 =	vld [tilespmem:s28+$0x2220];
	v2 =	vadd.f32 $0.0e+00, v2;
	s29 =	spop (v2sf)  }
0xfd: {  	v21 =	vld [tilespmem:s28+$0x2230];
	s25 =	spop (v2sf)  }
0xfe: {  	v4 =	vadd.f32 $0.0e+00, v4;
	v2 =	vadd.f32 v7, v2;
	v22 =	vld [tilespmem:s29+$0x2200];
	s30 =	spop (v2sf)  }
0xff: {  	v5 =	vadd.f32 $0.0e+00, v5;
	v6 =	vadd.f32 $0.0e+00, v6;
	v7 =	vld [tilespmem:s29+$0x2210];
	s26 =	spop (v2sf)  }
0x100: {  	v4 =	vadd.f32 v8, v4;
	v2 =	vadd.f32 v10, v2;
	v8 =	vld [tilespmem:s29+$0x2220];
	s26 =	sadd.f32 $9.999999930e-09, s26  }
0x101: {  	v5 =	vadd.f32 v9, v5;
	v3 =	vadd.f32 v3, v6;
	v23 =	vld [tilespmem:s29+$0x2230]  }
0x102: {  	v4 =	vadd.f32 v11, v4;
	v2 =	vadd.f32 v14, v2;
	v6 =	vld [tilespmem:s25+$0x2200];
	v9 =	vmov s26  }
0x103: {  	v5 =	vadd.f32 v12, v5;
	v3 =	vadd.f32 v13, v3;
	v10 =	vld [tilespmem:s25+$0x2220];
	(erf) = vrcp.f32 v9  }
0x104: {  	v4 =	vadd.f32 v15, v4;
	v2 =	vadd.f32 v18, v2;
	v11 =	vld [tilespmem:s25+$0x2230]  }
0x105: {  	v5 =	vadd.f32 v16, v5;
	v3 =	vadd.f32 v17, v3;
	v9 =	vld [tilespmem:s25+$0x2210]  }
0x106: {  	v4 =	vadd.f32 v19, v4;
	v12 =	vld [tilespmem:s30+$0x2200];
	v2 =	vadd.f32 v22, v2  }
0x107: {  	v5 =	vadd.f32 v20, v5;
	v3 =	vadd.f32 v21, v3;
	v13 =	vld [tilespmem:s30+$0x2210]  }
0x108: {  	v4 =	vadd.f32 v7, v4;
	v2 =	vadd.f32 v6, v2;
	v6 =	vld [tilespmem:s30+$0x2230]  }
0x109: {  	v7 =	vld [tilespmem:s30+$0x2220];
	v3 =	vadd.f32 v23, v3  }
0x10a: {  	v5 =	vadd.f32 v8, v5;
	v4 =	vadd.f32 v9, v4  }
0x10b: {  	v3 =	vadd.f32 v11, v3;
	v2 =	vadd.f32 v12, v2  }
0x10c: {  	v5 =	vadd.f32 v10, v5;
	v4 =	vadd.f32 v13, v4;
	v8 =	vpop (erf)  }
0x10d: {  	v3 =	vadd.f32 v6, v3;
	v2 =	vmul.f32 v2, v8  }
0x10e: {  	v5 =	vadd.f32 v7, v5;
	v4 =	vmul.f32 v4, v8  }
0x10f: {  	v3 =	vmul.f32 v3, v8;
	[tilespmem:s22+$0x5980] =	vst v2  }
0x110: {  	v2 =	vmul.f32 v5, v8;
	[tilespmem:s22+$0x5990] =	vst v4  }
0x111: {  	p0 =	seq.s32 s19, $0x1F;
	[tilespmem:s22+$0x59B0] =	vst v3  }
0x112: {  	s23 =	simm.s32 @!p0 $0x64;
	s24 =	simm.s32 @!p0 $0x2740;
	[tilespmem:s22+$0x59A0] =	vst v2;
	s22 =	sadd.s32 @!p0 $0xD0, s20  }
0x113: {  	[tilespmem:s24], [sflag:$0x1] =	stream.indirect.gather @!p0 [hbm4b:s4+s23], $0x40, s22, s23, $0xb8;
	[tilespmem:$0x9940] =	vst v63  }
0x114: {  	_ =	swait.ge [sflag:s16], $0x1900  }
0x115: {  	[sflag:s16] =	ssyncset.done $0x0  }
0x116: {  	s31 =	simm.s32 $0x40E0;
	[sflag:s16] =	ssyncadd.s32 $0xFFFFE700  }
0x117: {  	v3 =	vld [tilespmem:s31+$0x60]  }
0x118: {  	v4 =	vld [tilespmem:s31+$0x70]  }
0x119: {  	v5 =	vld [tilespmem:s31+$0x20]  }
0x11a: {  	v6 =	vld [tilespmem:s31+$0x30]  }
0x11b: {  	v2 =	vld [tilespmem:s31+$0xFFFFFFE0]  }
0x11c: {  	v12 =	vld [tilespmem:s31+$0xFFFFFFF0]  }
0x11d: {  	v9 =	vld [tilespmem:s31+$0xFFFFFFA0]  }
0x11e: {  	v11 =	vld [tilespmem:s31+$0xFFFFFFB0]  }
0x11f: {  	v8 =	vld [tilespmem:s31+$0xFFFFFF60]  }
0x120: {  	v10 =	vld [tilespmem:s31+$0xFFFFFF70]  }
0x121: {  	v13 =	vld [tilespmem:s31+$0xFFFFFF80]  }
0x122: {  	v14 =	vld [tilespmem:s31+$0xFFFFFF90]  }
0x123: {  	v15 =	vld [tilespmem:s31+$0xFFFFFFC0]  }
0x124: {  	v16 =	vld [tilespmem:s31+$0xFFFFFFD0]  }
0x125: {  	v17 =	vimm.f32 $0.0e+00;
	v7 =	vld [tilespmem:s31+$0x0]  }
0x126: {  	v18 =	vadd.f32 v8, v17;
	v19 =	vadd.f32 v10, v17;
	v10 =	vld [tilespmem:s31+$0x10]  }
0x127: {  	v13 =	vadd.f32 v13, v17;
	v17 =	vadd.f32 v14, v17;
	v8 =	vld [tilespmem:s31+$0x40]  }
0x128: {  	v18 =	vadd.f32 v9, v18;
	v19 =	vadd.f32 v11, v19;
	v11 =	vld [tilespmem:s31+$0x50]  }
0x129: {  	v14 =	vadd.f32 v15, v13;
	v13 =	vadd.f32 v16, v17;
	v9 =	vld [tilespmem:s31+$0x80]  }
0x12a: {  	s22 =	simm.s32 $0x0;
	s23 =	simm.s32 $0x4220;
	v16 =	vadd.f32 v2, v18;
	v15 =	vadd.f32 v12, v19;
	v12 =	vld [tilespmem:s31+$0x90]  }
.LBB2_7:
0x12b: {  	v2 =	vld [tilespmem:s23+$0x60];
	v7 =	vadd.f32 v7, v14;
	v10 =	vadd.f32 v10, v13  }
0x12c: {  	v13 =	vld [tilespmem:s23+$0x70];
	v14 =	vadd.f32 v5, v16;
	v15 =	vadd.f32 v6, v15  }
0x12d: {  	v5 =	vld [tilespmem:s23+$0x20];
	v7 =	vadd.f32 v8, v7;
	v8 =	vadd.f32 v11, v10  }
0x12e: {  	v6 =	vld [tilespmem:s23+$0x30];
	v10 =	vadd.f32 v3, v14;
	v11 =	vadd.f32 v4, v15  }
0x12f: {  	v15 =	vld [tilespmem:s23+$0xFFFFFFE0];
	v9 =	vadd.f32 v9, v7;
	v8 =	vadd.f32 v12, v8  }
0x130: {  	v12 =	vld [tilespmem:s23+$0xFFFFFFF0];
	v3 =	vmov v2  }
0x131: {  	v2 =	vld [tilespmem:s23+$0xFFFFFFA0];
	v4 =	vmov v13  }
0x132: {  	v13 =	vld [tilespmem:s23+$0xFFFFFFB0]  }
0x133: {  	v14 =	vld [tilespmem:s23+$0xFFFFFF60]  }
0x134: {  	v16 =	vld [tilespmem:s23+$0xFFFFFF70]  }
0x135: {  	v17 =	vld [tilespmem:s23+$0xFFFFFF80]  }
0x136: {  	s22 =	sadd.s32 $0x5, s22;
	v18 =	vld [tilespmem:s23+$0xFFFFFF90]  }
0x137: {  	p0 =	slt.u32 s22, $0x2D;
	v19 =	vld [tilespmem:s23+$0xFFFFFFC0]  }
0x138: {  	v20 =	vld [tilespmem:s23+$0xFFFFFFD0]  }
0x139: {  	v7 =	vld [tilespmem:s23+$0x0]  }
.Ltmp2:
0x13a: {  	v14 =	vadd.f32 v14, v10;
	v11 =	vadd.f32 v16, v11;
	v10 =	vld [tilespmem:s23+$0x10];
	(pc) =	sbr.rel @p0 .LBB2_7-.Ltmp2, $4  }
0x13b: {  	v9 =	vadd.f32 v17, v9;
	v16 =	vadd.f32 v18, v8;
	v8 =	vld [tilespmem:s23+$0x40]  }
0x13c: {  	v2 =	vadd.f32 v2, v14;
	v17 =	vadd.f32 v13, v11;
	v11 =	vld [tilespmem:s23+$0x50]  }
0x13d: {  	v14 =	vadd.f32 v19, v9;
	v13 =	vadd.f32 v20, v16;
	v9 =	vld [tilespmem:s23+$0x80]  }
0x13e: {  	v16 =	vadd.f32 v15, v2;
	v15 =	vadd.f32 v12, v17;
	v12 =	vld [tilespmem:s23+$0x90];
	s23 =	sadd.s32 $0x140, s23  }
0x13f: {  	v2 =	vld [tilespmem:s20+$0x68]  }
0x140: {  	v17 =	vld [tilespmem:s20+$0x78];
	_ =	sdelay $0x1  }
0x141: {  	v18 =	vld [tilespmem:s20+$0x88];
	_ =	sdelay $0x1  }
0x142: {  	v19 =	vld [tilespmem:s20+$0x8A]  }
0x143: {  	vm0 =	vgt.s32 v2, $0x0;
	v2 =	vimm.f32 $0.0e+00;
	vm1 =	vgt.s32 v17, $0x0  }
0x144: {  	v17 =	vsel vm0, $0x3F800000, v2;
	v20 =	vsel vm1, $0x3F800000, v2  }
0x145: {  	vm13 =	vgt.s32 v18, $0x0;
	v17 =	vadd.f32 v20, v17  }
0x146: {  	v18 =	vsel vm13, $0x3F800000, v2  }
0x147: {  	vm14 =	vgt.s32 v19, $0x0;
	v17 =	vadd.f32 v18, v17  }
0x148: {  	v58 =	vnsel vm14, $0x0, v0  }
0x149: {  	v17 =	vadd.f32 v58, v17;
	_ =	sdelay $0x1  }
0x14a: {  	(xrf2) =	vadd.scan.msk.f32 $0xffff, v17;
	_ =	sdelay $0x9  }
0x14b: {  	v17, _, _ =	vpop (xrf2)  }
0x14c: {  	(v2sf) =	vpush v17, $0xF;
	_ =	sdelay $0xe  }
0x14d: {  	s22 =	spop (v2sf)  }
0x14e: {  	s22 =	sadd.f32 $9.999999930e-09, s22;
	_ =	sdelay $0x1  }
0x14f: {  	v17 =	vmov s22  }
0x150: {  	(erf) = vrcp.f32 v17;
	_ =	sdelay $0x4  }
0x151: {  	v6 =	vadd.f32 v6, v15  }
0x152: {  	v7 =	vadd.f32 v7, v14;
	v5 =	vadd.f32 v5, v16  }
0x153: {  	v10 =	vadd.f32 v10, v13  }
0x154: {  	v7 =	vadd.f32 v8, v7;
	v3 =	vadd.f32 v3, v5  }
0x155: {  	s23 =	sor.u32 $0x2, s21;
	v5 =	vadd.f32 v11, v10;
	v4 =	vadd.f32 v4, v6;
	v6 =	vpop (erf)  }
0x156: {  	s31 =	sshll.u32 s23, $0x7;
	v7 =	vadd.f32 v9, v7;
	v3 =	vmul.f32 v6, v3  }
0x157: {  	v5 =	vadd.f32 v12, v5;
	s22 =	sand.u32 $0x3FFFFF80, s31;
	v4 =	vmul.f32 v6, v4  }
0x158: {  	[tilespmem:s22+$0x5940] =	vst v3;
	v3 =	vmul.f32 v6, v7  }
0x159: {  	[tilespmem:s22+$0x5950] =	vst v4;
	v4 =	vmul.f32 v6, v5  }
0x15a: {  	s23 =	sshll.u32 s23, $0x4;
	[tilespmem:s22+$0x5960] =	vst v3  }
0x15b: {  	s23 =	sand.u32 $0x3FFFFFF0, s23;
	[tilespmem:s22+$0x5970] =	vst v4  }
0x15c: {  	v3 =	vld [tilespmem:s23+$0x1A00];
	_ =	sdelay $0x4  }
0x15d: {  	v4 =	vshll.u32 v3, $0x8  }
0x15e: {  	v4 =	vshra.s32 v4, $0x2  }
0x15f: {  	(v2sf) =	vpush v4, $0x0;
	_ =	sdelay $0x3  }
0x160: {  	(v2sf) =	vpush v4, $0x1;
	_ =	sdelay $0x2  }
0x161: {  	(v2sf) =	vpush v4, $0x2;
	_ =	sdelay $0x1  }
0x162: {  	vm15 =	vgt.s32 v3, $0x0  }
0x163: {  	v3 =	vsel vm15, $0x3F800000, v2  }
0x164: {  	(xrf2) =	vadd.scan.msk.f32 $0xffff, v3  }
0x165: {  	(v2sf) =	vpush v4, $0x3;
	_ =	sdelay $0x2  }
0x166: {  	s24 =	spop (v2sf)  }
0x167: {  	(v2sf) =	vpush v4, $0x4;
	v3 =	vld [tilespmem:s24+$0x2200]  }
0x168: {  	v5 =	vld [tilespmem:s24+$0x2210]  }
0x169: {  	v6 =	vld [tilespmem:s24+$0x2220]  }
0x16a: {  	v7 =	vld [tilespmem:s24+$0x2230];
	s25 =	spop (v2sf);
	(v2sf) =	vpush v4, $0x5  }
0x16b: {  	v8 =	vld [tilespmem:s25+$0x2200];
	(v2sf) =	vpush v4, $0x6  }
0x16c: {  	v9 =	vld [tilespmem:s25+$0x2210];
	(v2sf) =	vpush v4, $0x7;
	v4, _, _ =	vpop (xrf2)  }
0x16d: {  	v10 =	vld [tilespmem:s25+$0x2220];
	s24 =	spop (v2sf);
	(v2sf) =	vpush v4, $0xF  }
0x16e: {  	v11 =	vld [tilespmem:s24+$0x2200]  }
0x16f: {  	v12 =	vld [tilespmem:s24+$0x2210]  }
0x170: {  	v13 =	vld [tilespmem:s24+$0x2220]  }
0x171: {  	v14 =	vld [tilespmem:s24+$0x2230]  }
0x172: {  	s26 =	spop (v2sf);
	v4 =	vld [tilespmem:s25+$0x2230]  }
0x173: {  	v15 =	vld [tilespmem:s26+$0x2200]  }
0x174: {  	v16 =	vld [tilespmem:s26+$0x2210]  }
0x175: {  	v17 =	vld [tilespmem:s26+$0x2220]  }
0x176: {  	s28 =	spop (v2sf);
	v59 =	vld [tilespmem:s26+$0x2230]  }
0x177: {  	v60 =	vld [tilespmem:s28+$0x2200]  }
0x178: {  	v61 =	vld [tilespmem:s28+$0x2210]  }
0x179: {  	v21 =	vld [tilespmem:s28+$0x2220];
	v3 =	vadd.f32 $0.0e+00, v3;
	s29 =	spop (v2sf)  }
0x17a: {  	v22 =	vld [tilespmem:s28+$0x2230];
	s25 =	spop (v2sf)  }
0x17b: {  	v5 =	vadd.f32 $0.0e+00, v5;
	v3 =	vadd.f32 v8, v3;
	v23 =	vld [tilespmem:s29+$0x2200];
	s30 =	spop (v2sf)  }
0x17c: {  	v6 =	vadd.f32 $0.0e+00, v6;
	v7 =	vadd.f32 $0.0e+00, v7;
	v8 =	vld [tilespmem:s29+$0x2210];
	s26 =	spop (v2sf)  }
0x17d: {  	v5 =	vadd.f32 v9, v5;
	v3 =	vadd.f32 v11, v3;
	v9 =	vld [tilespmem:s29+$0x2220];
	s26 =	sadd.f32 $9.999999930e-09, s26  }
0x17e: {  	v6 =	vadd.f32 v10, v6;
	v4 =	vadd.f32 v4, v7;
	v24 =	vld [tilespmem:s29+$0x2230]  }
0x17f: {  	v5 =	vadd.f32 v12, v5;
	v3 =	vadd.f32 v15, v3;
	v7 =	vld [tilespmem:s25+$0x2200];
	v10 =	vmov s26  }
0x180: {  	v6 =	vadd.f32 v13, v6;
	v4 =	vadd.f32 v14, v4;
	v11 =	vld [tilespmem:s25+$0x2220];
	(erf) = vrcp.f32 v10  }
0x181: {  	v5 =	vadd.f32 v16, v5;
	v3 =	vadd.f32 v60, v3;
	v12 =	vld [tilespmem:s25+$0x2230]  }
0x182: {  	v6 =	vadd.f32 v17, v6;
	v4 =	vadd.f32 v59, v4;
	v10 =	vld [tilespmem:s25+$0x2210]  }
0x183: {  	v5 =	vadd.f32 v61, v5;
	v13 =	vld [tilespmem:s30+$0x2200];
	v3 =	vadd.f32 v23, v3  }
0x184: {  	v6 =	vadd.f32 v21, v6;
	v4 =	vadd.f32 v22, v4;
	v14 =	vld [tilespmem:s30+$0x2210]  }
0x185: {  	v5 =	vadd.f32 v8, v5;
	v3 =	vadd.f32 v7, v3;
	v7 =	vld [tilespmem:s30+$0x2230]  }
0x186: {  	v8 =	vld [tilespmem:s30+$0x2220];
	v4 =	vadd.f32 v24, v4  }
0x187: {  	v6 =	vadd.f32 v9, v6;
	v5 =	vadd.f32 v10, v5  }
0x188: {  	v4 =	vadd.f32 v12, v4;
	v3 =	vadd.f32 v13, v3  }
0x189: {  	v6 =	vadd.f32 v11, v6;
	v5 =	vadd.f32 v14, v5;
	v9 =	vpop (erf)  }
0x18a: {  	v4 =	vadd.f32 v7, v4;
	v3 =	vmul.f32 v3, v9  }
0x18b: {  	v6 =	vadd.f32 v8, v6;
	v5 =	vmul.f32 v5, v9  }
0x18c: {  	v4 =	vmul.f32 v4, v9;
	[tilespmem:s22+$0x5980] =	vst v3  }
0x18d: {  	v3 =	vmul.f32 v6, v9;
	[tilespmem:s22+$0x5990] =	vst v5  }
0x18e: {  	[tilespmem:s22+$0x59B0] =	vst v4  }
0x18f: {  	s31 =	simm.s32 $0x4DF0;
	[tilespmem:s22+$0x59A0] =	vst v3  }
0x190: {  	v3 =	vld [tilespmem:s31+$0xFFFFFFD0]  }
0x191: {  	v4 =	vld [tilespmem:s31+$0xFFFFFFE0]  }
0x192: {  	v5 =	vld [tilespmem:s31+$0xFFFFFF90]  }
0x193: {  	v6 =	vld [tilespmem:s31+$0xFFFFFFA0]  }
0x194: {  	v11 =	vld [tilespmem:s31+$0xFFFFFF50]  }
0x195: {  	v14 =	vld [tilespmem:s31+$0xFFFFFF60]  }
0x196: {  	v8 =	vld [tilespmem:s31+$0xFFFFFF10]  }
0x197: {  	v10 =	vld [tilespmem:s31+$0xFFFFFF20]  }
0x198: {  	v9 =	vld [tilespmem:s31+$0xFFFFFED0]  }
0x199: {  	v12 =	vld [tilespmem:s31+$0xFFFFFEE0]  }
0x19a: {  	v13 =	vld [tilespmem:s31+$0xFFFFFEF0]  }
0x19b: {  	v15 =	vld [tilespmem:s31+$0xFFFFFF00]  }
0x19c: {  	v16 =	vld [tilespmem:s31+$0xFFFFFF30]  }
0x19d: {  	v17 =	vld [tilespmem:s31+$0xFFFFFF40]  }
0x19e: {  	v7 =	vld [tilespmem:s31+$0xFFFFFF70]  }
0x19f: {  	v62 =	vadd.f32 v9, v2;
	v12 =	vadd.f32 v12, v2;
	v9 =	vld [tilespmem:s31+$0xFFFFFF80]  }
0x1a0: {  	v13 =	vadd.f32 v13, v2;
	v15 =	vadd.f32 v15, v2;
	v2 =	vld [tilespmem:s31+$0xFFFFFFB0]  }
0x1a1: {  	v18 =	vadd.f32 v8, v62;
	v63 =	vadd.f32 v10, v12;
	v10 =	vld [tilespmem:s31+$0xFFFFFFC0]  }
0x1a2: {  	v13 =	vadd.f32 v16, v13;
	v12 =	vadd.f32 v17, v15;
	v8 =	vld [tilespmem:s31+$0xFFFFFFF0]  }
0x1a3: {  	s23 =	simm.s32 $0x4F30;
	s22 =	simm.s32 $0x0;
	v15 =	vadd.f32 v11, v18;
	v14 =	vadd.f32 v14, v63;
	v11 =	vld [tilespmem:s31+$0x0]  }
.LBB2_9:
0x1a4: {  	v16 =	vld [tilespmem:s23+$0xFFFFFFD0];
	v7 =	vadd.f32 v7, v13;
	v9 =	vadd.f32 v9, v12  }
0x1a5: {  	v12 =	vld [tilespmem:s23+$0xFFFFFFE0];
	v13 =	vadd.f32 v5, v15;
	v14 =	vadd.f32 v6, v14  }
0x1a6: {  	v5 =	vld [tilespmem:s23+$0xFFFFFF90];
	v2 =	vadd.f32 v2, v7;
	v7 =	vadd.f32 v10, v9  }
0x1a7: {  	v6 =	vld [tilespmem:s23+$0xFFFFFFA0];
	v9 =	vadd.f32 v3, v13;
	v10 =	vadd.f32 v4, v14  }
0x1a8: {  	v14 =	vld [tilespmem:s23+$0xFFFFFF50];
	v2 =	vadd.f32 v8, v2;
	v8 =	vadd.f32 v11, v7  }
0x1a9: {  	v11 =	vld [tilespmem:s23+$0xFFFFFF60];
	v3 =	vmov v16  }
0x1aa: {  	v13 =	vld [tilespmem:s23+$0xFFFFFF10];
	v4 =	vmov v12  }
0x1ab: {  	v12 =	vld [tilespmem:s23+$0xFFFFFF20]  }
0x1ac: {  	v15 =	vld [tilespmem:s23+$0xFFFFFED0]  }
0x1ad: {  	v16 =	vld [tilespmem:s23+$0xFFFFFEE0]  }
0x1ae: {  	v17 =	vld [tilespmem:s23+$0xFFFFFEF0]  }
0x1af: {  	s22 =	sadd.s32 $0x5, s22;
	v18 =	vld [tilespmem:s23+$0xFFFFFF00]  }
0x1b0: {  	p0 =	slt.u32 s22, $0x2D;
	v19 =	vld [tilespmem:s23+$0xFFFFFF30]  }
0x1b1: {  	v20 =	vld [tilespmem:s23+$0xFFFFFF40]  }
0x1b2: {  	v7 =	vld [tilespmem:s23+$0xFFFFFF70]  }
.Ltmp3:
0x1b3: {  	v15 =	vadd.f32 v15, v9;
	v10 =	vadd.f32 v16, v10;
	v9 =	vld [tilespmem:s23+$0xFFFFFF80];
	(pc) =	sbr.rel @p0 .LBB2_9-.Ltmp3, $4  }
0x1b4: {  	v16 =	vadd.f32 v17, v2;
	v8 =	vadd.f32 v18, v8;
	v2 =	vld [tilespmem:s23+$0xFFFFFFB0]  }
0x1b5: {  	v15 =	vadd.f32 v13, v15;
	v17 =	vadd.f32 v12, v10;
	v10 =	vld [tilespmem:s23+$0xFFFFFFC0]  }
0x1b6: {  	v13 =	vadd.f32 v19, v16;
	v12 =	vadd.f32 v20, v8;
	v8 =	vld [tilespmem:s23+$0xFFFFFFF0]  }
0x1b7: {  	v15 =	vadd.f32 v14, v15;
	v14 =	vadd.f32 v11, v17;
	v11 =	vld [tilespmem:s23+$0x0];
	s23 =	sadd.s32 $0x140, s23  }
0x1b8: {  	v16 =	vld [tilespmem:s20+$0x9A]  }
0x1b9: {  	v17 =	vld [tilespmem:s20+$0xAA];
	_ =	sdelay $0x1  }
0x1ba: {  	v18 =	vld [tilespmem:s20+$0xBA];
	_ =	sdelay $0x1  }
0x1bb: {  	v19 =	vld [tilespmem:s20+$0xBC]  }
0x1bc: {  	vm0 =	vgt.s32 v16, $0x0;
	vm1 =	vgt.s32 v17, $0x0  }
0x1bd: {  	v16 =	vsel vm0, $0x3F800000, v1;
	v17 =	vsel vm1, $0x3F800000, v1  }
0x1be: {  	vm13 =	vgt.s32 v18, $0x0;
	v16 =	vadd.f32 v17, v16  }
0x1bf: {  	v32 =	vsel vm13, $0x3F800000, v1  }
0x1c0: {  	vm14 =	vgt.s32 v19, $0x0;
	v16 =	vadd.f32 v32, v16  }
0x1c1: {  	v33 =	vnsel vm14, $0x0, v0  }
0x1c2: {  	v16 =	vadd.f32 v33, v16;
	_ =	sdelay $0x1  }
0x1c3: {  	(xrf2) =	vadd.scan.msk.f32 $0xffff, v16;
	_ =	sdelay $0x9  }
0x1c4: {  	v16, _, _ =	vpop (xrf2)  }
0x1c5: {  	(v2sf) =	vpush v16, $0xF;
	_ =	sdelay $0xe  }
0x1c6: {  	s23 =	spop (v2sf)  }
0x1c7: {  	s20 =	sadd.f32 $9.999999930e-09, s23;
	_ =	sdelay $0x1  }
0x1c8: {  	v34 =	vmov s20  }
0x1c9: {  	(erf) = vrcp.f32 v34;
	_ =	sdelay $0x5  }
0x1ca: {  	v7 =	vadd.f32 v7, v13;
	v5 =	vadd.f32 v5, v15  }
0x1cb: {  	v9 =	vadd.f32 v9, v12;
	v6 =	vadd.f32 v6, v14  }
0x1cc: {  	v2 =	vadd.f32 v2, v7;
	v3 =	vadd.f32 v3, v5  }
0x1cd: {  	s21 =	sor.u32 $0x3, s21;
	v35 =	vadd.f32 v10, v9;
	v4 =	vadd.f32 v4, v6;
	v36 =	vpop (erf)  }
0x1ce: {  	s24 =	sshll.u32 s21, $0x7;
	v2 =	vadd.f32 v8, v2;
	v3 =	vmul.f32 v36, v3  }
0x1cf: {  	v5 =	vadd.f32 v11, v35;
	s20 =	sand.u32 $0x3FFFFF80, s24;
	v4 =	vmul.f32 v36, v4  }
0x1d0: {  	v2 =	vmul.f32 v36, v2;
	[tilespmem:s20+$0x5940] =	vst v3  }
0x1d1: {  	[tilespmem:s20+$0x5950] =	vst v4;
	v3 =	vmul.f32 v36, v5  }
0x1d2: {  	s21 =	sshll.u32 s21, $0x4;
	[tilespmem:s20+$0x5960] =	vst v2  }
0x1d3: {  	s21 =	sand.u32 $0x3FFFFFF0, s21;
	[tilespmem:s20+$0x5970] =	vst v3  }
0x1d4: {  	v2 =	vld [tilespmem:s21+$0x1A00];
	_ =	sdelay $0x4  }
0x1d5: {  	v3 =	vshll.u32 v2, $0x8  }
0x1d6: {  	v3 =	vshra.s32 v3, $0x2  }
0x1d7: {  	(v2sf) =	vpush v3, $0x0;
	_ =	sdelay $0x3  }
0x1d8: {  	(v2sf) =	vpush v3, $0x1;
	_ =	sdelay $0x2  }
0x1d9: {  	(v2sf) =	vpush v3, $0x2;
	_ =	sdelay $0x1  }
0x1da: {  	vm15 =	vgt.s32 v2, $0x0  }
0x1db: {  	v2 =	vsel vm15, $0x3F800000, v1  }
0x1dc: {  	(xrf2) =	vadd.scan.msk.f32 $0xffff, v2  }
0x1dd: {  	(v2sf) =	vpush v3, $0x3;
	_ =	sdelay $0x2  }
0x1de: {  	s25 =	spop (v2sf)  }
0x1df: {  	(v2sf) =	vpush v3, $0x4;
	v2 =	vld [tilespmem:s25+$0x2200]  }
0x1e0: {  	v4 =	vld [tilespmem:s25+$0x2210]  }
0x1e1: {  	v37 =	vld [tilespmem:s25+$0x2220]  }
0x1e2: {  	v38 =	vld [tilespmem:s25+$0x2230];
	s26 =	spop (v2sf);
	(v2sf) =	vpush v3, $0x5  }
0x1e3: {  	v39 =	vld [tilespmem:s26+$0x2200];
	(v2sf) =	vpush v3, $0x6  }
0x1e4: {  	v40 =	vld [tilespmem:s26+$0x2210];
	(v2sf) =	vpush v3, $0x7;
	v3, _, _ =	vpop (xrf2)  }
0x1e5: {  	v41 =	vld [tilespmem:s26+$0x2220];
	s22 =	spop (v2sf);
	(v2sf) =	vpush v3, $0xF  }
0x1e6: {  	v42 =	vld [tilespmem:s22+$0x2200]  }
0x1e7: {  	v43 =	vld [tilespmem:s22+$0x2210]  }
0x1e8: {  	v44 =	vld [tilespmem:s22+$0x2220]  }
0x1e9: {  	v45 =	vld [tilespmem:s22+$0x2230]  }
0x1ea: {  	s28 =	spop (v2sf);
	v3 =	vld [tilespmem:s26+$0x2230]  }
0x1eb: {  	v46 =	vld [tilespmem:s28+$0x2200]  }
0x1ec: {  	v47 =	vld [tilespmem:s28+$0x2210]  }
0x1ed: {  	v48 =	vld [tilespmem:s28+$0x2220]  }
0x1ee: {  	s29 =	spop (v2sf);
	v49 =	vld [tilespmem:s28+$0x2230]  }
0x1ef: {  	v50 =	vld [tilespmem:s29+$0x2200]  }
0x1f0: {  	v51 =	vld [tilespmem:s29+$0x2210]  }
0x1f1: {  	v20 =	vld [tilespmem:s29+$0x2220];
	s30 =	spop (v2sf)  }
0x1f2: {  	v21 =	vld [tilespmem:s29+$0x2230];
	v2 =	vadd.f32 $0.0e+00, v2;
	s23 =	spop (v2sf)  }
0x1f3: {  	v4 =	vadd.f32 $0.0e+00, v4;
	v22 =	vld [tilespmem:s30+$0x2200];
	s31 =	spop (v2sf)  }
0x1f4: {  	v6 =	vadd.f32 $0.0e+00, v38;
	v2 =	vadd.f32 v39, v2;
	v52 =	vld [tilespmem:s30+$0x2210];
	s24 =	spop (v2sf)  }
0x1f5: {  	v5 =	vadd.f32 $0.0e+00, v37;
	v4 =	vadd.f32 v40, v4;
	v53 =	vld [tilespmem:s30+$0x2220];
	s24 =	sadd.f32 $9.999999930e-09, s24  }
0x1f6: {  	v3 =	vadd.f32 v3, v6;
	v2 =	vadd.f32 v42, v2;
	v23 =	vld [tilespmem:s30+$0x2230]  }
0x1f7: {  	v5 =	vadd.f32 v41, v5;
	v4 =	vadd.f32 v43, v4;
	v55 =	vld [tilespmem:s23+$0x2200];
	v54 =	vmov s24  }
0x1f8: {  	v3 =	vadd.f32 v45, v3;
	v2 =	vadd.f32 v46, v2;
	v56 =	vld [tilespmem:s23+$0x2210];
	(erf) = vrcp.f32 v54  }
0x1f9: {  	v5 =	vadd.f32 v44, v5;
	v4 =	vadd.f32 v47, v4;
	v57 =	vld [tilespmem:s23+$0x2220]  }
0x1fa: {  	v3 =	vadd.f32 v49, v3;
	v2 =	vadd.f32 v50, v2;
	v58 =	vld [tilespmem:s23+$0x2230]  }
0x1fb: {  	v5 =	vadd.f32 v48, v5;
	v4 =	vadd.f32 v51, v4;
	v59 =	vld [tilespmem:s31+$0x2200]  }
0x1fc: {  	v3 =	vadd.f32 v21, v3;
	v60 =	vld [tilespmem:s31+$0x2210];
	v2 =	vadd.f32 v22, v2  }
0x1fd: {  	v5 =	vadd.f32 v20, v5;
	v62 =	vld [tilespmem:s31+$0x2230];
	v4 =	vadd.f32 v52, v4  }
0x1fe: {  	v61 =	vld [tilespmem:s31+$0x2220];
	v3 =	vadd.f32 v23, v3;
	v2 =	vadd.f32 v55, v2  }
0x1ff: {  	v5 =	vadd.f32 v53, v5;
	v4 =	vadd.f32 v56, v4  }
0x200: {  	v3 =	vadd.f32 v58, v3;
	v2 =	vadd.f32 v59, v2  }
0x201: {  	s19 =	sadd.s32 $0x1, s19;
	v5 =	vadd.f32 v57, v5;
	v4 =	vadd.f32 v60, v4;
	v63 =	vpop (erf)  }
0x202: {  	p0 =	sne.s32 s19, $0x20;
	v3 =	vadd.f32 v62, v3;
	v2 =	vmul.f32 v2, v63  }
.Ltmp4:
0x203: {  	v5 =	vadd.f32 v61, v5;
	v4 =	vmul.f32 v4, v63;
	(pc) =	sbr.rel @p0 .LBB2_2-.Ltmp4, $4  }
0x204: {  	v3 =	vmul.f32 v3, v63;
	[tilespmem:s20+$0x5980] =	vst v2  }
0x205: {  	v2 =	vmul.f32 v5, v63;
	[tilespmem:s20+$0x5990] =	vst v4  }
0x206: {  	[tilespmem:s20+$0x59B0] =	vst v3  }
0x207: {  	[tilespmem:s20+$0x59A0] =	vst v2  }
0x208: {  	s18 =	sadd.s32 $0x1, s18  }
0x209: {  	p0 =	sne.s32 s18, s8  }
.Ltmp5:
0x20a: {  	_ = 	snop;
	(pc) =	sbr.rel @p0 .LBB2_1-.Ltmp5, $4  }
0x20b: {  	[hbm4b:s7+s2] =	stream.linear.scatter [tilespmem:s17], [sflag:$0x3], $0x4000, $0x38;
	[tilespmem:$0x9940] =	vst v63  }
0x20c: {  	_ =	swait.ge [sflag:s9], $0x4000  }
0x20d: {  	[sflag:s9] =	ssyncset.done $0x0  }
0x20e: {  	[sflag:s9] =	ssyncadd.s32 $0xFFFFC000  }
0x20f: {  	_ =	sfence.sel $0x180000  }
0x210: {  	[bflag:$0x0] =	sbarrier.arrive $0xFFFF  }
0x211: {  	p0 =	sne.s32 s0, $0x0;
	_ =	strace $0x90000047  }
0x212: {  	s0 =	sadd.s32 @!p0 $0x100000, s1;
	[bflag:$0x2] =	sbarrier.arrive $0xFFFF  }
0x213: {  	[sflag:s0] =	ssyncadd.tile.s32 @!p0 $0x1;
	_ =	shalt  }
.Lfunc_end2:
_tile_overlayer_lowered:
.L_overlay_start_2:
0x214: {  	(tag) =	ssettag $0x2  }
0x215: {  	s0 =	rddreg [dreg:$0x0];
	s2 =	stileid.u32  }
0x216: {  	s1 =	rddreg [dreg:$0x1];
	p0 =	sne.s32 s2, $0x0  }
0x217: {  	s3 =	rddreg [dreg:$0x2];
	[bflag:$0x3] =	sbarrier.arrive $0xFFFF;
	s2 =	simm.s32 @!p0 $0x1C03  }
0x218: {  	[timem:s3], [sflag:s2] =	dma.local @!p0 [hbm:s0], s1  }
0x219: {  	s0 =	simm.s32 @!p0 $0x3  }
0x21a: {  	_ =	swait.ge @!p0 [sflag:s0], s1  }
0x21b: {  	s1 =	ssub.s32 @!p0 $0x0, s1;
	[sflag:s0] =	ssyncset.done @!p0 $0x0  }
0x21c: {  	[sflag:s0] =	ssyncadd.s32 @!p0 s1  }
0x21d: {  	[bflag:$0x3] =	sbarrier.arrive $0xFFFF  }
0x21e: {  	_ =	shalt  }

// kernel: kernel.7.cloned.1.call-start
scs
__scs_entry_jumppad:
0x0: {  	(pc) =	sbr.rel $0x88, $3  }
0x1: {  	(tag) =	ssettag $0x0;
	lr =	simm.s32 $0x1  }
0x2: {  	[smem:$0x3F93] =	sst lr;
	_ =	strace $0xD0000000  }
0x3: {  	_ = 	snop  }
0x4: {  	_ = 	snop  }
0x5: {  	_ = 	snop  }
0x6: {  	_ = 	snop  }
0x7: {  	_ = 	snop  }
__scs_overlays_trampoline_lowered:
0x8: {  	[smem:$0x3FA2] =	sst s0  }
0x9: {  	[smem:$0x3FA3] =	sst s1  }
0xa: {  	[smem:$0x3FA4] =	sst s2  }
0xb: {  	[smem:$0x3FA5] =	sst s3  }
0xc: {  	[smem:$0x3FA6] =	sst s4  }
0xd: {  	[smem:$0x3FA7] =	sst s5  }
0xe: {  	[smem:$0x3FA8] =	sst s6  }
0xf: {  	[smem:$0x3FA9] =	sst s7  }
0x10: {  	[smem:$0x3FAA] =	sst s8  }
0x11: {  	[smem:$0x3FAB] =	sst s9;
	s0 =	simm.s32 @!p0 $0x0  }
0x12: {  	s1 =	sld [smem:$0x3F91];
	s0 =	simm.s32 @p0 $0x1  }
0x13: {  	[smem:$0x3FAC] =	sst s0;
	s0 =	simm.s32 @!p1 $0x0  }
0x14: {  	s2 =	sld [smem:$0x3F90];
	s0 =	simm.s32 @p1 $0x1  }
0x15: {  	[smem:$0x3FAD] =	sst s0;
	s0 =	simm.s32 @!p2 $0x0  }
0x16: {  	s3 =	sld [smem:$0x3FDB];
	s0 =	simm.s32 @p2 $0x1  }
0x17: {  	s4 =	simm.s32 $0x1BF5;
	[smem:$0x3FAF] =	sst s0  }
0x18: {  	s0 =	sld [smem:$0x3F92];
	_ =	swait.ge [sflag:s4], $0x0  }
0x19: {  	s7 =	sld [smem:$0x3F93]  }
0x1a: {  	s8 =	sadd.s32 $0xFFFFE003, lr  }
0x1b: {  	s9 =	sadd.s32 $0xFFFFFEF7, lr;
	s5 =	simm.s32 $0xFFFFFFFF;
	p2 =	slt.u32 s8, $0xFFFFF086  }
0x1c: {  	p1 =	slt.u32 s9, $0xF7A;
	s5 =	simm.s32 @!p2 $0x0  }
0x1d: {  	s5 =	simm.s32 @p1 $0x1;
	p0 =	seq.s32 s7, s2  }
0x1e: {  	s7 =	smul.u32 @!p0 $0xF7A, s2;
	p2 =	seq.s32 @!p0 s5, $0x0  }
0x1f: {  	s9 =	smul.u32 $0xF7A, s1;
	s8 =	simm.s32 @!p0 $0x1BF5;
	p2 =	por !p2, p0  }
0x20: {  	[sflag:s8] =	ssyncset.s32 @!p0 $0xFFFFF086;
	s6 =	sadd.s32 @!p0 s3, s7;
	s7 =	simm.s32 @!p0 $0x108  }
0x21: {  	s3 =	sadd.s32 s3, s9;
	s6 =	sadd.s32 @!p0 $0x88, s6;
	s7 =	simm.s32 @p2 $0x1082  }
0x22: {  	[simem:s7], [sflag:s8] =	dma.local @!p0 [hbm:s6], $0xF7A  }
0x23: {  	s9 =	sor.u32 $0xD0000000, s2;
	s6 =	simm.s32 $0x108;
	_ =	swait.ge @!p0 [sflag:s8], $0x0  }
0x24: {  	s3 =	sadd.s32 $0x88, s3;
	s6 =	simm.s32 @!p1 $0x1082;
	[sflag:s4] =	ssyncset.s32 $0xFFFFF086  }
0x25: {  	[simem:s6], [sflag:s4] =	dma.local [hbm:s3], $0xF7A  }
0x26: {  	[smem:$0x3F93] =	sst s1;
	(tag) =	ssettag s2;
	_ =	strace s9  }
0x27: {  	s1 =	sld [smem:$0x3FA3]  }
0x28: {  	s2 =	sld [smem:$0x3FA4]  }
0x29: {  	s4 =	sld [smem:$0x3FA6]  }
0x2a: {  	p0 =	seq.s32 s5, $0x0;
	s5 =	sld [smem:$0x3FA7]  }
0x2b: {  	s6 =	sld [smem:$0x3FA8]  }
0x2c: {  	s7 =	sld [smem:$0x3FA9]  }
0x2d: {  	s3 =	simm.s32 $0x108;
	s8 =	sld [smem:$0x3FAA]  }
0x2e: {  	s3 =	simm.s32 @!p0 $0x1082;
	s9 =	sld [smem:$0x3FAB]  }
0x2f: {  	lr =	sadd.s32 s0, s3;
	s0 =	sld [smem:$0x3FA2]  }
0x30: {  	s3 =	sld [smem:$0x3FA5]  }
0x31: {  	[smem:$0x3FAE] =	sst s10  }
0x32: {  	s10 =	sld [smem:$0x3FAC];
	_ =	sdelay $0x3  }
0x33: {  	p0 =	seq.s32 s10, $0x1;
	s10 =	sld [smem:$0x3FAE];
	_ =	sdelay $0x3  }
0x34: {  	[smem:$0x3FAE] =	sst s10  }
0x35: {  	s10 =	sld [smem:$0x3FAD];
	_ =	sdelay $0x3  }
0x36: {  	p1 =	seq.s32 s10, $0x1;
	s10 =	sld [smem:$0x3FAE];
	_ =	sdelay $0x3  }
0x37: {  	[smem:$0x3FAE] =	sst s10  }
0x38: {  	s10 =	sld [smem:$0x3FAF]  }
0x39: {  	_ = 	snop;
	(pc) =	sbr.ind lr, $3  }
0x3a: {  	_ = 	snop  }
0x3b: {  	_ = 	snop  }
0x3c: {  	p2 =	seq.s32 s10, $0x1;
	s10 =	sld [smem:$0x3FAE]  }
0x3d: {  	_ =	shalt  }
0x3e: {  	_ =	shalt  }
0x3f: {  	_ =	shalt  }
0x40: {  	_ =	shalt  }
0x41: {  	_ =	shalt  }
0x42: {  	_ =	shalt  }
0x43: {  	_ =	shalt  }
0x44: {  	_ =	shalt  }
0x45: {  	_ =	shalt  }
0x46: {  	_ =	shalt  }
0x47: {  	_ =	shalt  }
0x48: {  	_ =	shalt  }
0x49: {  	_ =	shalt  }
0x4a: {  	_ =	shalt  }
0x4b: {  	_ =	shalt  }
0x4c: {  	_ =	shalt  }
0x4d: {  	_ =	shalt  }
0x4e: {  	_ =	shalt  }
0x4f: {  	_ =	shalt  }
0x50: {  	_ =	shalt  }
0x51: {  	_ =	shalt  }
0x52: {  	_ =	shalt  }
0x53: {  	_ =	shalt  }
0x54: {  	_ =	shalt  }
0x55: {  	_ =	shalt  }
0x56: {  	_ =	shalt  }
0x57: {  	_ =	shalt  }
0x58: {  	_ =	shalt  }
0x59: {  	_ =	shalt  }
0x5a: {  	_ =	shalt  }
0x5b: {  	_ =	shalt  }
0x5c: {  	_ =	shalt  }
0x5d: {  	_ =	shalt  }
0x5e: {  	_ =	shalt  }
0x5f: {  	_ =	shalt  }
0x60: {  	_ =	shalt  }
0x61: {  	_ =	shalt  }
0x62: {  	_ =	shalt  }
0x63: {  	_ =	shalt  }
0x64: {  	_ =	shalt  }
0x65: {  	_ =	shalt  }
0x66: {  	_ =	shalt  }
0x67: {  	_ =	shalt  }
0x68: {  	_ =	shalt  }
0x69: {  	_ =	shalt  }
0x6a: {  	_ =	shalt  }
0x6b: {  	_ =	shalt  }
0x6c: {  	_ =	shalt  }
0x6d: {  	_ =	shalt  }
0x6e: {  	_ =	shalt  }
0x6f: {  	_ =	shalt  }
0x70: {  	_ =	shalt  }
0x71: {  	_ =	shalt  }
0x72: {  	_ =	shalt  }
0x73: {  	_ =	shalt  }
0x74: {  	_ =	shalt  }
0x75: {  	_ =	shalt  }
0x76: {  	_ =	shalt  }
0x77: {  	_ =	shalt  }
0x78: {  	_ =	shalt  }
0x79: {  	_ =	shalt  }
0x7a: {  	_ =	shalt  }
0x7b: {  	_ =	shalt  }
0x7c: {  	_ =	shalt  }
0x7d: {  	_ =	shalt  }
0x7e: {  	_ =	shalt  }
0x7f: {  	_ =	shalt  }
0x80: {  	_ =	shalt  }
0x81: {  	_ =	shalt  }
0x82: {  	_ =	shalt  }
0x83: {  	_ =	shalt  }
0x84: {  	_ =	shalt  }
0x85: {  	_ =	shalt  }
0x86: {  	_ =	shalt  }
0x87: {  	_ =	shalt  }
.Lfunc_end0:
.L_simem_size_0:
called_computation_lowered:
.L_overlay_start_0:
0x88: {  	s2 =	sld [smem:$0x3FD9]  }
0x89: {  	s3 =	sld [smem:$0x3FFE];
	_ =	sdelay $0x1  }
0x8a: {  	s1 =	srdreg.scid  }
0x8b: {  	s0 =	sand.u32 $0x1, s1  }
0x8c: {  	s17 =	sshll.u32 s0, $0xA;
	s2 =	sadd.s32 s3, s2  }
0x8d: {  	s2 =	sadd.s32 s2, s17  }
0x8e: {  	[smem:$0x3FBA] =	sst s2  }
0x8f: {  	_ = 	snop  }
0x90: {  	s18 =	sld [smem:$0x3FC9];
	(tm) =	ssettm $0x1  }
0x91: {  	s19 =	sld [smem:$0x3FFB];
	_ =	sdelay $0x3  }
0x92: {  	_ =	strace s19  }
0x93: {  	s2 =	sld [smem:$0x3FFC];
	_ =	sdelay $0x3  }
0x94: {  	_ =	strace s2  }
0x95: {  	s2 =	sld [smem:$0x3FFD];
	_ =	sdelay $0x3  }
0x96: {  	_ =	strace s2  }
0x97: {  	_ =	strace $0x8FFFFFFF  }
0x98: {  	s20 =	sld [smem:$0x3FDB];
	_ =	sdelay $0x1  }
0x99: {  	s4 =	simm.s32 $_scs_section_size  }
0x9a: {  	s5 =	simm.s32 $_size__tile_overlayer_lowered;
	s6 =	simm.s32 $_tile_overlayer_lowered  }
0x9b: {  	s7 =	simm.s32 $0x1BFF;
	s21 =	sshll.u32 s6, $0x1;
	s4 =	sadd.s32 s4, s20  }
0x9c: {  	s22 =	simm.s32 $0x0;
	s5 =	sshll.u32 s5, $0x1;
	s6 =	sadd.s32 s21, s4  }
0x9d: {  	[timem:s22], [sflag:s7] =	dma.local [hbm:s6], s5  }
0x9e: {  	_ =	swait.ge [sflag:s7], s5  }
0x9f: {  	s5 =	ssub.s32 $0x0, s5;
	[sflag:s7] =	ssyncset.done $0x0  }
0xa0: {  	[sflag:s7] =	ssyncadd.s32 s5;
	_ =	sdelay $0x1  }
0xa1: {  	s23 =	simm.s32 $0x1B8B  }
0xa2: {  	_ =	swait.ge [sflag:s23], $0x1  }
0xa3: {  	[sflag:s23] =	ssyncset.done $0x0  }
0xa4: {  	[sflag:s23] =	ssyncadd.s32 $0xFFFFFFFF  }
0xa5: {  	s5 =	sld [smem:$0x0]  }
0xa6: {  	s6 =	sand.u32 $0xFFFFFFFE, s1  }
0xa7: {  	p0 =	sne.s32 s1, s6  }
0xa8: {  	s6 =	sshll.u32 @p0 s6, $0xE  }
0xa9: {  	s6 =	sadd.s32 @p0 $0x11B8D, s6;
	s7 =	sshll.u32 @p0 s5, $0x11  }
0xaa: {  	s6 =	sor.u32 @p0 s7, s6  }
0xab: {  	[sflag:s6] =	ssyncadd.remote.s32 @p0 $0x1;
	_ =	sdelay $0x1  }
0xac: {  	s6 =	simm.s32 @p0 $0x1B8D  }
0xad: {  	_ =	swait.eq @p0 [sflag:s6], $0x1  }
0xae: {  	[sflag:s6] =	ssyncadd.s32 @p0 $0xFFFFFFFF  }
0xaf: {  	s7 =	sshll.u32 @!p0 s1, $0xE  }
0xb0: {  	s7 =	sor.u32 @!p0 $0x4000, s7;
	s6 =	simm.s32 @!p0 $0x1B8D  }
0xb1: {  	s5 =	sshll.u32 @!p0 s5, $0x11;
	s7 =	sadd.s32 @!p0 $0x11B8D, s7;
	_ =	swait.eq @!p0 [sflag:s6], $0x1  }
0xb2: {  	s5 =	sor.u32 @!p0 s5, s7;
	[sflag:s6] =	ssyncadd.s32 @!p0 $0xFFFFFFFF  }
0xb3: {  	s25 =	simm.s32 $0x1B8E;
	s24 =	sld [smem:$0x3FFE];
	[sflag:s5] =	ssyncadd.remote.s32 @!p0 $0x1  }
0xb4: {  	s26 =	simm.s32 $execute0_lowered;
	[smem:$0x3FD2] =	sst s25  }
0xb5: {  	s6 =	sshll.u32 s26, $0x1;
	_ =	strace $0x80000049;
	[dreg:$0x1] =	wrdreg $0xFFFFFFFF  }
0xb6: {  	s28 =	simm.s32 $_size_execute0_lowered;
	s4 =	sadd.s32 s4, s6;
	[dreg:$0x0] =	wrdreg $0x0  }
0xb7: {  	s6 =	sshll.u32 s28, $0x1;
	[dreg:$0x2] =	wrdreg s4  }
0xb8: {  	[dreg:$0x3] =	wrdreg s6  }
0xb9: {  	[dreg:$0x4] =	wrdreg $0xC0  }
0xba: {  	_ =	task [dreg:s22], $0x5FFFF  }
0xbb: {  	[dreg:$0x1] =	wrdreg $0xFFFFFFFF  }
0xbc: {  	[dreg:$0x0] =	wrdreg $0x60  }
0xbd: {  	[dreg:$0x2] =	wrdreg s18  }
0xbe: {  	[dreg:$0x3] =	wrdreg s24  }
0xbf: {  	[dreg:$0x4] =	wrdreg $0x9  }
0xc0: {  	_ =	task.clear_ibuf [dreg:s22], $0x5FFFF;
	_ =	strace $0x90000049  }
0xc1: {  	s29 =	simm.s32 $0x9;
	_ =	strace $0x8000004B  }
0xc2: {  	_ =	swait.ge [sflag:s29], $0x1  }
0xc3: {  	[sflag:s29] =	ssyncadd.s32 $0xFFFFFFFF  }
0xc4: {  	_ =	strace $0x9000004B  }
0xc5: {  	_ =	sfence  }
0xc6: {  	s30 =	sld [smem:$0x0];
	_ =	sdelay $0x2  }
0xc7: {  	s31 =	sshll.u32 s1, $0xD;
	s1 =	sshrl.u32 s1, $0x2  }
0xc8: {  	s4 =	sand.u32 $0x4000, s31;
	s1 =	sadd.s32 s1, s30  }
0xc9: {  	s0 =	sor.u32 s4, s0;
	s1 =	sshll.u32 s1, $0x11  }
0xca: {  	s0 =	sor.u32 s1, s0  }
0xcb: {  	s0 =	sadd.s32 $0x8F2B, s0  }
0xcc: {  	[sflag:s0] =	ssyncadd.remote.s32 $0x1  }
0xcd: {  	_ =	sfence.sel $0xFFFF  }
0xce: {  	[dreg:$0x0] =	wrdreg $0xFFFFFFFF;
	(pc) =	sbr.abs _section_cstart, $3  }
0xcf: {  	[dreg:$0x1] =	wrdreg $0xFFFFFFFF  }
0xd0: {  	_ =	task.clear_ibuf [dreg:s22], $0x2FFFF;
	_ =	strace $0x9FFFFFFF  }
0xd1: {  	(tm) =	ssettm $0x7FFFFFFF  }
tec
execute0_lowered:
.L_overlay_start_1:
0x0: {  	(tag) =	ssettag $0x1  }
0x1: {  	s1 =	srdreg.scid  }
0x2: {  	s3 =	rddreg [dreg:$0x0];
	s0 =	stileid.u32  }
0x3: {  	s8 =	rddreg [dreg:$0x1];
	s2 =	simm.s32 $0x0;
	s6 =	sand.u32 $0x1, s1  }
0x4: {  	s4 =	sshll.u32 s0, $0x8;
	s1 =	rddreg [dreg:$0x2];
	s5 =	sshll.u32 s6, $0x7  }
0x5: {  	s7 =	simm.s32 $0x1;
	[smem:$0x7FF] =	sst s2;
	s9 =	sor.u32 s5, s4  }
0x6: {  	_ =	strace $0x8000004A;
	s10 =	ssub.s32 $0x2, s6;
	s4 =	sshrl.u32 s9, $0x3  }
0x7: {  	s6 =	simm.s32 $0x80;
	s4 =	sadd.s32 s3, s4;
	s3 =	simm.s32 $0x2  }
0x8: {  	[tilespmem:s2], [sflag:$0x2] =	stream.linear.gather [hbm4b:s4+s2], $0x80, $0x38;
	[tilespmem:$0x4080] =	vst v63  }
0x9: {  	s5 =	sadd.s32 $0x1B4400, s8;
	s11 =	sshrl.u32 s10, $0x1;
	_ =	swait.ge [sflag:s3], $0x80  }
0xa: {  	s9 =	sshll.u32 s9, $0x4;
	s31 =	ssub.s32 s10, s11;
	[sflag:s3] =	ssyncset.done $0x0  }
0xb: {  	s8 =	sadd.s32 s9, s8;
	s9 =	smax.u32 s31, $0x1;
	[sflag:s3] =	ssyncadd.s32 $0xFFFFFF80  }
0xc: {  	[tilespmem:s6], [sflag:$0x1] =	stream.indirect.gather [hbm4b:s5+s6], $0x80, s2, s6, $0xb8;
	[tilespmem:$0x4080] =	vst v63  }
0xd: {  	p0 =	sne.s32 s9, $0x1;
	_ =	swait.ge [sflag:s7], $0x4000  }
.Ltmp0:
0xe: {  	[sflag:s7] =	ssyncset.done $0x0;
	(pc) =	sbr.rel @!p0 .LBB2_2-.Ltmp0, $4  }
0xf: {  	s8 =	sadd.s32 $0x354400, s8;
	[sflag:s7] =	ssyncadd.s32 $0xFFFFC000  }
0x10: {  	[hbm4b:s8+s2] =	stream.linear.scatter [tilespmem:s6], [sflag:$0x2], $0x4000, $0x38;
	[tilespmem:$0x4080] =	vst v63  }
0x11: {  	_ =	swait.ge [sflag:s3], $0x4000  }
0x12: {  	s9 =	sadd.s32 $0xFFFFFFFF, s9;
	[sflag:s3] =	ssyncset.done $0x0  }
.LBB2_1:
0x13: {  	p0 =	sne.s32 s9, $0x1;
	s9 =	sadd.s32 $0xFFFFFFFF, s9;
	[sflag:s3] =	ssyncadd.s32 $0xFFFFC000  }
0x14: {  	[tilespmem:s2], [sflag:$0x2] =	stream.linear.gather [hbm4b:s4+s2], $0x80, $0x38;
	[tilespmem:$0x4080] =	vst v63  }
0x15: {  	_ =	swait.ge [sflag:s3], $0x80  }
0x16: {  	[sflag:s3] =	ssyncset.done $0x0  }
0x17: {  	[sflag:s3] =	ssyncadd.s32 $0xFFFFFF80  }
0x18: {  	[tilespmem:s6], [sflag:$0x1] =	stream.indirect.gather [hbm4b:s5+s6], $0x80, s2, s6, $0xb8;
	[tilespmem:$0x4080] =	vst v63  }
0x19: {  	_ =	swait.ge [sflag:s7], $0x4000  }
.Ltmp1:
0x1a: {  	[sflag:s7] =	ssyncset.done $0x0;
	(pc) =	sbr.rel @p0 .LBB2_1-.Ltmp1, $4  }
0x1b: {  	[sflag:s7] =	ssyncadd.s32 $0xFFFFC000  }
0x1c: {  	[hbm4b:s8+s2] =	stream.linear.scatter [tilespmem:s6], [sflag:$0x2], $0x4000, $0x38;
	[tilespmem:$0x4080] =	vst v63  }
0x1d: {  	_ =	swait.ge [sflag:s3], $0x4000  }
0x1e: {  	[sflag:s3] =	ssyncset.done $0x0  }
.LBB2_2:
0x1f: {  	[sflag:s3] =	ssyncadd.s32 $0xFFFFC000  }
0x20: {  	_ =	sfence.sel $0x180000  }
0x21: {  	[bflag:$0x0] =	sbarrier.arrive $0xFFFF  }
0x22: {  	p0 =	sne.s32 s0, $0x0;
	_ =	strace $0x9000004A  }
0x23: {  	s0 =	sadd.s32 @!p0 $0x100000, s1;
	[bflag:$0x2] =	sbarrier.arrive $0xFFFF  }
0x24: {  	[sflag:s0] =	ssyncadd.tile.s32 @!p0 $0x1;
	_ =	shalt  }
.Lfunc_end2:
_tile_overlayer_lowered:
.L_overlay_start_2:
0x25: {  	(tag) =	ssettag $0x2  }
0x26: {  	s0 =	rddreg [dreg:$0x0];
	s2 =	stileid.u32  }
0x27: {  	s1 =	rddreg [dreg:$0x1];
	p0 =	sne.s32 s2, $0x0  }
0x28: {  	s3 =	rddreg [dreg:$0x2];
	[bflag:$0x3] =	sbarrier.arrive $0xFFFF;
	s2 =	simm.s32 @!p0 $0x1C02  }
0x29: {  	[timem:s3], [sflag:s2] =	dma.local @!p0 [hbm:s0], s1  }
0x2a: {  	s0 =	simm.s32 @!p0 $0x2  }
0x2b: {  	_ =	swait.ge @!p0 [sflag:s0], s1  }
0x2c: {  	s1 =	ssub.s32 @!p0 $0x0, s1;
	[sflag:s0] =	ssyncset.done @!p0 $0x0  }
0x2d: {  	[sflag:s0] =	ssyncadd.s32 @!p0 s1  }
0x2e: {  	[bflag:$0x3] =	sbarrier.arrive $0xFFFF  }
0x2f: {  	_ =	shalt  }

</sc_bundles>
